<compile_context>
chip_gen: v7x
topology: tpu7x:2x2x1
jax: 0.10.2.dev20260603
libtpu: 0.0.44.dev20260713+nightly
codegen_flags: <defaults>
</compile_context>

<pallas_src>
import functools

import jax
import jax.numpy as jnp
from jax import lax
from jax.experimental import pallas as pl
from jax.experimental.pallas import tpu as pltpu
from jax.experimental.pallas import tpu_sc as plsc



def _sc_interference(psi_flat, knn_nat, crd_flat, dem_nat, act_pad,
                     d_dim, k_dim):
    mb, dn = psi_flat.shape
    n_nodes = dn // d_dim
    ap = act_pad.shape[1]
    n_workers = 32
    b_per = mb // n_workers
    groups = n_nodes // 16

    mesh = plsc.VectorSubcoreMesh(core_axis_name="c", subcore_axis_name="s")

    @functools.partial(
        pl.kernel,
        mesh=mesh,
        out_type=(jax.ShapeDtypeStruct((mb, n_nodes), jnp.float32),
                  jax.ShapeDtypeStruct((mb, n_nodes), jnp.float32),
                  jax.ShapeDtypeStruct((mb, ap * 8), jnp.float32)),
        scratch_types=[
            [pltpu.VMEM((dn,), jnp.float32) for _ in range(b_per)],
            [pltpu.VMEM((n_nodes * k_dim,), jnp.int32) for _ in range(b_per)],
            pltpu.VMEM((n_nodes * k_dim,), jnp.int32),
            pltpu.VMEM((n_nodes,), jnp.float32),
            pltpu.VMEM((2 * n_nodes,), jnp.float32),
            pltpu.VMEM((n_nodes,), jnp.float32),
            pltpu.VMEM((ap,), jnp.int32),
            pltpu.VMEM((n_nodes,), jnp.float32),
            pltpu.VMEM((ap * 8,), jnp.float32),
            [pltpu.SemaphoreType.DMA for _ in range(2 * b_per)],
        ],
        compiler_params=pltpu.CompilerParams(needs_layout_passes=False),
    )
    def sc_kernel(psi_hbm, knn_hbm, crd_hbm, dem_hbm, act_hbm,
                  inf_hbm, fv_hbm, av_hbm,
                  psi_vs, knn_vs, knt_v, inf_v, crd_v, dem_v, act_v, fv_v,
                  av_v, sems):
        wid = lax.axis_index("c") * 16 + lax.axis_index("s")
        lane16 = lax.iota(jnp.int32, 16)
        lane_k = lane16 * k_dim
        lane_8 = lane16 * 8
        big = jnp.full((16,), 1e9, jnp.float32)
        copies = []
        for j in range(b_per):
            b = wid * b_per + j
            copies.append(pltpu.async_copy(psi_hbm.at[b], psi_vs[j],
                                           sems[2 * j]))
            copies.append(pltpu.async_copy(knn_hbm.at[b], knn_vs[j],
                                           sems[2 * j + 1]))
        for j in range(b_per):
            b = wid * b_per + j
            copies[2 * j].wait()
            copies[2 * j + 1].wait()
            psi_v = psi_vs[j]
            knn_v = knn_vs[j]
            pltpu.sync_copy(crd_hbm.at[b], crd_v)
            pltpu.sync_copy(dem_hbm.at[b], dem_v)
            pltpu.sync_copy(act_hbm.at[b], act_v)

            def tbody(i, carry):
                base = i * 16
                for kk in range(k_dim):
                    g = plsc.load_gather(knn_v, [lane_k + (base * k_dim + kk)])
                    knt_v[pl.ds(kk * n_nodes + base, 16)] = g
                fv_v[pl.ds(base, 16)] = big
                return carry

            lax.fori_loop(0, groups, tbody, 0)

            def body(i, carry):
                base = i * 16
                own = [psi_v[pl.ds(d * n_nodes + base, 16)]
                       for d in range(d_dim)]
                acc = jnp.zeros((16,), jnp.float32)
                for kk in range(k_dim):
                    idx = knt_v[pl.ds(kk * n_nodes + base, 16)]
                    for d in range(d_dim):
                        g = plsc.load_gather(psi_v, [idx + (d * n_nodes)])
                        acc = acc + own[d] * g
                inf_v[pl.ds(base, 16)] = acc
                return carry

            lax.fori_loop(0, groups, body, 0)

            act_vecs = [act_v[pl.ds(v * 16, 16)] for v in range(ap // 16)]
            for t in range(ap - 17, -1, -1):
                plsc.store_scatter(fv_v, [act_vecs[t // 16]],
                                   jnp.full((16,), float(t), jnp.float32),
                                   mask=lane16 == (t % 16))

            for v in range(ap // 16):
                idxv = act_vecs[v]
                cols = [plsc.load_gather(psi_v, [idxv + (d * n_nodes)])
                        for d in range(d_dim)]
                cols.append(plsc.load_gather(crd_v, [idxv]))
                cols.append(plsc.load_gather(crd_v, [idxv + n_nodes]))
                cols.append(plsc.load_gather(dem_v, [idxv]))
                cols.append(plsc.load_gather(inf_v, [idxv]))
                for c, g in enumerate(cols):
                    plsc.store_scatter(av_v, [lane_8 + (v * 128 + c)], g)

            pltpu.sync_copy(inf_v, inf_hbm.at[b])
            pltpu.sync_copy(fv_v, fv_hbm.at[b])
            pltpu.sync_copy(av_v, av_hbm.at[b])

    return sc_kernel(psi_flat, knn_nat, crd_flat, dem_nat, act_pad)



_NT = (((1,), (1,)), ((), ()))


def _tc_body(scal_ref, act_ref, psi_ref, crd_ref, dem_ref, inf_ref, fv_ref,
             av_ref, wq_ref, wqb_ref, lp_ref, ent_ref):
    for bb in range(act_ref.shape[0]):
        _tc_one(scal_ref, act_ref[bb], psi_ref[bb], crd_ref[bb], dem_ref[bb],
                inf_ref[bb], fv_ref[bb], av_ref[bb], wq_ref[...], wqb_ref[...],
                lp_ref, ent_ref, bb)


def _tc_one(scal_ref, act, psig, crd, dem, inf, fv, av48, wq, wqb,
            lp_ref, ent_ref, bb):
    lam = scal_ref[0, 0]
    mu = scal_ref[0, 1]
    nu = scal_ref[0, 2]
    cap = scal_ref[0, 3]

    t_dim, _ = act.shape
    n_nodes = psig.shape[1]
    d_dim = psig.shape[0]
    f32 = jnp.float32

    iota_n = lax.broadcasted_iota(jnp.int32, (t_dim, n_nodes), 1)
    iota_t = lax.broadcasted_iota(jnp.int32, (t_dim, 1), 0)
    t_f = iota_t.astype(f32)

    all_cur = jnp.concatenate([jnp.zeros((1, 1), jnp.int32), act[:-1]], axis=0)
    at_depot = all_cur == 0

    av = av48[0:t_dim]
    gv = jnp.concatenate([av48[t_dim:t_dim + 1], av[:-1]], axis=0)
    psi_cur_raw = gv[:, 0:d_dim]
    qxy = gv[:, d_dim:d_dim + 2]
    dem_t = av[:, d_dim + 2:d_dim + 3]

    tt = lax.broadcasted_iota(jnp.int32, (t_dim, t_dim), 0)
    ss = lax.broadcasted_iota(jnp.int32, (t_dim, t_dim), 1)
    eye = tt == ss
    dem_row = jnp.sum(jnp.where(eye, dem_t, 0.0), axis=0, keepdims=True)
    c_row = jnp.sum(jnp.where(tt < ss, dem_t, 0.0), axis=0, keepdims=True)
    c_col = jnp.sum(jnp.where(ss < tt, dem_row, 0.0), axis=1, keepdims=True)
    zpos = jnp.where(act == 0, iota_t + 1, 0)
    zpos_row = jnp.sum(jnp.where(eye, zpos, 0), axis=0, keepdims=True)
    reset = jnp.max(jnp.where(ss < tt, zpos_row, 0), axis=1, keepdims=True)
    c_at_reset = jnp.sum(jnp.where(ss == reset, c_row, 0.0), axis=1,
                         keepdims=True)
    used = c_col - c_at_reset
    remaining = cap - used
    cap_norm = remaining / jnp.maximum(cap, 1e-8)

    visf = jnp.where(fv < t_f, 1.0, 0.0).astype(f32)
    mask0f = jnp.where(at_depot, 1.0, 0.0).astype(f32)
    maskf = jnp.where(iota_n == 0, mask0f, visf)

    psi_cur = jnp.where(at_depot, 0.0, psi_cur_raw)
    t_norm = t_f / float(max(n_nodes - 1, 1))
    ctx = jnp.concatenate([psi_cur, cap_norm, t_norm, qxy], axis=1)
    query = lax.dot_general(ctx, wq, _NT, precision=lax.Precision.HIGHEST) + wqb

    base_row = lam * inf + (nu / jnp.maximum(cap, 1e-8)) * dem
    terms = [query[:, d:d + 1] * psig[d:d + 1, :] for d in range(d_dim)]
    while len(terms) > 1:
        terms = [terms[i] + terms[i + 1] for i in range(0, len(terms) - 1, 2)] \
            + ([terms[-1]] if len(terms) % 2 else [])
    dx = crd[0:1, :] - qxy[:, 0:1]
    dy = crd[1:2, :] - qxy[:, 1:2]
    sq = dx * dx + dy * dy
    mudist = jnp.sqrt(jnp.maximum((mu * mu) * sq, 1e-30))
    s = (terms[0] + base_row) - mudist
    s = jnp.where(maskf > 0.0, -1e9, s)

    m = jnp.max(s, axis=1, keepdims=True)
    z = s - m
    e = jnp.exp(z)
    tot = jnp.sum(e, axis=1, keepdims=True)
    lse = jnp.log(tot)
    ez = jnp.sum(e * z, axis=1, keepdims=True)
    ent_t = lse - ez / tot
    ent_ref[bb] = jnp.mean(ent_t, axis=0, keepdims=True)

    psi_act = av[:, 0:d_dim]
    axy = av[:, d_dim:d_dim + 2]
    dem_act = av[:, d_dim + 2:d_dim + 3]
    inf_act = av[:, d_dim + 3:d_dim + 4]
    s_act = jnp.sum(query * psi_act, axis=1, keepdims=True)
    ddx = axy[:, 0:1] - qxy[:, 0:1]
    ddy = axy[:, 1:2] - qxy[:, 1:2]
    mud_act = jnp.sqrt(jnp.maximum((mu * mu) * (ddx * ddx + ddy * ddy), 1e-30))
    s_act = (s_act + lam * inf_act + (nu / jnp.maximum(cap, 1e-8)) * dem_act
             - mud_act)
    act_row = jnp.sum(jnp.where(eye, act, 0), axis=0, keepdims=True)
    dupf = jnp.max(jnp.where((act_row == act) & (ss < tt), 1.0, 0.0),
                   axis=1, keepdims=True).astype(f32)
    act_masked_f = jnp.where(act == 0, mask0f, dupf)
    s_pick = jnp.where(act_masked_f > 0.0, -1e9, s_act)
    lp_ref[bb] = s_pick - m - lse


def _run_tc(scal, act_r, psi_t, crd_t, dem_r, inf_r, fv_r, av_r, wq, wqb_r):
    mb, t_dim, _ = act_r.shape
    d_dim, n_nodes = psi_t.shape[1], psi_t.shape[2]
    ap = av_r.shape[1]
    ctx_dim = wq.shape[1]
    bpb = 1
    return pl.pallas_call(
        _tc_body,
        grid=(mb // bpb,),
        in_specs=[
            pl.BlockSpec(memory_space=pltpu.SMEM),
            pl.BlockSpec((bpb, t_dim, 1), lambda b: (b, 0, 0)),
            pl.BlockSpec((bpb, d_dim, n_nodes), lambda b: (b, 0, 0)),
            pl.BlockSpec((bpb, 2, n_nodes), lambda b: (b, 0, 0)),
            pl.BlockSpec((bpb, 1, n_nodes), lambda b: (b, 0, 0)),
            pl.BlockSpec((bpb, 1, n_nodes), lambda b: (b, 0, 0)),
            pl.BlockSpec((bpb, 1, n_nodes), lambda b: (b, 0, 0)),
            pl.BlockSpec((bpb, ap, 8), lambda b: (b, 0, 0)),
            pl.BlockSpec((d_dim, ctx_dim), lambda b: (0, 0)),
            pl.BlockSpec((1, d_dim), lambda b: (0, 0)),
        ],
        out_specs=[
            pl.BlockSpec((bpb, t_dim, 1), lambda b: (b, 0, 0)),
            pl.BlockSpec((bpb, 1, 1), lambda b: (b, 0, 0)),
        ],
        out_shape=[
            jax.ShapeDtypeStruct((mb, t_dim, 1), jnp.float32),
            jax.ShapeDtypeStruct((mb, 1, 1), jnp.float32),
        ],
    )(scal, act_r, psi_t, crd_t, dem_r, inf_r, fv_r, av_r, wq, wqb_r)


def kernel(actions, psi_prime, knn_indices, demands, coords, capacity,
           Wq_w, Wq_b, lambda_param, mu_param, nu_param):
    mb, t_dim = actions.shape
    n_nodes = psi_prime.shape[1]

    psi_t = jnp.transpose(psi_prime, (0, 2, 1))
    d_dim = psi_prime.shape[2]
    k_dim = knn_indices.shape[2]
    psi_flat = psi_t.reshape(mb, -1)
    knn_flat = knn_indices.astype(jnp.int32).reshape(mb, -1)

    crd_t = jnp.transpose(coords, (0, 2, 1))
    act_r = actions.astype(jnp.int32).reshape(mb, t_dim, 1)
    dem_r = demands.reshape(mb, 1, n_nodes)

    cap_f = jnp.asarray(capacity, jnp.float32)
    lam = jnp.clip(jnp.asarray(lambda_param, jnp.float32), -2.0, 3.0)
    mu = jnp.clip(jnp.asarray(mu_param, jnp.float32), 0.0, 20.0)
    nu = jnp.clip(jnp.asarray(nu_param, jnp.float32), -2.0, 3.0)
    scal = jnp.stack([lam, mu, nu, cap_f]).reshape(1, 4)
    wqb_r = Wq_b.reshape(1, -1)

    ap = 48
    act_pad = jnp.pad(act_r.reshape(mb, t_dim), ((0, 0), (0, ap - t_dim)))
    crd_flat = crd_t.reshape(mb, -1)

    h = mb // 2
    lps, ents = [], []
    scs = [_sc_interference(psi_flat[i * h:(i + 1) * h],
                            knn_flat[i * h:(i + 1) * h],
                            crd_flat[i * h:(i + 1) * h],
                            demands[i * h:(i + 1) * h],
                            act_pad[i * h:(i + 1) * h], d_dim, k_dim)
           for i in range(2)]
    for i in range(2):
        sl = slice(i * h, (i + 1) * h)
        inf_i, fv_i, av_i = scs[i]
        lp3, ent3 = _run_tc(scal, act_r[sl], psi_t[sl], crd_t[sl],
                            dem_r[sl], inf_i.reshape(h, 1, n_nodes),
                            fv_i.reshape(h, 1, n_nodes),
                            av_i.reshape(h, ap, 8), Wq_w, wqb_r)
        lps.append(lp3)
        ents.append(ent3)
    lp = jnp.concatenate(lps, axis=0).reshape(mb, t_dim)
    ent = jnp.concatenate(ents, axis=0).reshape(mb)
    return lp, ent

# --- scband reference (transcript-rebuilt; emitter-appended) ---
"""Pipeline reference for scband-qappolicy-40475771798065 (READ-ONLY COPY).

The authoritative reference and input builder live on the scoring server;
editing this copy changes nothing except your own understanding.
"""

import jax, jax.numpy as jnp
import numpy as np

MB = 64
T = 32
NP1 = 4096
D = 4
K = 5
CTX = D + 4

def setup_inputs(seed: int = 0):
    key = jax.random.key(seed)
    ks = jax.random.split(key, 8)
    actions = jax.random.randint(ks[0], (MB, T), 0, NP1)
    psi_prime = jax.random.normal(ks[1], (MB, NP1, D), dtype=jnp.float32)
    knn_indices = jax.random.randint(ks[2], (MB, NP1, K), 0, NP1)
    demands = jax.random.uniform(ks[3], (MB, NP1), dtype=jnp.float32)
    demands = demands.at[:, 0].set(0.0)
    coords = jax.random.uniform(ks[4], (MB, NP1, 2), dtype=jnp.float32)
    Wq_w = jax.random.normal(ks[5], (D, CTX), dtype=jnp.float32) * 0.1
    Wq_b = jnp.zeros((D,), dtype=jnp.float32)
    lambda_param = jnp.asarray(0.1, dtype=jnp.float32)
    mu_param = jnp.asarray(0.5, dtype=jnp.float32)
    nu_param = jnp.asarray(0.5, dtype=jnp.float32)
    return {'actions': actions, 'psi_prime': psi_prime, 'knn_indices': knn_indices, 'demands': demands, 'coords': coords, 'capacity': 50, 'Wq_w': Wq_w, 'Wq_b': Wq_b, 'lambda_param': lambda_param, 'mu_param': mu_param, 'nu_param': nu_param}

def reference(actions, psi_prime, knn_indices, demands, coords, capacity, Wq_w, Wq_b, lambda_param, mu_param, nu_param):
    mb, T_ = actions.shape
    n_customers = psi_prime.shape[1] - 1
    cur = jnp.zeros((mb,), dtype=jnp.int32)
    used = jnp.zeros((mb,), dtype=jnp.float32)
    vis = jnp.zeros((mb, n_customers + 1), dtype=bool)
    all_cur_l, all_used_l, all_vis_l = [], [], []
    for t in range(T_):
        all_cur_l.append(cur)
        all_used_l.append(used)
        all_vis_l.append(vis)
        if t < T_ - 1:
            act_t = actions[:, t]
            at_depot = act_t == 0
            dem_t = jnp.take_along_axis(demands, act_t[:, None], axis=1)[:, 0]
            used = jnp.where(at_depot, 0.0, used + dem_t)
            vis = vis.at[jnp.arange(mb), act_t].set(True)
            vis = vis.at[:, 0].set(False)
            cur = act_t.astype(jnp.int32)
    all_cur = jnp.stack(all_cur_l, axis=1)
    all_used = jnp.stack(all_used_l, axis=1)
    all_vis = jnp.stack(all_vis_l, axis=1)
    cap_float = jnp.asarray(capacity, dtype=jnp.float32)
    remaining = cap_float - all_used
    cap_norm = remaining / jnp.maximum(cap_float, 1e-08)
    exceeds = demands[:, None, :] > remaining[:, :, None]
    mask_3d = all_vis | exceeds
    mask_3d = mask_3d.at[:, :, 0].set(False)
    at_depot_3d = all_cur == 0
    has_cust_3d = (~mask_3d[:, :, 1:]).any(axis=-1)
    mask_3d = mask_3d.at[:, :, 0].set(mask_3d[:, :, 0] | (at_depot_3d & has_cust_3d))
    b_idx = jnp.arange(mb)[:, None]
    cur_coords_3d = coords[b_idx, all_cur]
    psi_curr = psi_prime[b_idx, all_cur]
    psi_curr = jnp.where(at_depot_3d[..., None], 0.0, psi_curr)
    t_norm = jnp.broadcast_to((jnp.arange(T_, dtype=jnp.float32) / max(n_customers, 1))[None, :], (mb, T_))
    ctx = jnp.concatenate([psi_curr, cap_norm[..., None], t_norm[..., None], cur_coords_3d], axis=-1)
    query = ctx @ Wq_w.T + Wq_b
    context_scores = jnp.einsum('btd,bnd->btn', query, psi_prime)
    neigh = psi_prime[jnp.arange(mb)[:, None, None], knn_indices]
    inf = (psi_prime[:, :, None, :] * neigh).sum(axis=(-1, -2))
    interference = jnp.broadcast_to(inf[:, None, :], (mb, T_, n_customers + 1))
    diff = coords[:, None, :, :] - cur_coords_3d[:, :, None, :]
    sq = (diff * diff).sum(axis=-1)
    dist_to_nodes = jnp.where(sq > 0, jnp.sqrt(jnp.where(sq > 0, sq, 1.0)), 0.0)
    mu_eff = jnp.clip(mu_param, 0.0, 20.0)
    lam_eff = jnp.clip(lambda_param, -2.0, 3.0)
    nu_eff = jnp.clip(nu_param, -2.0, 3.0)
    scores = context_scores + lam_eff * interference - mu_eff * dist_to_nodes
    demand_ratio = demands[:, None, :] / jnp.maximum(cap_float, 1e-08)
    scores = scores + nu_eff * demand_ratio
    scores = jnp.where(mask_3d, -1e9, scores)
    log_probs_3d = jax.nn.log_softmax(scores, axis=-1)
    lp_new = jnp.take_along_axis(log_probs_3d, actions[..., None], axis=2)[..., 0]
    probs = jnp.exp(log_probs_3d)
    entropy = (-(probs * log_probs_3d).sum(axis=-1)).mean(axis=1)
    return (lp_new, entropy)

if __name__ == "__main__":
    import jax
    _d = setup_inputs()
    print(jax.jit(kernel)(*tuple(_d.values())))

</pallas_src>

<mosaic_0001>
#map = affine_map<(d0, d1) -> (0, 0)>
module attributes {stable_mosaic.version = 14 : i64} {
  func.func @sc_kernel(%arg0: i32, %arg1: i32, %arg2: memref<32x16384xf32, #tpu.memory_space<hbm>>, %arg3: memref<32x20480xi32, #tpu.memory_space<hbm>>, %arg4: memref<32x8192xf32, #tpu.memory_space<hbm>>, %arg5: memref<32x4096xf32, #tpu.memory_space<hbm>>, %arg6: memref<32x48xi32, #tpu.memory_space<hbm>>, %arg7: memref<32x4096xf32, #tpu.memory_space<hbm>>, %arg8: memref<32x4096xf32, #tpu.memory_space<hbm>>, %arg9: memref<32x384xf32, #tpu.memory_space<hbm>>, %arg10: memref<16384xf32, #tpu.memory_space<vmem>>, %arg11: memref<20480xi32, #tpu.memory_space<vmem>>, %arg12: memref<20480xi32, #tpu.memory_space<vmem>>, %arg13: memref<4096xf32, #tpu.memory_space<vmem>>, %arg14: memref<8192xf32, #tpu.memory_space<vmem>>, %arg15: memref<4096xf32, #tpu.memory_space<vmem>>, %arg16: memref<48xi32, #tpu.memory_space<vmem>>, %arg17: memref<4096xf32, #tpu.memory_space<vmem>>, %arg18: memref<384xf32, #tpu.memory_space<vmem>>, %arg19: memref<!tpu.dma_semaphore, #tpu.memory_space<semaphore_mem>>, %arg20: memref<!tpu.dma_semaphore, #tpu.memory_space<semaphore_mem>>) attributes {dimension_semantics = [#tpu.dimension_semantics<core_parallel>, #tpu.dimension_semantics<subcore_parallel>], iteration_bounds = array<i64: 2, 16>, scalar_prefetch = 0 : i64, scratch_operands = 11 : i64, tpu.core_type = #tpu.core_type<sc_vector_subcore>, window_params = [{transform_indices = #map}, {transform_indices = #map}, {transform_indices = #map}, {transform_indices = #map}, {transform_indices = #map}, {transform_indices = #map}, {transform_indices = #map}, {transform_indices = #map}]} {
    %mul3A = arith.constant 16 : i32
    %mul3A_0 = arith.muli %arg0, %mul3A : i32
    %add3A = arith.addi %mul3A_0, %arg1 : i32
    %iota3A = tpu.iota {dimensions = array<i32: 0>} : vector<16xi32>
    %mul3A_1 = arith.constant 5 : i32
    %mul3A_2 = vector.broadcast %mul3A_1 : i32 to vector<16xi32>
    %mul3A_3 = arith.muli %iota3A, %mul3A_2 : vector<16xi32>
    %mul3A_4 = arith.constant 8 : i32
    %mul3A_5 = vector.broadcast %mul3A_4 : i32 to vector<16xi32>
    %mul3A_6 = arith.muli %iota3A, %mul3A_5 : vector<16xi32>
    %broadcast_in_dim3A = arith.constant 1.000000e+09 : f32
    %broadcast_in_dim3A_7 = vector.broadcast %broadcast_in_dim3A : f32 to vector<16xf32>
    %mul3A_8 = arith.constant 1 : i32
    %mul3A_9 = arith.muli %add3A, %mul3A_8 : i32
    %add3A_10 = arith.constant 0 : i32
    %add3A_11 = arith.addi %mul3A_9, %add3A_10 : i32
    %dma_start3A = arith.constant 0 : i32
    %dma_start3A_12 = tpu.memref_slice %arg2[%add3A_11, %dma_start3A] : memref<32x16384xf32, #tpu.memory_space<hbm>> -> memref<1x16384xf32, #tpu.memory_space<hbm>>
    %dma_start3A_13 = tpu.memref_squeeze %dma_start3A_12 : memref<1x16384xf32, #tpu.memory_space<hbm>> -> memref<16384xf32, #tpu.memory_space<hbm>>
    %dma_start3A_14 = arith.constant 0 : i32
    %dma_start3A_15 = tpu.memref_slice %arg2[%add3A_11, %dma_start3A_14] : memref<32x16384xf32, #tpu.memory_space<hbm>> -> memref<1x16384xf32, #tpu.memory_space<hbm>>
    %dma_start3A_16 = tpu.memref_squeeze %dma_start3A_15 : memref<1x16384xf32, #tpu.memory_space<hbm>> -> memref<16384xf32, #tpu.memory_space<hbm>>
    tpu.enqueue_dma source(%dma_start3A_16 : memref<16384xf32, #tpu.memory_space<hbm>>) target(%arg10 : memref<16384xf32, #tpu.memory_space<vmem>>) target_semaphore(%arg19 : memref<!tpu.dma_semaphore, #tpu.memory_space<semaphore_mem>>)
    %dma_start3A_17 = arith.constant 0 : i32
    %dma_start3A_18 = tpu.memref_slice %arg3[%add3A_11, %dma_start3A_17] : memref<32x20480xi32, #tpu.memory_space<hbm>> -> memref<1x20480xi32, #tpu.memory_space<hbm>>
    %dma_start3A_19 = tpu.memref_squeeze %dma_start3A_18 : memref<1x20480xi32, #tpu.memory_space<hbm>> -> memref<20480xi32, #tpu.memory_space<hbm>>
    %dma_start3A_20 = arith.constant 0 : i32
    %dma_start3A_21 = tpu.memref_slice %arg3[%add3A_11, %dma_start3A_20] : memref<32x20480xi32, #tpu.memory_space<hbm>> -> memref<1x20480xi32, #tpu.memory_space<hbm>>
    %dma_start3A_22 = tpu.memref_squeeze %dma_start3A_21 : memref<1x20480xi32, #tpu.memory_space<hbm>> -> memref<20480xi32, #tpu.memory_space<hbm>>
    tpu.enqueue_dma source(%dma_start3A_22 : memref<20480xi32, #tpu.memory_space<hbm>>) target(%arg11 : memref<20480xi32, #tpu.memory_space<vmem>>) target_semaphore(%arg20 : memref<!tpu.dma_semaphore, #tpu.memory_space<semaphore_mem>>)
    %mul3A_23 = arith.constant 1 : i32
    %mul3A_24 = arith.muli %add3A, %mul3A_23 : i32
    %add3A_25 = arith.constant 0 : i32
    %add3A_26 = arith.addi %mul3A_24, %add3A_25 : i32
    %dma_wait3A = arith.constant 0 : i32
    %dma_wait3A_27 = tpu.memref_slice %arg2[%add3A_11, %dma_wait3A] : memref<32x16384xf32, #tpu.memory_space<hbm>> -> memref<1x16384xf32, #tpu.memory_space<hbm>>
    %dma_wait3A_28 = tpu.memref_squeeze %dma_wait3A_27 : memref<1x16384xf32, #tpu.memory_space<hbm>> -> memref<16384xf32, #tpu.memory_space<hbm>>
    %dma_wait3A_29 = arith.constant 0 : i32
    %dma_wait3A_30 = tpu.memref_slice %arg2[%add3A_11, %dma_wait3A_29] : memref<32x16384xf32, #tpu.memory_space<hbm>> -> memref<1x16384xf32, #tpu.memory_space<hbm>>
    %dma_wait3A_31 = tpu.memref_squeeze %dma_wait3A_30 : memref<1x16384xf32, #tpu.memory_space<hbm>> -> memref<16384xf32, #tpu.memory_space<hbm>>
    tpu.wait_dma2 semaphore(%arg19 : memref<!tpu.dma_semaphore, #tpu.memory_space<semaphore_mem>>) src(%dma_wait3A_31 : memref<16384xf32, #tpu.memory_space<hbm>>) dst(%arg10 : memref<16384xf32, #tpu.memory_space<vmem>>)
    %dma_wait3A_32 = arith.constant 0 : i32
    %dma_wait3A_33 = tpu.memref_slice %arg3[%add3A_11, %dma_wait3A_32] : memref<32x20480xi32, #tpu.memory_space<hbm>> -> memref<1x20480xi32, #tpu.memory_space<hbm>>
    %dma_wait3A_34 = tpu.memref_squeeze %dma_wait3A_33 : memref<1x20480xi32, #tpu.memory_space<hbm>> -> memref<20480xi32, #tpu.memory_space<hbm>>
    %dma_wait3A_35 = arith.constant 0 : i32
    %dma_wait3A_36 = tpu.memref_slice %arg3[%add3A_11, %dma_wait3A_35] : memref<32x20480xi32, #tpu.memory_space<hbm>> -> memref<1x20480xi32, #tpu.memory_space<hbm>>
    %dma_wait3A_37 = tpu.memref_squeeze %dma_wait3A_36 : memref<1x20480xi32, #tpu.memory_space<hbm>> -> memref<20480xi32, #tpu.memory_space<hbm>>
    tpu.wait_dma2 semaphore(%arg20 : memref<!tpu.dma_semaphore, #tpu.memory_space<semaphore_mem>>) src(%dma_wait3A_37 : memref<20480xi32, #tpu.memory_space<hbm>>) dst(%arg11 : memref<20480xi32, #tpu.memory_space<vmem>>)
    "tpu.region"() ({
      %run_scoped3A = tpu.sem_alloc : memref<!tpu.dma_semaphore, #tpu.memory_space<semaphore_mem>>
      %dma_start3A_353 = arith.constant 0 : i32
      %dma_start3A_354 = tpu.memref_slice %arg4[%add3A_26, %dma_start3A_353] : memref<32x8192xf32, #tpu.memory_space<hbm>> -> memref<1x8192xf32, #tpu.memory_space<hbm>>
      %dma_start3A_355 = tpu.memref_squeeze %dma_start3A_354 : memref<1x8192xf32, #tpu.memory_space<hbm>> -> memref<8192xf32, #tpu.memory_space<hbm>>
      %dma_start3A_356 = arith.constant 0 : i32
      %dma_start3A_357 = tpu.memref_slice %arg4[%add3A_26, %dma_start3A_356] : memref<32x8192xf32, #tpu.memory_space<hbm>> -> memref<1x8192xf32, #tpu.memory_space<hbm>>
      %dma_start3A_358 = tpu.memref_squeeze %dma_start3A_357 : memref<1x8192xf32, #tpu.memory_space<hbm>> -> memref<8192xf32, #tpu.memory_space<hbm>>
      tpu.enqueue_dma source(%dma_start3A_358 : memref<8192xf32, #tpu.memory_space<hbm>>) target(%arg14 : memref<8192xf32, #tpu.memory_space<vmem>>) target_semaphore(%run_scoped3A : memref<!tpu.dma_semaphore, #tpu.memory_space<semaphore_mem>>)
      %dma_wait3A_359 = arith.constant 0 : i32
      %dma_wait3A_360 = tpu.memref_slice %arg4[%add3A_26, %dma_wait3A_359] : memref<32x8192xf32, #tpu.memory_space<hbm>> -> memref<1x8192xf32, #tpu.memory_space<hbm>>
      %dma_wait3A_361 = tpu.memref_squeeze %dma_wait3A_360 : memref<1x8192xf32, #tpu.memory_space<hbm>> -> memref<8192xf32, #tpu.memory_space<hbm>>
      %dma_wait3A_362 = arith.constant 0 : i32
      %dma_wait3A_363 = tpu.memref_slice %arg4[%add3A_26, %dma_wait3A_362] : memref<32x8192xf32, #tpu.memory_space<hbm>> -> memref<1x8192xf32, #tpu.memory_space<hbm>>
      %dma_wait3A_364 = tpu.memref_squeeze %dma_wait3A_363 : memref<1x8192xf32, #tpu.memory_space<hbm>> -> memref<8192xf32, #tpu.memory_space<hbm>>
      tpu.wait_dma2 semaphore(%run_scoped3A : memref<!tpu.dma_semaphore, #tpu.memory_space<semaphore_mem>>) src(%dma_wait3A_364 : memref<8192xf32, #tpu.memory_space<hbm>>) dst(%arg14 : memref<8192xf32, #tpu.memory_space<vmem>>)
      tpu.yield
    }) : () -> ()
    "tpu.region"() ({
      %run_scoped3A = tpu.sem_alloc : memref<!tpu.dma_semaphore, #tpu.memory_space<semaphore_mem>>
      %dma_start3A_353 = arith.constant 0 : i32
      %dma_start3A_354 = tpu.memref_slice %arg5[%add3A_26, %dma_start3A_353] : memref<32x4096xf32, #tpu.memory_space<hbm>> -> memref<1x4096xf32, #tpu.memory_space<hbm>>
      %dma_start3A_355 = tpu.memref_squeeze %dma_start3A_354 : memref<1x4096xf32, #tpu.memory_space<hbm>> -> memref<4096xf32, #tpu.memory_space<hbm>>
      %dma_start3A_356 = arith.constant 0 : i32
      %dma_start3A_357 = tpu.memref_slice %arg5[%add3A_26, %dma_start3A_356] : memref<32x4096xf32, #tpu.memory_space<hbm>> -> memref<1x4096xf32, #tpu.memory_space<hbm>>
      %dma_start3A_358 = tpu.memref_squeeze %dma_start3A_357 : memref<1x4096xf32, #tpu.memory_space<hbm>> -> memref<4096xf32, #tpu.memory_space<hbm>>
      tpu.enqueue_dma source(%dma_start3A_358 : memref<4096xf32, #tpu.memory_space<hbm>>) target(%arg15 : memref<4096xf32, #tpu.memory_space<vmem>>) target_semaphore(%run_scoped3A : memref<!tpu.dma_semaphore, #tpu.memory_space<semaphore_mem>>)
      %dma_wait3A_359 = arith.constant 0 : i32
      %dma_wait3A_360 = tpu.memref_slice %arg5[%add3A_26, %dma_wait3A_359] : memref<32x4096xf32, #tpu.memory_space<hbm>> -> memref<1x4096xf32, #tpu.memory_space<hbm>>
      %dma_wait3A_361 = tpu.memref_squeeze %dma_wait3A_360 : memref<1x4096xf32, #tpu.memory_space<hbm>> -> memref<4096xf32, #tpu.memory_space<hbm>>
      %dma_wait3A_362 = arith.constant 0 : i32
      %dma_wait3A_363 = tpu.memref_slice %arg5[%add3A_26, %dma_wait3A_362] : memref<32x4096xf32, #tpu.memory_space<hbm>> -> memref<1x4096xf32, #tpu.memory_space<hbm>>
      %dma_wait3A_364 = tpu.memref_squeeze %dma_wait3A_363 : memref<1x4096xf32, #tpu.memory_space<hbm>> -> memref<4096xf32, #tpu.memory_space<hbm>>
      tpu.wait_dma2 semaphore(%run_scoped3A : memref<!tpu.dma_semaphore, #tpu.memory_space<semaphore_mem>>) src(%dma_wait3A_364 : memref<4096xf32, #tpu.memory_space<hbm>>) dst(%arg15 : memref<4096xf32, #tpu.memory_space<vmem>>)
      tpu.yield
    }) : () -> ()
    "tpu.region"() ({
      %run_scoped3A = tpu.sem_alloc : memref<!tpu.dma_semaphore, #tpu.memory_space<semaphore_mem>>
      %dma_start3A_353 = arith.constant 0 : i32
      %dma_start3A_354 = tpu.memref_slice %arg6[%add3A_26, %dma_start3A_353] : memref<32x48xi32, #tpu.memory_space<hbm>> -> memref<1x48xi32, #tpu.memory_space<hbm>>
      %dma_start3A_355 = tpu.memref_squeeze %dma_start3A_354 : memref<1x48xi32, #tpu.memory_space<hbm>> -> memref<48xi32, #tpu.memory_space<hbm>>
      %dma_start3A_356 = arith.constant 0 : i32
      %dma_start3A_357 = tpu.memref_slice %arg6[%add3A_26, %dma_start3A_356] : memref<32x48xi32, #tpu.memory_space<hbm>> -> memref<1x48xi32, #tpu.memory_space<hbm>>
      %dma_start3A_358 = tpu.memref_squeeze %dma_start3A_357 : memref<1x48xi32, #tpu.memory_space<hbm>> -> memref<48xi32, #tpu.memory_space<hbm>>
      tpu.enqueue_dma source(%dma_start3A_358 : memref<48xi32, #tpu.memory_space<hbm>>) target(%arg16 : memref<48xi32, #tpu.memory_space<vmem>>) target_semaphore(%run_scoped3A : memref<!tpu.dma_semaphore, #tpu.memory_space<semaphore_mem>>)
      %dma_wait3A_359 = arith.constant 0 : i32
      %dma_wait3A_360 = tpu.memref_slice %arg6[%add3A_26, %dma_wait3A_359] : memref<32x48xi32, #tpu.memory_space<hbm>> -> memref<1x48xi32, #tpu.memory_space<hbm>>
      %dma_wait3A_361 = tpu.memref_squeeze %dma_wait3A_360 : memref<1x48xi32, #tpu.memory_space<hbm>> -> memref<48xi32, #tpu.memory_space<hbm>>
      %dma_wait3A_362 = arith.constant 0 : i32
      %dma_wait3A_363 = tpu.memref_slice %arg6[%add3A_26, %dma_wait3A_362] : memref<32x48xi32, #tpu.memory_space<hbm>> -> memref<1x48xi32, #tpu.memory_space<hbm>>
      %dma_wait3A_364 = tpu.memref_squeeze %dma_wait3A_363 : memref<1x48xi32, #tpu.memory_space<hbm>> -> memref<48xi32, #tpu.memory_space<hbm>>
      tpu.wait_dma2 semaphore(%run_scoped3A : memref<!tpu.dma_semaphore, #tpu.memory_space<semaphore_mem>>) src(%dma_wait3A_364 : memref<48xi32, #tpu.memory_space<hbm>>) dst(%arg16 : memref<48xi32, #tpu.memory_space<vmem>>)
      tpu.yield
    }) : () -> ()
    %scan3A = arith.constant 0 : i32
    %scan3A_38 = arith.constant 0 : i32
    %scan3A_39 = arith.constant 256 : i32
    %scan3A_40 = arith.addi %scan3A_38, %scan3A_39 : i32
    %scan3A_41 = arith.constant 1 : i32
    scf.for %scan3A_353 = %scan3A_38 to %scan3A_40 step %scan3A_41  : i32 {
      %mul3A_354 = arith.constant 16 : i32
      %mul3A_355 = arith.muli %scan3A_353, %mul3A_354 : i32
      %mul3A_356 = arith.constant 5 : i32
      %mul3A_357 = arith.muli %mul3A_355, %mul3A_356 : i32
      %add3A_358 = arith.constant 0 : i32
      %add3A_359 = arith.addi %mul3A_357, %add3A_358 : i32
      %add3A_360 = vector.broadcast %add3A_359 : i32 to vector<16xi32>
      %add3A_361 = arith.addi %mul3A_3, %add3A_360 : vector<16xi32>
      %gather3A_362 = tpu.vector_load_idx %arg11[%add3A_361] : memref<20480xi32, #tpu.memory_space<vmem>>[vector<16xi32>], vector<16xi32>,
      %add3A_363 = arith.constant 0 : i32
      %add3A_364 = arith.addi %add3A_363, %mul3A_355 : i32
      %swap3A = arith.index_cast %add3A_364 : i32 to index
      %swap3A_365 = tpu.vector_load %arg12[%swap3A] {strides = array<i32>} : memref<20480xi32, #tpu.memory_space<vmem>>, vector<16xi32>,
      tpu.vector_store %arg12[%swap3A], %gather3A_362 {strides = array<i32>} : memref<20480xi32, #tpu.memory_space<vmem>>, vector<16xi32>,
      %mul3A_366 = arith.constant 5 : i32
      %mul3A_367 = arith.muli %mul3A_355, %mul3A_366 : i32
      %add3A_368 = arith.constant 1 : i32
      %add3A_369 = arith.addi %mul3A_367, %add3A_368 : i32
      %add3A_370 = vector.broadcast %add3A_369 : i32 to vector<16xi32>
      %add3A_371 = arith.addi %mul3A_3, %add3A_370 : vector<16xi32>
      %gather3A_372 = tpu.vector_load_idx %arg11[%add3A_371] : memref<20480xi32, #tpu.memory_space<vmem>>[vector<16xi32>], vector<16xi32>,
      %add3A_373 = arith.constant 4096 : i32
      %add3A_374 = arith.addi %add3A_373, %mul3A_355 : i32
      %swap3A_375 = arith.index_cast %add3A_374 : i32 to index
      %swap3A_376 = tpu.vector_load %arg12[%swap3A_375] {strides = array<i32>} : memref<20480xi32, #tpu.memory_space<vmem>>, vector<16xi32>,
      tpu.vector_store %arg12[%swap3A_375], %gather3A_372 {strides = array<i32>} : memref<20480xi32, #tpu.memory_space<vmem>>, vector<16xi32>,
      %mul3A_377 = arith.constant 5 : i32
      %mul3A_378 = arith.muli %mul3A_355, %mul3A_377 : i32
      %add3A_379 = arith.constant 2 : i32
      %add3A_380 = arith.addi %mul3A_378, %add3A_379 : i32
      %add3A_381 = vector.broadcast %add3A_380 : i32 to vector<16xi32>
      %add3A_382 = arith.addi %mul3A_3, %add3A_381 : vector<16xi32>
      %gather3A_383 = tpu.vector_load_idx %arg11[%add3A_382] : memref<20480xi32, #tpu.memory_space<vmem>>[vector<16xi32>], vector<16xi32>,
      %add3A_384 = arith.constant 8192 : i32
      %add3A_385 = arith.addi %add3A_384, %mul3A_355 : i32
      %swap3A_386 = arith.index_cast %add3A_385 : i32 to index
      %swap3A_387 = tpu.vector_load %arg12[%swap3A_386] {strides = array<i32>} : memref<20480xi32, #tpu.memory_space<vmem>>, vector<16xi32>,
      tpu.vector_store %arg12[%swap3A_386], %gather3A_383 {strides = array<i32>} : memref<20480xi32, #tpu.memory_space<vmem>>, vector<16xi32>,
      %mul3A_388 = arith.constant 5 : i32
      %mul3A_389 = arith.muli %mul3A_355, %mul3A_388 : i32
      %add3A_390 = arith.constant 3 : i32
      %add3A_391 = arith.addi %mul3A_389, %add3A_390 : i32
      %add3A_392 = vector.broadcast %add3A_391 : i32 to vector<16xi32>
      %add3A_393 = arith.addi %mul3A_3, %add3A_392 : vector<16xi32>
      %gather3A_394 = tpu.vector_load_idx %arg11[%add3A_393] : memref<20480xi32, #tpu.memory_space<vmem>>[vector<16xi32>], vector<16xi32>,
      %add3A_395 = arith.constant 12288 : i32
      %add3A_396 = arith.addi %add3A_395, %mul3A_355 : i32
      %swap3A_397 = arith.index_cast %add3A_396 : i32 to index
      %swap3A_398 = tpu.vector_load %arg12[%swap3A_397] {strides = array<i32>} : memref<20480xi32, #tpu.memory_space<vmem>>, vector<16xi32>,
      tpu.vector_store %arg12[%swap3A_397], %gather3A_394 {strides = array<i32>} : memref<20480xi32, #tpu.memory_space<vmem>>, vector<16xi32>,
      %mul3A_399 = arith.constant 5 : i32
      %mul3A_400 = arith.muli %mul3A_355, %mul3A_399 : i32
      %add3A_401 = arith.constant 4 : i32
      %add3A_402 = arith.addi %mul3A_400, %add3A_401 : i32
      %add3A_403 = vector.broadcast %add3A_402 : i32 to vector<16xi32>
      %add3A_404 = arith.addi %mul3A_3, %add3A_403 : vector<16xi32>
      %gather3A_405 = tpu.vector_load_idx %arg11[%add3A_404] : memref<20480xi32, #tpu.memory_space<vmem>>[vector<16xi32>], vector<16xi32>,
      %add3A_406 = arith.constant 16384 : i32
      %add3A_407 = arith.addi %add3A_406, %mul3A_355 : i32
      %swap3A_408 = arith.index_cast %add3A_407 : i32 to index
      %swap3A_409 = tpu.vector_load %arg12[%swap3A_408] {strides = array<i32>} : memref<20480xi32, #tpu.memory_space<vmem>>, vector<16xi32>,
      tpu.vector_store %arg12[%swap3A_408], %gather3A_405 {strides = array<i32>} : memref<20480xi32, #tpu.memory_space<vmem>>, vector<16xi32>,
      %swap3A_410 = arith.index_cast %mul3A_355 : i32 to index
      %swap3A_411 = tpu.vector_load %arg17[%swap3A_410] {strides = array<i32>} : memref<4096xf32, #tpu.memory_space<vmem>>, vector<16xf32>,
      tpu.vector_store %arg17[%swap3A_410], %broadcast_in_dim3A_7 {strides = array<i32>} : memref<4096xf32, #tpu.memory_space<vmem>>, vector<16xf32>,
    }
    %scan3A_42 = arith.constant 256 : i32
    %scan3A_43 = arith.constant 0 : i32
    %scan3A_44 = arith.constant 0 : i32
    %scan3A_45 = arith.constant 256 : i32
    %scan3A_46 = arith.addi %scan3A_44, %scan3A_45 : i32
    %scan3A_47 = arith.constant 1 : i32
    scf.for %scan3A_353 = %scan3A_44 to %scan3A_46 step %scan3A_47  : i32 {
      %mul3A_354 = arith.constant 16 : i32
      %mul3A_355 = arith.muli %scan3A_353, %mul3A_354 : i32
      %add3A_356 = arith.constant 0 : i32
      %add3A_357 = arith.addi %add3A_356, %mul3A_355 : i32
      %get3A_358 = arith.index_cast %add3A_357 : i32 to index
      %get3A_359 = tpu.vector_load %arg10[%get3A_358] {strides = array<i32>} : memref<16384xf32, #tpu.memory_space<vmem>>, vector<16xf32>,
      %add3A_360 = arith.constant 4096 : i32
      %add3A_361 = arith.addi %add3A_360, %mul3A_355 : i32
      %get3A_362 = arith.index_cast %add3A_361 : i32 to index
      %get3A_363 = tpu.vector_load %arg10[%get3A_362] {strides = array<i32>} : memref<16384xf32, #tpu.memory_space<vmem>>, vector<16xf32>,
      %add3A_364 = arith.constant 8192 : i32
      %add3A_365 = arith.addi %add3A_364, %mul3A_355 : i32
      %get3A_366 = arith.index_cast %add3A_365 : i32 to index
      %get3A_367 = tpu.vector_load %arg10[%get3A_366] {strides = array<i32>} : memref<16384xf32, #tpu.memory_space<vmem>>, vector<16xf32>,
      %add3A_368 = arith.constant 12288 : i32
      %add3A_369 = arith.addi %add3A_368, %mul3A_355 : i32
      %get3A_370 = arith.index_cast %add3A_369 : i32 to index
      %get3A_371 = tpu.vector_load %arg10[%get3A_370] {strides = array<i32>} : memref<16384xf32, #tpu.memory_space<vmem>>, vector<16xf32>,
      %broadcast_in_dim3A_372 = arith.constant 0.000000e+00 : f32
      %broadcast_in_dim3A_373 = vector.broadcast %broadcast_in_dim3A_372 : f32 to vector<16xf32>
      %add3A_374 = arith.constant 0 : i32
      %add3A_375 = arith.addi %add3A_374, %mul3A_355 : i32
      %get3A_376 = arith.index_cast %add3A_375 : i32 to index
      %get3A_377 = tpu.vector_load %arg12[%get3A_376] {strides = array<i32>} : memref<20480xi32, #tpu.memory_space<vmem>>, vector<16xi32>,
      %add3A_378 = arith.constant 0 : i32
      %add3A_379 = vector.broadcast %add3A_378 : i32 to vector<16xi32>
      %add3A_380 = arith.addi %get3A_377, %add3A_379 : vector<16xi32>
      %gather3A_381 = tpu.vector_load_idx %arg10[%add3A_380] : memref<16384xf32, #tpu.memory_space<vmem>>[vector<16xi32>], vector<16xf32>,
      %mul3A_382 = arith.mulf %get3A_359, %gather3A_381 : vector<16xf32>
      %add3A_383 = arith.addf %broadcast_in_dim3A_373, %mul3A_382 : vector<16xf32>
      %add3A_384 = arith.constant 4096 : i32
      %add3A_385 = vector.broadcast %add3A_384 : i32 to vector<16xi32>
      %add3A_386 = arith.addi %get3A_377, %add3A_385 : vector<16xi32>
      %gather3A_387 = tpu.vector_load_idx %arg10[%add3A_386] : memref<16384xf32, #tpu.memory_space<vmem>>[vector<16xi32>], vector<16xf32>,
      %mul3A_388 = arith.mulf %get3A_363, %gather3A_387 : vector<16xf32>
      %add3A_389 = arith.addf %add3A_383, %mul3A_388 : vector<16xf32>
      %add3A_390 = arith.constant 8192 : i32
      %add3A_391 = vector.broadcast %add3A_390 : i32 to vector<16xi32>
      %add3A_392 = arith.addi %get3A_377, %add3A_391 : vector<16xi32>
      %gather3A_393 = tpu.vector_load_idx %arg10[%add3A_392] : memref<16384xf32, #tpu.memory_space<vmem>>[vector<16xi32>], vector<16xf32>,
      %mul3A_394 = arith.mulf %get3A_367, %gather3A_393 : vector<16xf32>
      %add3A_395 = arith.addf %add3A_389, %mul3A_394 : vector<16xf32>
      %add3A_396 = arith.constant 12288 : i32
      %add3A_397 = vector.broadcast %add3A_396 : i32 to vector<16xi32>
      %add3A_398 = arith.addi %get3A_377, %add3A_397 : vector<16xi32>
      %gather3A_399 = tpu.vector_load_idx %arg10[%add3A_398] : memref<16384xf32, #tpu.memory_space<vmem>>[vector<16xi32>], vector<16xf32>,
      %mul3A_400 = arith.mulf %get3A_371, %gather3A_399 : vector<16xf32>
      %add3A_401 = arith.addf %add3A_395, %mul3A_400 : vector<16xf32>
      %add3A_402 = arith.constant 4096 : i32
      %add3A_403 = arith.addi %add3A_402, %mul3A_355 : i32
      %get3A_404 = arith.index_cast %add3A_403 : i32 to index
      %get3A_405 = tpu.vector_load %arg12[%get3A_404] {strides = array<i32>} : memref<20480xi32, #tpu.memory_space<vmem>>, vector<16xi32>,
      %add3A_406 = arith.constant 0 : i32
      %add3A_407 = vector.broadcast %add3A_406 : i32 to vector<16xi32>
      %add3A_408 = arith.addi %get3A_405, %add3A_407 : vector<16xi32>
      %gather3A_409 = tpu.vector_load_idx %arg10[%add3A_408] : memref<16384xf32, #tpu.memory_space<vmem>>[vector<16xi32>], vector<16xf32>,
      %mul3A_410 = arith.mulf %get3A_359, %gather3A_409 : vector<16xf32>
      %add3A_411 = arith.addf %add3A_401, %mul3A_410 : vector<16xf32>
      %add3A_412 = arith.constant 4096 : i32
      %add3A_413 = vector.broadcast %add3A_412 : i32 to vector<16xi32>
      %add3A_414 = arith.addi %get3A_405, %add3A_413 : vector<16xi32>
      %gather3A_415 = tpu.vector_load_idx %arg10[%add3A_414] : memref<16384xf32, #tpu.memory_space<vmem>>[vector<16xi32>], vector<16xf32>,
      %mul3A_416 = arith.mulf %get3A_363, %gather3A_415 : vector<16xf32>
      %add3A_417 = arith.addf %add3A_411, %mul3A_416 : vector<16xf32>
      %add3A_418 = arith.constant 8192 : i32
      %add3A_419 = vector.broadcast %add3A_418 : i32 to vector<16xi32>
      %add3A_420 = arith.addi %get3A_405, %add3A_419 : vector<16xi32>
      %gather3A_421 = tpu.vector_load_idx %arg10[%add3A_420] : memref<16384xf32, #tpu.memory_space<vmem>>[vector<16xi32>], vector<16xf32>,
      %mul3A_422 = arith.mulf %get3A_367, %gather3A_421 : vector<16xf32>
      %add3A_423 = arith.addf %add3A_417, %mul3A_422 : vector<16xf32>
      %add3A_424 = arith.constant 12288 : i32
      %add3A_425 = vector.broadcast %add3A_424 : i32 to vector<16xi32>
      %add3A_426 = arith.addi %get3A_405, %add3A_425 : vector<16xi32>
      %gather3A_427 = tpu.vector_load_idx %arg10[%add3A_426] : memref<16384xf32, #tpu.memory_space<vmem>>[vector<16xi32>], vector<16xf32>,
      %mul3A_428 = arith.mulf %get3A_371, %gather3A_427 : vector<16xf32>
      %add3A_429 = arith.addf %add3A_423, %mul3A_428 : vector<16xf32>
      %add3A_430 = arith.constant 8192 : i32
      %add3A_431 = arith.addi %add3A_430, %mul3A_355 : i32
      %get3A_432 = arith.index_cast %add3A_431 : i32 to index
      %get3A_433 = tpu.vector_load %arg12[%get3A_432] {strides = array<i32>} : memref<20480xi32, #tpu.memory_space<vmem>>, vector<16xi32>,
      %add3A_434 = arith.constant 0 : i32
      %add3A_435 = vector.broadcast %add3A_434 : i32 to vector<16xi32>
      %add3A_436 = arith.addi %get3A_433, %add3A_435 : vector<16xi32>
      %gather3A_437 = tpu.vector_load_idx %arg10[%add3A_436] : memref<16384xf32, #tpu.memory_space<vmem>>[vector<16xi32>], vector<16xf32>,
      %mul3A_438 = arith.mulf %get3A_359, %gather3A_437 : vector<16xf32>
      %add3A_439 = arith.addf %add3A_429, %mul3A_438 : vector<16xf32>
      %add3A_440 = arith.constant 4096 : i32
      %add3A_441 = vector.broadcast %add3A_440 : i32 to vector<16xi32>
      %add3A_442 = arith.addi %get3A_433, %add3A_441 : vector<16xi32>
      %gather3A_443 = tpu.vector_load_idx %arg10[%add3A_442] : memref<16384xf32, #tpu.memory_space<vmem>>[vector<16xi32>], vector<16xf32>,
      %mul3A_444 = arith.mulf %get3A_363, %gather3A_443 : vector<16xf32>
      %add3A_445 = arith.addf %add3A_439, %mul3A_444 : vector<16xf32>
      %add3A_446 = arith.constant 8192 : i32
      %add3A_447 = vector.broadcast %add3A_446 : i32 to vector<16xi32>
      %add3A_448 = arith.addi %get3A_433, %add3A_447 : vector<16xi32>
      %gather3A_449 = tpu.vector_load_idx %arg10[%add3A_448] : memref<16384xf32, #tpu.memory_space<vmem>>[vector<16xi32>], vector<16xf32>,
      %mul3A_450 = arith.mulf %get3A_367, %gather3A_449 : vector<16xf32>
      %add3A_451 = arith.addf %add3A_445, %mul3A_450 : vector<16xf32>
      %add3A_452 = arith.constant 12288 : i32
      %add3A_453 = vector.broadcast %add3A_452 : i32 to vector<16xi32>
      %add3A_454 = arith.addi %get3A_433, %add3A_453 : vector<16xi32>
      %gather3A_455 = tpu.vector_load_idx %arg10[%add3A_454] : memref<16384xf32, #tpu.memory_space<vmem>>[vector<16xi32>], vector<16xf32>,
      %mul3A_456 = arith.mulf %get3A_371, %gather3A_455 : vector<16xf32>
      %add3A_457 = arith.addf %add3A_451, %mul3A_456 : vector<16xf32>
      %add3A_458 = arith.constant 12288 : i32
      %add3A_459 = arith.addi %add3A_458, %mul3A_355 : i32
      %get3A_460 = arith.index_cast %add3A_459 : i32 to index
      %get3A_461 = tpu.vector_load %arg12[%get3A_460] {strides = array<i32>} : memref<20480xi32, #tpu.memory_space<vmem>>, vector<16xi32>,
      %add3A_462 = arith.constant 0 : i32
      %add3A_463 = vector.broadcast %add3A_462 : i32 to vector<16xi32>
      %add3A_464 = arith.addi %get3A_461, %add3A_463 : vector<16xi32>
      %gather3A_465 = tpu.vector_load_idx %arg10[%add3A_464] : memref<16384xf32, #tpu.memory_space<vmem>>[vector<16xi32>], vector<16xf32>,
      %mul3A_466 = arith.mulf %get3A_359, %gather3A_465 : vector<16xf32>
      %add3A_467 = arith.addf %add3A_457, %mul3A_466 : vector<16xf32>
      %add3A_468 = arith.constant 4096 : i32
      %add3A_469 = vector.broadcast %add3A_468 : i32 to vector<16xi32>
      %add3A_470 = arith.addi %get3A_461, %add3A_469 : vector<16xi32>
      %gather3A_471 = tpu.vector_load_idx %arg10[%add3A_470] : memref<16384xf32, #tpu.memory_space<vmem>>[vector<16xi32>], vector<16xf32>,
      %mul3A_472 = arith.mulf %get3A_363, %gather3A_471 : vector<16xf32>
      %add3A_473 = arith.addf %add3A_467, %mul3A_472 : vector<16xf32>
      %add3A_474 = arith.constant 8192 : i32
      %add3A_475 = vector.broadcast %add3A_474 : i32 to vector<16xi32>
      %add3A_476 = arith.addi %get3A_461, %add3A_475 : vector<16xi32>
      %gather3A_477 = tpu.vector_load_idx %arg10[%add3A_476] : memref<16384xf32, #tpu.memory_space<vmem>>[vector<16xi32>], vector<16xf32>,
      %mul3A_478 = arith.mulf %get3A_367, %gather3A_477 : vector<16xf32>
      %add3A_479 = arith.addf %add3A_473, %mul3A_478 : vector<16xf32>
      %add3A_480 = arith.constant 12288 : i32
      %add3A_481 = vector.broadcast %add3A_480 : i32 to vector<16xi32>
      %add3A_482 = arith.addi %get3A_461, %add3A_481 : vector<16xi32>
      %gather3A_483 = tpu.vector_load_idx %arg10[%add3A_482] : memref<16384xf32, #tpu.memory_space<vmem>>[vector<16xi32>], vector<16xf32>,
      %mul3A_484 = arith.mulf %get3A_371, %gather3A_483 : vector<16xf32>
      %add3A_485 = arith.addf %add3A_479, %mul3A_484 : vector<16xf32>
      %add3A_486 = arith.constant 16384 : i32
      %add3A_487 = arith.addi %add3A_486, %mul3A_355 : i32
      %get3A_488 = arith.index_cast %add3A_487 : i32 to index
      %get3A_489 = tpu.vector_load %arg12[%get3A_488] {strides = array<i32>} : memref<20480xi32, #tpu.memory_space<vmem>>, vector<16xi32>,
      %add3A_490 = arith.constant 0 : i32
      %add3A_491 = vector.broadcast %add3A_490 : i32 to vector<16xi32>
      %add3A_492 = arith.addi %get3A_489, %add3A_491 : vector<16xi32>
      %gather3A_493 = tpu.vector_load_idx %arg10[%add3A_492] : memref<16384xf32, #tpu.memory_space<vmem>>[vector<16xi32>], vector<16xf32>,
      %mul3A_494 = arith.mulf %get3A_359, %gather3A_493 : vector<16xf32>
      %add3A_495 = arith.addf %add3A_485, %mul3A_494 : vector<16xf32>
      %add3A_496 = arith.constant 4096 : i32
      %add3A_497 = vector.broadcast %add3A_496 : i32 to vector<16xi32>
      %add3A_498 = arith.addi %get3A_489, %add3A_497 : vector<16xi32>
      %gather3A_499 = tpu.vector_load_idx %arg10[%add3A_498] : memref<16384xf32, #tpu.memory_space<vmem>>[vector<16xi32>], vector<16xf32>,
      %mul3A_500 = arith.mulf %get3A_363, %gather3A_499 : vector<16xf32>
      %add3A_501 = arith.addf %add3A_495, %mul3A_500 : vector<16xf32>
      %add3A_502 = arith.constant 8192 : i32
      %add3A_503 = vector.broadcast %add3A_502 : i32 to vector<16xi32>
      %add3A_504 = arith.addi %get3A_489, %add3A_503 : vector<16xi32>
      %gather3A_505 = tpu.vector_load_idx %arg10[%add3A_504] : memref<16384xf32, #tpu.memory_space<vmem>>[vector<16xi32>], vector<16xf32>,
      %mul3A_506 = arith.mulf %get3A_367, %gather3A_505 : vector<16xf32>
      %add3A_507 = arith.addf %add3A_501, %mul3A_506 : vector<16xf32>
      %add3A_508 = arith.constant 12288 : i32
      %add3A_509 = vector.broadcast %add3A_508 : i32 to vector<16xi32>
      %add3A_510 = arith.addi %get3A_489, %add3A_509 : vector<16xi32>
      %gather3A_511 = tpu.vector_load_idx %arg10[%add3A_510] : memref<16384xf32, #tpu.memory_space<vmem>>[vector<16xi32>], vector<16xf32>,
      %mul3A_512 = arith.mulf %get3A_371, %gather3A_511 : vector<16xf32>
      %add3A_513 = arith.addf %add3A_507, %mul3A_512 : vector<16xf32>
      %swap3A = arith.index_cast %mul3A_355 : i32 to index
      %swap3A_514 = tpu.vector_load %arg13[%swap3A] {strides = array<i32>} : memref<4096xf32, #tpu.memory_space<vmem>>, vector<16xf32>,
      tpu.vector_store %arg13[%swap3A], %add3A_513 {strides = array<i32>} : memref<4096xf32, #tpu.memory_space<vmem>>, vector<16xf32>,
    }
    %scan3A_48 = arith.constant 256 : i32
    %get3A = arith.constant 0 : index
    %get3A_49 = tpu.vector_load %arg16[%get3A] {strides = array<i32>} : memref<48xi32, #tpu.memory_space<vmem>>, vector<16xi32>,
    %get3A_50 = arith.constant 16 : index
    %get3A_51 = tpu.vector_load %arg16[%get3A_50] {strides = array<i32>} : memref<48xi32, #tpu.memory_space<vmem>>, vector<16xi32>,
    %get3A_52 = arith.constant 32 : index
    %get3A_53 = tpu.vector_load %arg16[%get3A_52] {strides = array<i32>} : memref<48xi32, #tpu.memory_space<vmem>>, vector<16xi32>,
    %broadcast_in_dim3A_54 = arith.constant 3.100000e+01 : f32
    %broadcast_in_dim3A_55 = vector.broadcast %broadcast_in_dim3A_54 : f32 to vector<16xf32>
    %eq3A = arith.constant 15 : i32
    %eq3A_56 = vector.broadcast %eq3A : i32 to vector<16xi32>
    %eq3A_57 = arith.cmpi eq, %iota3A, %eq3A_56 : vector<16xi32>
    tpu.vector_store_idx %arg17[%get3A_51], %broadcast_in_dim3A_55 masked %eq3A_57 : memref<4096xf32, #tpu.memory_space<vmem>>[vector<16xi32>], vector<16xf32>, vector<16xi1>
    %broadcast_in_dim3A_58 = arith.constant 3.000000e+01 : f32
    %broadcast_in_dim3A_59 = vector.broadcast %broadcast_in_dim3A_58 : f32 to vector<16xf32>
    %eq3A_60 = arith.constant 14 : i32
    %eq3A_61 = vector.broadcast %eq3A_60 : i32 to vector<16xi32>
    %eq3A_62 = arith.cmpi eq, %iota3A, %eq3A_61 : vector<16xi32>
    tpu.vector_store_idx %arg17[%get3A_51], %broadcast_in_dim3A_59 masked %eq3A_62 : memref<4096xf32, #tpu.memory_space<vmem>>[vector<16xi32>], vector<16xf32>, vector<16xi1>
    %broadcast_in_dim3A_63 = arith.constant 2.900000e+01 : f32
    %broadcast_in_dim3A_64 = vector.broadcast %broadcast_in_dim3A_63 : f32 to vector<16xf32>
    %eq3A_65 = arith.constant 13 : i32
    %eq3A_66 = vector.broadcast %eq3A_65 : i32 to vector<16xi32>
    %eq3A_67 = arith.cmpi eq, %iota3A, %eq3A_66 : vector<16xi32>
    tpu.vector_store_idx %arg17[%get3A_51], %broadcast_in_dim3A_64 masked %eq3A_67 : memref<4096xf32, #tpu.memory_space<vmem>>[vector<16xi32>], vector<16xf32>, vector<16xi1>
    %broadcast_in_dim3A_68 = arith.constant 2.800000e+01 : f32
    %broadcast_in_dim3A_69 = vector.broadcast %broadcast_in_dim3A_68 : f32 to vector<16xf32>
    %eq3A_70 = arith.constant 12 : i32
    %eq3A_71 = vector.broadcast %eq3A_70 : i32 to vector<16xi32>
    %eq3A_72 = arith.cmpi eq, %iota3A, %eq3A_71 : vector<16xi32>
    tpu.vector_store_idx %arg17[%get3A_51], %broadcast_in_dim3A_69 masked %eq3A_72 : memref<4096xf32, #tpu.memory_space<vmem>>[vector<16xi32>], vector<16xf32>, vector<16xi1>
    %broadcast_in_dim3A_73 = arith.constant 2.700000e+01 : f32
    %broadcast_in_dim3A_74 = vector.broadcast %broadcast_in_dim3A_73 : f32 to vector<16xf32>
    %eq3A_75 = arith.constant 11 : i32
    %eq3A_76 = vector.broadcast %eq3A_75 : i32 to vector<16xi32>
    %eq3A_77 = arith.cmpi eq, %iota3A, %eq3A_76 : vector<16xi32>
    tpu.vector_store_idx %arg17[%get3A_51], %broadcast_in_dim3A_74 masked %eq3A_77 : memref<4096xf32, #tpu.memory_space<vmem>>[vector<16xi32>], vector<16xf32>, vector<16xi1>
    %broadcast_in_dim3A_78 = arith.constant 2.600000e+01 : f32
    %broadcast_in_dim3A_79 = vector.broadcast %broadcast_in_dim3A_78 : f32 to vector<16xf32>
    %eq3A_80 = arith.constant 10 : i32
    %eq3A_81 = vector.broadcast %eq3A_80 : i32 to vector<16xi32>
    %eq3A_82 = arith.cmpi eq, %iota3A, %eq3A_81 : vector<16xi32>
    tpu.vector_store_idx %arg17[%get3A_51], %broadcast_in_dim3A_79 masked %eq3A_82 : memref<4096xf32, #tpu.memory_space<vmem>>[vector<16xi32>], vector<16xf32>, vector<16xi1>
    %broadcast_in_dim3A_83 = arith.constant 2.500000e+01 : f32
    %broadcast_in_dim3A_84 = vector.broadcast %broadcast_in_dim3A_83 : f32 to vector<16xf32>
    %eq3A_85 = arith.constant 9 : i32
    %eq3A_86 = vector.broadcast %eq3A_85 : i32 to vector<16xi32>
    %eq3A_87 = arith.cmpi eq, %iota3A, %eq3A_86 : vector<16xi32>
    tpu.vector_store_idx %arg17[%get3A_51], %broadcast_in_dim3A_84 masked %eq3A_87 : memref<4096xf32, #tpu.memory_space<vmem>>[vector<16xi32>], vector<16xf32>, vector<16xi1>
    %broadcast_in_dim3A_88 = arith.constant 2.400000e+01 : f32
    %broadcast_in_dim3A_89 = vector.broadcast %broadcast_in_dim3A_88 : f32 to vector<16xf32>
    %eq3A_90 = arith.constant 8 : i32
    %eq3A_91 = vector.broadcast %eq3A_90 : i32 to vector<16xi32>
    %eq3A_92 = arith.cmpi eq, %iota3A, %eq3A_91 : vector<16xi32>
    tpu.vector_store_idx %arg17[%get3A_51], %broadcast_in_dim3A_89 masked %eq3A_92 : memref<4096xf32, #tpu.memory_space<vmem>>[vector<16xi32>], vector<16xf32>, vector<16xi1>
    %broadcast_in_dim3A_93 = arith.constant 2.300000e+01 : f32
    %broadcast_in_dim3A_94 = vector.broadcast %broadcast_in_dim3A_93 : f32 to vector<16xf32>
    %eq3A_95 = arith.constant 7 : i32
    %eq3A_96 = vector.broadcast %eq3A_95 : i32 to vector<16xi32>
    %eq3A_97 = arith.cmpi eq, %iota3A, %eq3A_96 : vector<16xi32>
    tpu.vector_store_idx %arg17[%get3A_51], %broadcast_in_dim3A_94 masked %eq3A_97 : memref<4096xf32, #tpu.memory_space<vmem>>[vector<16xi32>], vector<16xf32>, vector<16xi1>
    %broadcast_in_dim3A_98 = arith.constant 2.200000e+01 : f32
    %broadcast_in_dim3A_99 = vector.broadcast %broadcast_in_dim3A_98 : f32 to vector<16xf32>
    %eq3A_100 = arith.constant 6 : i32
    %eq3A_101 = vector.broadcast %eq3A_100 : i32 to vector<16xi32>
    %eq3A_102 = arith.cmpi eq, %iota3A, %eq3A_101 : vector<16xi32>
    tpu.vector_store_idx %arg17[%get3A_51], %broadcast_in_dim3A_99 masked %eq3A_102 : memref<4096xf32, #tpu.memory_space<vmem>>[vector<16xi32>], vector<16xf32>, vector<16xi1>
    %broadcast_in_dim3A_103 = arith.constant 2.100000e+01 : f32
    %broadcast_in_dim3A_104 = vector.broadcast %broadcast_in_dim3A_103 : f32 to vector<16xf32>
    %eq3A_105 = arith.constant 5 : i32
    %eq3A_106 = vector.broadcast %eq3A_105 : i32 to vector<16xi32>
    %eq3A_107 = arith.cmpi eq, %iota3A, %eq3A_106 : vector<16xi32>
    tpu.vector_store_idx %arg17[%get3A_51], %broadcast_in_dim3A_104 masked %eq3A_107 : memref<4096xf32, #tpu.memory_space<vmem>>[vector<16xi32>], vector<16xf32>, vector<16xi1>
    %broadcast_in_dim3A_108 = arith.constant 2.000000e+01 : f32
    %broadcast_in_dim3A_109 = vector.broadcast %broadcast_in_dim3A_108 : f32 to vector<16xf32>
    %eq3A_110 = arith.constant 4 : i32
    %eq3A_111 = vector.broadcast %eq3A_110 : i32 to vector<16xi32>
    %eq3A_112 = arith.cmpi eq, %iota3A, %eq3A_111 : vector<16xi32>
    tpu.vector_store_idx %arg17[%get3A_51], %broadcast_in_dim3A_109 masked %eq3A_112 : memref<4096xf32, #tpu.memory_space<vmem>>[vector<16xi32>], vector<16xf32>, vector<16xi1>
    %broadcast_in_dim3A_113 = arith.constant 1.900000e+01 : f32
    %broadcast_in_dim3A_114 = vector.broadcast %broadcast_in_dim3A_113 : f32 to vector<16xf32>
    %eq3A_115 = arith.constant 3 : i32
    %eq3A_116 = vector.broadcast %eq3A_115 : i32 to vector<16xi32>
    %eq3A_117 = arith.cmpi eq, %iota3A, %eq3A_116 : vector<16xi32>
    tpu.vector_store_idx %arg17[%get3A_51], %broadcast_in_dim3A_114 masked %eq3A_117 : memref<4096xf32, #tpu.memory_space<vmem>>[vector<16xi32>], vector<16xf32>, vector<16xi1>
    %broadcast_in_dim3A_118 = arith.constant 1.800000e+01 : f32
    %broadcast_in_dim3A_119 = vector.broadcast %broadcast_in_dim3A_118 : f32 to vector<16xf32>
    %eq3A_120 = arith.constant 2 : i32
    %eq3A_121 = vector.broadcast %eq3A_120 : i32 to vector<16xi32>
    %eq3A_122 = arith.cmpi eq, %iota3A, %eq3A_121 : vector<16xi32>
    tpu.vector_store_idx %arg17[%get3A_51], %broadcast_in_dim3A_119 masked %eq3A_122 : memref<4096xf32, #tpu.memory_space<vmem>>[vector<16xi32>], vector<16xf32>, vector<16xi1>
    %broadcast_in_dim3A_123 = arith.constant 1.700000e+01 : f32
    %broadcast_in_dim3A_124 = vector.broadcast %broadcast_in_dim3A_123 : f32 to vector<16xf32>
    %eq3A_125 = arith.constant 1 : i32
    %eq3A_126 = vector.broadcast %eq3A_125 : i32 to vector<16xi32>
    %eq3A_127 = arith.cmpi eq, %iota3A, %eq3A_126 : vector<16xi32>
    tpu.vector_store_idx %arg17[%get3A_51], %broadcast_in_dim3A_124 masked %eq3A_127 : memref<4096xf32, #tpu.memory_space<vmem>>[vector<16xi32>], vector<16xf32>, vector<16xi1>
    %broadcast_in_dim3A_128 = arith.constant 1.600000e+01 : f32
    %broadcast_in_dim3A_129 = vector.broadcast %broadcast_in_dim3A_128 : f32 to vector<16xf32>
    %eq3A_130 = arith.constant 0 : i32
    %eq3A_131 = vector.broadcast %eq3A_130 : i32 to vector<16xi32>
    %eq3A_132 = arith.cmpi eq, %iota3A, %eq3A_131 : vector<16xi32>
    tpu.vector_store_idx %arg17[%get3A_51], %broadcast_in_dim3A_129 masked %eq3A_132 : memref<4096xf32, #tpu.memory_space<vmem>>[vector<16xi32>], vector<16xf32>, vector<16xi1>
    %broadcast_in_dim3A_133 = arith.constant 1.500000e+01 : f32
    %broadcast_in_dim3A_134 = vector.broadcast %broadcast_in_dim3A_133 : f32 to vector<16xf32>
    %eq3A_135 = arith.constant 15 : i32
    %eq3A_136 = vector.broadcast %eq3A_135 : i32 to vector<16xi32>
    %eq3A_137 = arith.cmpi eq, %iota3A, %eq3A_136 : vector<16xi32>
    tpu.vector_store_idx %arg17[%get3A_49], %broadcast_in_dim3A_134 masked %eq3A_137 : memref<4096xf32, #tpu.memory_space<vmem>>[vector<16xi32>], vector<16xf32>, vector<16xi1>
    %broadcast_in_dim3A_138 = arith.constant 1.400000e+01 : f32
    %broadcast_in_dim3A_139 = vector.broadcast %broadcast_in_dim3A_138 : f32 to vector<16xf32>
    %eq3A_140 = arith.constant 14 : i32
    %eq3A_141 = vector.broadcast %eq3A_140 : i32 to vector<16xi32>
    %eq3A_142 = arith.cmpi eq, %iota3A, %eq3A_141 : vector<16xi32>
    tpu.vector_store_idx %arg17[%get3A_49], %broadcast_in_dim3A_139 masked %eq3A_142 : memref<4096xf32, #tpu.memory_space<vmem>>[vector<16xi32>], vector<16xf32>, vector<16xi1>
    %broadcast_in_dim3A_143 = arith.constant 1.300000e+01 : f32
    %broadcast_in_dim3A_144 = vector.broadcast %broadcast_in_dim3A_143 : f32 to vector<16xf32>
    %eq3A_145 = arith.constant 13 : i32
    %eq3A_146 = vector.broadcast %eq3A_145 : i32 to vector<16xi32>
    %eq3A_147 = arith.cmpi eq, %iota3A, %eq3A_146 : vector<16xi32>
    tpu.vector_store_idx %arg17[%get3A_49], %broadcast_in_dim3A_144 masked %eq3A_147 : memref<4096xf32, #tpu.memory_space<vmem>>[vector<16xi32>], vector<16xf32>, vector<16xi1>
    %broadcast_in_dim3A_148 = arith.constant 1.200000e+01 : f32
    %broadcast_in_dim3A_149 = vector.broadcast %broadcast_in_dim3A_148 : f32 to vector<16xf32>
    %eq3A_150 = arith.constant 12 : i32
    %eq3A_151 = vector.broadcast %eq3A_150 : i32 to vector<16xi32>
    %eq3A_152 = arith.cmpi eq, %iota3A, %eq3A_151 : vector<16xi32>
    tpu.vector_store_idx %arg17[%get3A_49], %broadcast_in_dim3A_149 masked %eq3A_152 : memref<4096xf32, #tpu.memory_space<vmem>>[vector<16xi32>], vector<16xf32>, vector<16xi1>
    %broadcast_in_dim3A_153 = arith.constant 1.100000e+01 : f32
    %broadcast_in_dim3A_154 = vector.broadcast %broadcast_in_dim3A_153 : f32 to vector<16xf32>
    %eq3A_155 = arith.constant 11 : i32
    %eq3A_156 = vector.broadcast %eq3A_155 : i32 to vector<16xi32>
    %eq3A_157 = arith.cmpi eq, %iota3A, %eq3A_156 : vector<16xi32>
    tpu.vector_store_idx %arg17[%get3A_49], %broadcast_in_dim3A_154 masked %eq3A_157 : memref<4096xf32, #tpu.memory_space<vmem>>[vector<16xi32>], vector<16xf32>, vector<16xi1>
    %broadcast_in_dim3A_158 = arith.constant 1.000000e+01 : f32
    %broadcast_in_dim3A_159 = vector.broadcast %broadcast_in_dim3A_158 : f32 to vector<16xf32>
    %eq3A_160 = arith.constant 10 : i32
    %eq3A_161 = vector.broadcast %eq3A_160 : i32 to vector<16xi32>
    %eq3A_162 = arith.cmpi eq, %iota3A, %eq3A_161 : vector<16xi32>
    tpu.vector_store_idx %arg17[%get3A_49], %broadcast_in_dim3A_159 masked %eq3A_162 : memref<4096xf32, #tpu.memory_space<vmem>>[vector<16xi32>], vector<16xf32>, vector<16xi1>
    %broadcast_in_dim3A_163 = arith.constant 9.000000e+00 : f32
    %broadcast_in_dim3A_164 = vector.broadcast %broadcast_in_dim3A_163 : f32 to vector<16xf32>
    %eq3A_165 = arith.constant 9 : i32
    %eq3A_166 = vector.broadcast %eq3A_165 : i32 to vector<16xi32>
    %eq3A_167 = arith.cmpi eq, %iota3A, %eq3A_166 : vector<16xi32>
    tpu.vector_store_idx %arg17[%get3A_49], %broadcast_in_dim3A_164 masked %eq3A_167 : memref<4096xf32, #tpu.memory_space<vmem>>[vector<16xi32>], vector<16xf32>, vector<16xi1>
    %broadcast_in_dim3A_168 = arith.constant 8.000000e+00 : f32
    %broadcast_in_dim3A_169 = vector.broadcast %broadcast_in_dim3A_168 : f32 to vector<16xf32>
    %eq3A_170 = arith.constant 8 : i32
    %eq3A_171 = vector.broadcast %eq3A_170 : i32 to vector<16xi32>
    %eq3A_172 = arith.cmpi eq, %iota3A, %eq3A_171 : vector<16xi32>
    tpu.vector_store_idx %arg17[%get3A_49], %broadcast_in_dim3A_169 masked %eq3A_172 : memref<4096xf32, #tpu.memory_space<vmem>>[vector<16xi32>], vector<16xf32>, vector<16xi1>
    %broadcast_in_dim3A_173 = arith.constant 7.000000e+00 : f32
    %broadcast_in_dim3A_174 = vector.broadcast %broadcast_in_dim3A_173 : f32 to vector<16xf32>
    %eq3A_175 = arith.constant 7 : i32
    %eq3A_176 = vector.broadcast %eq3A_175 : i32 to vector<16xi32>
    %eq3A_177 = arith.cmpi eq, %iota3A, %eq3A_176 : vector<16xi32>
    tpu.vector_store_idx %arg17[%get3A_49], %broadcast_in_dim3A_174 masked %eq3A_177 : memref<4096xf32, #tpu.memory_space<vmem>>[vector<16xi32>], vector<16xf32>, vector<16xi1>
    %broadcast_in_dim3A_178 = arith.constant 6.000000e+00 : f32
    %broadcast_in_dim3A_179 = vector.broadcast %broadcast_in_dim3A_178 : f32 to vector<16xf32>
    %eq3A_180 = arith.constant 6 : i32
    %eq3A_181 = vector.broadcast %eq3A_180 : i32 to vector<16xi32>
    %eq3A_182 = arith.cmpi eq, %iota3A, %eq3A_181 : vector<16xi32>
    tpu.vector_store_idx %arg17[%get3A_49], %broadcast_in_dim3A_179 masked %eq3A_182 : memref<4096xf32, #tpu.memory_space<vmem>>[vector<16xi32>], vector<16xf32>, vector<16xi1>
    %broadcast_in_dim3A_183 = arith.constant 5.000000e+00 : f32
    %broadcast_in_dim3A_184 = vector.broadcast %broadcast_in_dim3A_183 : f32 to vector<16xf32>
    %eq3A_185 = arith.constant 5 : i32
    %eq3A_186 = vector.broadcast %eq3A_185 : i32 to vector<16xi32>
    %eq3A_187 = arith.cmpi eq, %iota3A, %eq3A_186 : vector<16xi32>
    tpu.vector_store_idx %arg17[%get3A_49], %broadcast_in_dim3A_184 masked %eq3A_187 : memref<4096xf32, #tpu.memory_space<vmem>>[vector<16xi32>], vector<16xf32>, vector<16xi1>
    %broadcast_in_dim3A_188 = arith.constant 4.000000e+00 : f32
    %broadcast_in_dim3A_189 = vector.broadcast %broadcast_in_dim3A_188 : f32 to vector<16xf32>
    %eq3A_190 = arith.constant 4 : i32
    %eq3A_191 = vector.broadcast %eq3A_190 : i32 to vector<16xi32>
    %eq3A_192 = arith.cmpi eq, %iota3A, %eq3A_191 : vector<16xi32>
    tpu.vector_store_idx %arg17[%get3A_49], %broadcast_in_dim3A_189 masked %eq3A_192 : memref<4096xf32, #tpu.memory_space<vmem>>[vector<16xi32>], vector<16xf32>, vector<16xi1>
    %broadcast_in_dim3A_193 = arith.constant 3.000000e+00 : f32
    %broadcast_in_dim3A_194 = vector.broadcast %broadcast_in_dim3A_193 : f32 to vector<16xf32>
    %eq3A_195 = arith.constant 3 : i32
    %eq3A_196 = vector.broadcast %eq3A_195 : i32 to vector<16xi32>
    %eq3A_197 = arith.cmpi eq, %iota3A, %eq3A_196 : vector<16xi32>
    tpu.vector_store_idx %arg17[%get3A_49], %broadcast_in_dim3A_194 masked %eq3A_197 : memref<4096xf32, #tpu.memory_space<vmem>>[vector<16xi32>], vector<16xf32>, vector<16xi1>
    %broadcast_in_dim3A_198 = arith.constant 2.000000e+00 : f32
    %broadcast_in_dim3A_199 = vector.broadcast %broadcast_in_dim3A_198 : f32 to vector<16xf32>
    %eq3A_200 = arith.constant 2 : i32
    %eq3A_201 = vector.broadcast %eq3A_200 : i32 to vector<16xi32>
    %eq3A_202 = arith.cmpi eq, %iota3A, %eq3A_201 : vector<16xi32>
    tpu.vector_store_idx %arg17[%get3A_49], %broadcast_in_dim3A_199 masked %eq3A_202 : memref<4096xf32, #tpu.memory_space<vmem>>[vector<16xi32>], vector<16xf32>, vector<16xi1>
    %broadcast_in_dim3A_203 = arith.constant 1.000000e+00 : f32
    %broadcast_in_dim3A_204 = vector.broadcast %broadcast_in_dim3A_203 : f32 to vector<16xf32>
    %eq3A_205 = arith.constant 1 : i32
    %eq3A_206 = vector.broadcast %eq3A_205 : i32 to vector<16xi32>
    %eq3A_207 = arith.cmpi eq, %iota3A, %eq3A_206 : vector<16xi32>
    tpu.vector_store_idx %arg17[%get3A_49], %broadcast_in_dim3A_204 masked %eq3A_207 : memref<4096xf32, #tpu.memory_space<vmem>>[vector<16xi32>], vector<16xf32>, vector<16xi1>
    %broadcast_in_dim3A_208 = arith.constant 0.000000e+00 : f32
    %broadcast_in_dim3A_209 = vector.broadcast %broadcast_in_dim3A_208 : f32 to vector<16xf32>
    %eq3A_210 = arith.constant 0 : i32
    %eq3A_211 = vector.broadcast %eq3A_210 : i32 to vector<16xi32>
    %eq3A_212 = arith.cmpi eq, %iota3A, %eq3A_211 : vector<16xi32>
    tpu.vector_store_idx %arg17[%get3A_49], %broadcast_in_dim3A_209 masked %eq3A_212 : memref<4096xf32, #tpu.memory_space<vmem>>[vector<16xi32>], vector<16xf32>, vector<16xi1>
    %add3A_213 = arith.constant 0 : i32
    %add3A_214 = vector.broadcast %add3A_213 : i32 to vector<16xi32>
    %add3A_215 = arith.addi %get3A_49, %add3A_214 : vector<16xi32>
    %gather3A = tpu.vector_load_idx %arg10[%add3A_215] : memref<16384xf32, #tpu.memory_space<vmem>>[vector<16xi32>], vector<16xf32>,
    %add3A_216 = arith.constant 4096 : i32
    %add3A_217 = vector.broadcast %add3A_216 : i32 to vector<16xi32>
    %add3A_218 = arith.addi %get3A_49, %add3A_217 : vector<16xi32>
    %gather3A_219 = tpu.vector_load_idx %arg10[%add3A_218] : memref<16384xf32, #tpu.memory_space<vmem>>[vector<16xi32>], vector<16xf32>,
    %add3A_220 = arith.constant 8192 : i32
    %add3A_221 = vector.broadcast %add3A_220 : i32 to vector<16xi32>
    %add3A_222 = arith.addi %get3A_49, %add3A_221 : vector<16xi32>
    %gather3A_223 = tpu.vector_load_idx %arg10[%add3A_222] : memref<16384xf32, #tpu.memory_space<vmem>>[vector<16xi32>], vector<16xf32>,
    %add3A_224 = arith.constant 12288 : i32
    %add3A_225 = vector.broadcast %add3A_224 : i32 to vector<16xi32>
    %add3A_226 = arith.addi %get3A_49, %add3A_225 : vector<16xi32>
    %gather3A_227 = tpu.vector_load_idx %arg10[%add3A_226] : memref<16384xf32, #tpu.memory_space<vmem>>[vector<16xi32>], vector<16xf32>,
    %gather3A_228 = tpu.vector_load_idx %arg14[%get3A_49] : memref<8192xf32, #tpu.memory_space<vmem>>[vector<16xi32>], vector<16xf32>,
    %add3A_229 = arith.constant 4096 : i32
    %add3A_230 = vector.broadcast %add3A_229 : i32 to vector<16xi32>
    %add3A_231 = arith.addi %get3A_49, %add3A_230 : vector<16xi32>
    %gather3A_232 = tpu.vector_load_idx %arg14[%add3A_231] : memref<8192xf32, #tpu.memory_space<vmem>>[vector<16xi32>], vector<16xf32>,
    %gather3A_233 = tpu.vector_load_idx %arg15[%get3A_49] : memref<4096xf32, #tpu.memory_space<vmem>>[vector<16xi32>], vector<16xf32>,
    %gather3A_234 = tpu.vector_load_idx %arg13[%get3A_49] : memref<4096xf32, #tpu.memory_space<vmem>>[vector<16xi32>], vector<16xf32>,
    %add3A_235 = arith.constant 0 : i32
    %add3A_236 = vector.broadcast %add3A_235 : i32 to vector<16xi32>
    %add3A_237 = arith.addi %mul3A_6, %add3A_236 : vector<16xi32>
    tpu.vector_store_idx %arg18[%add3A_237], %gather3A : memref<384xf32, #tpu.memory_space<vmem>>[vector<16xi32>], vector<16xf32>,
    %add3A_238 = arith.constant 1 : i32
    %add3A_239 = vector.broadcast %add3A_238 : i32 to vector<16xi32>
    %add3A_240 = arith.addi %mul3A_6, %add3A_239 : vector<16xi32>
    tpu.vector_store_idx %arg18[%add3A_240], %gather3A_219 : memref<384xf32, #tpu.memory_space<vmem>>[vector<16xi32>], vector<16xf32>,
    %add3A_241 = arith.constant 2 : i32
    %add3A_242 = vector.broadcast %add3A_241 : i32 to vector<16xi32>
    %add3A_243 = arith.addi %mul3A_6, %add3A_242 : vector<16xi32>
    tpu.vector_store_idx %arg18[%add3A_243], %gather3A_223 : memref<384xf32, #tpu.memory_space<vmem>>[vector<16xi32>], vector<16xf32>,
    %add3A_244 = arith.constant 3 : i32
    %add3A_245 = vector.broadcast %add3A_244 : i32 to vector<16xi32>
    %add3A_246 = arith.addi %mul3A_6, %add3A_245 : vector<16xi32>
    tpu.vector_store_idx %arg18[%add3A_246], %gather3A_227 : memref<384xf32, #tpu.memory_space<vmem>>[vector<16xi32>], vector<16xf32>,
    %add3A_247 = arith.constant 4 : i32
    %add3A_248 = vector.broadcast %add3A_247 : i32 to vector<16xi32>
    %add3A_249 = arith.addi %mul3A_6, %add3A_248 : vector<16xi32>
    tpu.vector_store_idx %arg18[%add3A_249], %gather3A_228 : memref<384xf32, #tpu.memory_space<vmem>>[vector<16xi32>], vector<16xf32>,
    %add3A_250 = arith.constant 5 : i32
    %add3A_251 = vector.broadcast %add3A_250 : i32 to vector<16xi32>
    %add3A_252 = arith.addi %mul3A_6, %add3A_251 : vector<16xi32>
    tpu.vector_store_idx %arg18[%add3A_252], %gather3A_232 : memref<384xf32, #tpu.memory_space<vmem>>[vector<16xi32>], vector<16xf32>,
    %add3A_253 = arith.constant 6 : i32
    %add3A_254 = vector.broadcast %add3A_253 : i32 to vector<16xi32>
    %add3A_255 = arith.addi %mul3A_6, %add3A_254 : vector<16xi32>
    tpu.vector_store_idx %arg18[%add3A_255], %gather3A_233 : memref<384xf32, #tpu.memory_space<vmem>>[vector<16xi32>], vector<16xf32>,
    %add3A_256 = arith.constant 7 : i32
    %add3A_257 = vector.broadcast %add3A_256 : i32 to vector<16xi32>
    %add3A_258 = arith.addi %mul3A_6, %add3A_257 : vector<16xi32>
    tpu.vector_store_idx %arg18[%add3A_258], %gather3A_234 : memref<384xf32, #tpu.memory_space<vmem>>[vector<16xi32>], vector<16xf32>,
    %add3A_259 = arith.constant 0 : i32
    %add3A_260 = vector.broadcast %add3A_259 : i32 to vector<16xi32>
    %add3A_261 = arith.addi %get3A_51, %add3A_260 : vector<16xi32>
    %gather3A_262 = tpu.vector_load_idx %arg10[%add3A_261] : memref<16384xf32, #tpu.memory_space<vmem>>[vector<16xi32>], vector<16xf32>,
    %add3A_263 = arith.constant 4096 : i32
    %add3A_264 = vector.broadcast %add3A_263 : i32 to vector<16xi32>
    %add3A_265 = arith.addi %get3A_51, %add3A_264 : vector<16xi32>
    %gather3A_266 = tpu.vector_load_idx %arg10[%add3A_265] : memref<16384xf32, #tpu.memory_space<vmem>>[vector<16xi32>], vector<16xf32>,
    %add3A_267 = arith.constant 8192 : i32
    %add3A_268 = vector.broadcast %add3A_267 : i32 to vector<16xi32>
    %add3A_269 = arith.addi %get3A_51, %add3A_268 : vector<16xi32>
    %gather3A_270 = tpu.vector_load_idx %arg10[%add3A_269] : memref<16384xf32, #tpu.memory_space<vmem>>[vector<16xi32>], vector<16xf32>,
    %add3A_271 = arith.constant 12288 : i32
    %add3A_272 = vector.broadcast %add3A_271 : i32 to vector<16xi32>
    %add3A_273 = arith.addi %get3A_51, %add3A_272 : vector<16xi32>
    %gather3A_274 = tpu.vector_load_idx %arg10[%add3A_273] : memref<16384xf32, #tpu.memory_space<vmem>>[vector<16xi32>], vector<16xf32>,
    %gather3A_275 = tpu.vector_load_idx %arg14[%get3A_51] : memref<8192xf32, #tpu.memory_space<vmem>>[vector<16xi32>], vector<16xf32>,
    %add3A_276 = arith.constant 4096 : i32
    %add3A_277 = vector.broadcast %add3A_276 : i32 to vector<16xi32>
    %add3A_278 = arith.addi %get3A_51, %add3A_277 : vector<16xi32>
    %gather3A_279 = tpu.vector_load_idx %arg14[%add3A_278] : memref<8192xf32, #tpu.memory_space<vmem>>[vector<16xi32>], vector<16xf32>,
    %gather3A_280 = tpu.vector_load_idx %arg15[%get3A_51] : memref<4096xf32, #tpu.memory_space<vmem>>[vector<16xi32>], vector<16xf32>,
    %gather3A_281 = tpu.vector_load_idx %arg13[%get3A_51] : memref<4096xf32, #tpu.memory_space<vmem>>[vector<16xi32>], vector<16xf32>,
    %add3A_282 = arith.constant 128 : i32
    %add3A_283 = vector.broadcast %add3A_282 : i32 to vector<16xi32>
    %add3A_284 = arith.addi %mul3A_6, %add3A_283 : vector<16xi32>
    tpu.vector_store_idx %arg18[%add3A_284], %gather3A_262 : memref<384xf32, #tpu.memory_space<vmem>>[vector<16xi32>], vector<16xf32>,
    %add3A_285 = arith.constant 129 : i32
    %add3A_286 = vector.broadcast %add3A_285 : i32 to vector<16xi32>
    %add3A_287 = arith.addi %mul3A_6, %add3A_286 : vector<16xi32>
    tpu.vector_store_idx %arg18[%add3A_287], %gather3A_266 : memref<384xf32, #tpu.memory_space<vmem>>[vector<16xi32>], vector<16xf32>,
    %add3A_288 = arith.constant 130 : i32
    %add3A_289 = vector.broadcast %add3A_288 : i32 to vector<16xi32>
    %add3A_290 = arith.addi %mul3A_6, %add3A_289 : vector<16xi32>
    tpu.vector_store_idx %arg18[%add3A_290], %gather3A_270 : memref<384xf32, #tpu.memory_space<vmem>>[vector<16xi32>], vector<16xf32>,
    %add3A_291 = arith.constant 131 : i32
    %add3A_292 = vector.broadcast %add3A_291 : i32 to vector<16xi32>
    %add3A_293 = arith.addi %mul3A_6, %add3A_292 : vector<16xi32>
    tpu.vector_store_idx %arg18[%add3A_293], %gather3A_274 : memref<384xf32, #tpu.memory_space<vmem>>[vector<16xi32>], vector<16xf32>,
    %add3A_294 = arith.constant 132 : i32
    %add3A_295 = vector.broadcast %add3A_294 : i32 to vector<16xi32>
    %add3A_296 = arith.addi %mul3A_6, %add3A_295 : vector<16xi32>
    tpu.vector_store_idx %arg18[%add3A_296], %gather3A_275 : memref<384xf32, #tpu.memory_space<vmem>>[vector<16xi32>], vector<16xf32>,
    %add3A_297 = arith.constant 133 : i32
    %add3A_298 = vector.broadcast %add3A_297 : i32 to vector<16xi32>
    %add3A_299 = arith.addi %mul3A_6, %add3A_298 : vector<16xi32>
    tpu.vector_store_idx %arg18[%add3A_299], %gather3A_279 : memref<384xf32, #tpu.memory_space<vmem>>[vector<16xi32>], vector<16xf32>,
    %add3A_300 = arith.constant 134 : i32
    %add3A_301 = vector.broadcast %add3A_300 : i32 to vector<16xi32>
    %add3A_302 = arith.addi %mul3A_6, %add3A_301 : vector<16xi32>
    tpu.vector_store_idx %arg18[%add3A_302], %gather3A_280 : memref<384xf32, #tpu.memory_space<vmem>>[vector<16xi32>], vector<16xf32>,
    %add3A_303 = arith.constant 135 : i32
    %add3A_304 = vector.broadcast %add3A_303 : i32 to vector<16xi32>
    %add3A_305 = arith.addi %mul3A_6, %add3A_304 : vector<16xi32>
    tpu.vector_store_idx %arg18[%add3A_305], %gather3A_281 : memref<384xf32, #tpu.memory_space<vmem>>[vector<16xi32>], vector<16xf32>,
    %add3A_306 = arith.constant 0 : i32
    %add3A_307 = vector.broadcast %add3A_306 : i32 to vector<16xi32>
    %add3A_308 = arith.addi %get3A_53, %add3A_307 : vector<16xi32>
    %gather3A_309 = tpu.vector_load_idx %arg10[%add3A_308] : memref<16384xf32, #tpu.memory_space<vmem>>[vector<16xi32>], vector<16xf32>,
    %add3A_310 = arith.constant 4096 : i32
    %add3A_311 = vector.broadcast %add3A_310 : i32 to vector<16xi32>
    %add3A_312 = arith.addi %get3A_53, %add3A_311 : vector<16xi32>
    %gather3A_313 = tpu.vector_load_idx %arg10[%add3A_312] : memref<16384xf32, #tpu.memory_space<vmem>>[vector<16xi32>], vector<16xf32>,
    %add3A_314 = arith.constant 8192 : i32
    %add3A_315 = vector.broadcast %add3A_314 : i32 to vector<16xi32>
    %add3A_316 = arith.addi %get3A_53, %add3A_315 : vector<16xi32>
    %gather3A_317 = tpu.vector_load_idx %arg10[%add3A_316] : memref<16384xf32, #tpu.memory_space<vmem>>[vector<16xi32>], vector<16xf32>,
    %add3A_318 = arith.constant 12288 : i32
    %add3A_319 = vector.broadcast %add3A_318 : i32 to vector<16xi32>
    %add3A_320 = arith.addi %get3A_53, %add3A_319 : vector<16xi32>
    %gather3A_321 = tpu.vector_load_idx %arg10[%add3A_320] : memref<16384xf32, #tpu.memory_space<vmem>>[vector<16xi32>], vector<16xf32>,
    %gather3A_322 = tpu.vector_load_idx %arg14[%get3A_53] : memref<8192xf32, #tpu.memory_space<vmem>>[vector<16xi32>], vector<16xf32>,
    %add3A_323 = arith.constant 4096 : i32
    %add3A_324 = vector.broadcast %add3A_323 : i32 to vector<16xi32>
    %add3A_325 = arith.addi %get3A_53, %add3A_324 : vector<16xi32>
    %gather3A_326 = tpu.vector_load_idx %arg14[%add3A_325] : memref<8192xf32, #tpu.memory_space<vmem>>[vector<16xi32>], vector<16xf32>,
    %gather3A_327 = tpu.vector_load_idx %arg15[%get3A_53] : memref<4096xf32, #tpu.memory_space<vmem>>[vector<16xi32>], vector<16xf32>,
    %gather3A_328 = tpu.vector_load_idx %arg13[%get3A_53] : memref<4096xf32, #tpu.memory_space<vmem>>[vector<16xi32>], vector<16xf32>,
    %add3A_329 = arith.constant 256 : i32
    %add3A_330 = vector.broadcast %add3A_329 : i32 to vector<16xi32>
    %add3A_331 = arith.addi %mul3A_6, %add3A_330 : vector<16xi32>
    tpu.vector_store_idx %arg18[%add3A_331], %gather3A_309 : memref<384xf32, #tpu.memory_space<vmem>>[vector<16xi32>], vector<16xf32>,
    %add3A_332 = arith.constant 257 : i32
    %add3A_333 = vector.broadcast %add3A_332 : i32 to vector<16xi32>
    %add3A_334 = arith.addi %mul3A_6, %add3A_333 : vector<16xi32>
    tpu.vector_store_idx %arg18[%add3A_334], %gather3A_313 : memref<384xf32, #tpu.memory_space<vmem>>[vector<16xi32>], vector<16xf32>,
    %add3A_335 = arith.constant 258 : i32
    %add3A_336 = vector.broadcast %add3A_335 : i32 to vector<16xi32>
    %add3A_337 = arith.addi %mul3A_6, %add3A_336 : vector<16xi32>
    tpu.vector_store_idx %arg18[%add3A_337], %gather3A_317 : memref<384xf32, #tpu.memory_space<vmem>>[vector<16xi32>], vector<16xf32>,
    %add3A_338 = arith.constant 259 : i32
    %add3A_339 = vector.broadcast %add3A_338 : i32 to vector<16xi32>
    %add3A_340 = arith.addi %mul3A_6, %add3A_339 : vector<16xi32>
    tpu.vector_store_idx %arg18[%add3A_340], %gather3A_321 : memref<384xf32, #tpu.memory_space<vmem>>[vector<16xi32>], vector<16xf32>,
    %add3A_341 = arith.constant 260 : i32
    %add3A_342 = vector.broadcast %add3A_341 : i32 to vector<16xi32>
    %add3A_343 = arith.addi %mul3A_6, %add3A_342 : vector<16xi32>
    tpu.vector_store_idx %arg18[%add3A_343], %gather3A_322 : memref<384xf32, #tpu.memory_space<vmem>>[vector<16xi32>], vector<16xf32>,
    %add3A_344 = arith.constant 261 : i32
    %add3A_345 = vector.broadcast %add3A_344 : i32 to vector<16xi32>
    %add3A_346 = arith.addi %mul3A_6, %add3A_345 : vector<16xi32>
    tpu.vector_store_idx %arg18[%add3A_346], %gather3A_326 : memref<384xf32, #tpu.memory_space<vmem>>[vector<16xi32>], vector<16xf32>,
    %add3A_347 = arith.constant 262 : i32
    %add3A_348 = vector.broadcast %add3A_347 : i32 to vector<16xi32>
    %add3A_349 = arith.addi %mul3A_6, %add3A_348 : vector<16xi32>
    tpu.vector_store_idx %arg18[%add3A_349], %gather3A_327 : memref<384xf32, #tpu.memory_space<vmem>>[vector<16xi32>], vector<16xf32>,
    %add3A_350 = arith.constant 263 : i32
    %add3A_351 = vector.broadcast %add3A_350 : i32 to vector<16xi32>
    %add3A_352 = arith.addi %mul3A_6, %add3A_351 : vector<16xi32>
    tpu.vector_store_idx %arg18[%add3A_352], %gather3A_328 : memref<384xf32, #tpu.memory_space<vmem>>[vector<16xi32>], vector<16xf32>,
    "tpu.region"() ({
      %run_scoped3A = tpu.sem_alloc : memref<!tpu.dma_semaphore, #tpu.memory_space<semaphore_mem>>
      %dma_start3A_353 = arith.constant 0 : i32
      %dma_start3A_354 = tpu.memref_slice %arg7[%add3A_26, %dma_start3A_353] : memref<32x4096xf32, #tpu.memory_space<hbm>> -> memref<1x4096xf32, #tpu.memory_space<hbm>>
      %dma_start3A_355 = tpu.memref_squeeze %dma_start3A_354 : memref<1x4096xf32, #tpu.memory_space<hbm>> -> memref<4096xf32, #tpu.memory_space<hbm>>
      %dma_start3A_356 = arith.constant 0 : i32
      %dma_start3A_357 = tpu.memref_slice %arg7[%add3A_26, %dma_start3A_356] : memref<32x4096xf32, #tpu.memory_space<hbm>> -> memref<1x4096xf32, #tpu.memory_space<hbm>>
      %dma_start3A_358 = tpu.memref_squeeze %dma_start3A_357 : memref<1x4096xf32, #tpu.memory_space<hbm>> -> memref<4096xf32, #tpu.memory_space<hbm>>
      tpu.enqueue_dma source(%arg13 : memref<4096xf32, #tpu.memory_space<vmem>>) target(%dma_start3A_358 : memref<4096xf32, #tpu.memory_space<hbm>>) target_semaphore(%run_scoped3A : memref<!tpu.dma_semaphore, #tpu.memory_space<semaphore_mem>>)
      %dma_wait3A_359 = arith.constant 0 : i32
      %dma_wait3A_360 = tpu.memref_slice %arg7[%add3A_26, %dma_wait3A_359] : memref<32x4096xf32, #tpu.memory_space<hbm>> -> memref<1x4096xf32, #tpu.memory_space<hbm>>
      %dma_wait3A_361 = tpu.memref_squeeze %dma_wait3A_360 : memref<1x4096xf32, #tpu.memory_space<hbm>> -> memref<4096xf32, #tpu.memory_space<hbm>>
      %dma_wait3A_362 = arith.constant 0 : i32
      %dma_wait3A_363 = tpu.memref_slice %arg7[%add3A_26, %dma_wait3A_362] : memref<32x4096xf32, #tpu.memory_space<hbm>> -> memref<1x4096xf32, #tpu.memory_space<hbm>>
      %dma_wait3A_364 = tpu.memref_squeeze %dma_wait3A_363 : memref<1x4096xf32, #tpu.memory_space<hbm>> -> memref<4096xf32, #tpu.memory_space<hbm>>
      tpu.wait_dma2 semaphore(%run_scoped3A : memref<!tpu.dma_semaphore, #tpu.memory_space<semaphore_mem>>) src(%arg13 : memref<4096xf32, #tpu.memory_space<vmem>>) dst(%dma_wait3A_364 : memref<4096xf32, #tpu.memory_space<hbm>>)
      tpu.yield
    }) : () -> ()
    "tpu.region"() ({
      %run_scoped3A = tpu.sem_alloc : memref<!tpu.dma_semaphore, #tpu.memory_space<semaphore_mem>>
      %dma_start3A_353 = arith.constant 0 : i32
      %dma_start3A_354 = tpu.memref_slice %arg8[%add3A_26, %dma_start3A_353] : memref<32x4096xf32, #tpu.memory_space<hbm>> -> memref<1x4096xf32, #tpu.memory_space<hbm>>
      %dma_start3A_355 = tpu.memref_squeeze %dma_start3A_354 : memref<1x4096xf32, #tpu.memory_space<hbm>> -> memref<4096xf32, #tpu.memory_space<hbm>>
      %dma_start3A_356 = arith.constant 0 : i32
      %dma_start3A_357 = tpu.memref_slice %arg8[%add3A_26, %dma_start3A_356] : memref<32x4096xf32, #tpu.memory_space<hbm>> -> memref<1x4096xf32, #tpu.memory_space<hbm>>
      %dma_start3A_358 = tpu.memref_squeeze %dma_start3A_357 : memref<1x4096xf32, #tpu.memory_space<hbm>> -> memref<4096xf32, #tpu.memory_space<hbm>>
      tpu.enqueue_dma source(%arg17 : memref<4096xf32, #tpu.memory_space<vmem>>) target(%dma_start3A_358 : memref<4096xf32, #tpu.memory_space<hbm>>) target_semaphore(%run_scoped3A : memref<!tpu.dma_semaphore, #tpu.memory_space<semaphore_mem>>)
      %dma_wait3A_359 = arith.constant 0 : i32
      %dma_wait3A_360 = tpu.memref_slice %arg8[%add3A_26, %dma_wait3A_359] : memref<32x4096xf32, #tpu.memory_space<hbm>> -> memref<1x4096xf32, #tpu.memory_space<hbm>>
      %dma_wait3A_361 = tpu.memref_squeeze %dma_wait3A_360 : memref<1x4096xf32, #tpu.memory_space<hbm>> -> memref<4096xf32, #tpu.memory_space<hbm>>
      %dma_wait3A_362 = arith.constant 0 : i32
      %dma_wait3A_363 = tpu.memref_slice %arg8[%add3A_26, %dma_wait3A_362] : memref<32x4096xf32, #tpu.memory_space<hbm>> -> memref<1x4096xf32, #tpu.memory_space<hbm>>
      %dma_wait3A_364 = tpu.memref_squeeze %dma_wait3A_363 : memref<1x4096xf32, #tpu.memory_space<hbm>> -> memref<4096xf32, #tpu.memory_space<hbm>>
      tpu.wait_dma2 semaphore(%run_scoped3A : memref<!tpu.dma_semaphore, #tpu.memory_space<semaphore_mem>>) src(%arg17 : memref<4096xf32, #tpu.memory_space<vmem>>) dst(%dma_wait3A_364 : memref<4096xf32, #tpu.memory_space<hbm>>)
      tpu.yield
    }) : () -> ()
    "tpu.region"() ({
      %run_scoped3A = tpu.sem_alloc : memref<!tpu.dma_semaphore, #tpu.memory_space<semaphore_mem>>
      %dma_start3A_353 = arith.constant 0 : i32
      %dma_start3A_354 = tpu.memref_slice %arg9[%add3A_26, %dma_start3A_353] : memref<32x384xf32, #tpu.memory_space<hbm>> -> memref<1x384xf32, #tpu.memory_space<hbm>>
      %dma_start3A_355 = tpu.memref_squeeze %dma_start3A_354 : memref<1x384xf32, #tpu.memory_space<hbm>> -> memref<384xf32, #tpu.memory_space<hbm>>
      %dma_start3A_356 = arith.constant 0 : i32
      %dma_start3A_357 = tpu.memref_slice %arg9[%add3A_26, %dma_start3A_356] : memref<32x384xf32, #tpu.memory_space<hbm>> -> memref<1x384xf32, #tpu.memory_space<hbm>>
      %dma_start3A_358 = tpu.memref_squeeze %dma_start3A_357 : memref<1x384xf32, #tpu.memory_space<hbm>> -> memref<384xf32, #tpu.memory_space<hbm>>
      tpu.enqueue_dma source(%arg18 : memref<384xf32, #tpu.memory_space<vmem>>) target(%dma_start3A_358 : memref<384xf32, #tpu.memory_space<hbm>>) target_semaphore(%run_scoped3A : memref<!tpu.dma_semaphore, #tpu.memory_space<semaphore_mem>>)
      %dma_wait3A_359 = arith.constant 0 : i32
      %dma_wait3A_360 = tpu.memref_slice %arg9[%add3A_26, %dma_wait3A_359] : memref<32x384xf32, #tpu.memory_space<hbm>> -> memref<1x384xf32, #tpu.memory_space<hbm>>
      %dma_wait3A_361 = tpu.memref_squeeze %dma_wait3A_360 : memref<1x384xf32, #tpu.memory_space<hbm>> -> memref<384xf32, #tpu.memory_space<hbm>>
      %dma_wait3A_362 = arith.constant 0 : i32
      %dma_wait3A_363 = tpu.memref_slice %arg9[%add3A_26, %dma_wait3A_362] : memref<32x384xf32, #tpu.memory_space<hbm>> -> memref<1x384xf32, #tpu.memory_space<hbm>>
      %dma_wait3A_364 = tpu.memref_squeeze %dma_wait3A_363 : memref<1x384xf32, #tpu.memory_space<hbm>> -> memref<384xf32, #tpu.memory_space<hbm>>
      tpu.wait_dma2 semaphore(%run_scoped3A : memref<!tpu.dma_semaphore, #tpu.memory_space<semaphore_mem>>) src(%arg18 : memref<384xf32, #tpu.memory_space<vmem>>) dst(%dma_wait3A_364 : memref<384xf32, #tpu.memory_space<hbm>>)
      tpu.yield
    }) : () -> ()
    return
  }
}

#map = affine_map<(d0, d1) -> (0, 0)>
module attributes {stable_mosaic.version = 14 : i64} {
  func.func @sc_kernel(%arg0: i32, %arg1: i32, %arg2: memref<32x16384xf32, #tpu.memory_space<hbm>>, %arg3: memref<32x20480xi32, #tpu.memory_space<hbm>>, %arg4: memref<32x8192xf32, #tpu.memory_space<hbm>>, %arg5: memref<32x4096xf32, #tpu.memory_space<hbm>>, %arg6: memref<32x48xi32, #tpu.memory_space<hbm>>, %arg7: memref<32x4096xf32, #tpu.memory_space<hbm>>, %arg8: memref<32x4096xf32, #tpu.memory_space<hbm>>, %arg9: memref<32x384xf32, #tpu.memory_space<hbm>>, %arg10: memref<16384xf32, #tpu.memory_space<vmem>>, %arg11: memref<20480xi32, #tpu.memory_space<vmem>>, %arg12: memref<20480xi32, #tpu.memory_space<vmem>>, %arg13: memref<4096xf32, #tpu.memory_space<vmem>>, %arg14: memref<8192xf32, #tpu.memory_space<vmem>>, %arg15: memref<4096xf32, #tpu.memory_space<vmem>>, %arg16: memref<48xi32, #tpu.memory_space<vmem>>, %arg17: memref<4096xf32, #tpu.memory_space<vmem>>, %arg18: memref<384xf32, #tpu.memory_space<vmem>>, %arg19: memref<!tpu.dma_semaphore, #tpu.memory_space<semaphore_mem>>, %arg20: memref<!tpu.dma_semaphore, #tpu.memory_space<semaphore_mem>>) attributes {dimension_semantics = [#tpu.dimension_semantics<core_parallel>, #tpu.dimension_semantics<subcore_parallel>], iteration_bounds = array<i64: 2, 16>, scalar_prefetch = 0 : i64, scratch_operands = 11 : i64, tpu.core_type = #tpu.core_type<sc_vector_subcore>, window_params = [{transform_indices = #map}, {transform_indices = #map}, {transform_indices = #map}, {transform_indices = #map}, {transform_indices = #map}, {transform_indices = #map}, {transform_indices = #map}, {transform_indices = #map}]} {
    %mul3A = arith.constant 16 : i32
    %mul3A_0 = arith.muli %arg0, %mul3A : i32
    %add3A = arith.addi %mul3A_0, %arg1 : i32
    %iota3A = tpu.iota {dimensions = array<i32: 0>} : vector<16xi32>
    %mul3A_1 = arith.constant 5 : i32
    %mul3A_2 = vector.broadcast %mul3A_1 : i32 to vector<16xi32>
    %mul3A_3 = arith.muli %iota3A, %mul3A_2 : vector<16xi32>
    %mul3A_4 = arith.constant 8 : i32
    %mul3A_5 = vector.broadcast %mul3A_4 : i32 to vector<16xi32>
    %mul3A_6 = arith.muli %iota3A, %mul3A_5 : vector<16xi32>
    %broadcast_in_dim3A = arith.constant 1.000000e+09 : f32
    %broadcast_in_dim3A_7 = vector.broadcast %broadcast_in_dim3A : f32 to vector<16xf32>
    %mul3A_8 = arith.constant 1 : i32
    %mul3A_9 = arith.muli %add3A, %mul3A_8 : i32
    %add3A_10 = arith.constant 0 : i32
    %add3A_11 = arith.addi %mul3A_9, %add3A_10 : i32
    %dma_start3A = arith.constant 0 : i32
    %dma_start3A_12 = tpu.memref_slice %arg2[%add3A_11, %dma_start3A] : memref<32x16384xf32, #tpu.memory_space<hbm>> -> memref<1x16384xf32, #tpu.memory_space<hbm>>
    %dma_start3A_13 = tpu.memref_squeeze %dma_start3A_12 : memref<1x16384xf32, #tpu.memory_space<hbm>> -> memref<16384xf32, #tpu.memory_space<hbm>>
    %dma_start3A_14 = arith.constant 0 : i32
    %dma_start3A_15 = tpu.memref_slice %arg2[%add3A_11, %dma_start3A_14] : memref<32x16384xf32, #tpu.memory_space<hbm>> -> memref<1x16384xf32, #tpu.memory_space<hbm>>
    %dma_start3A_16 = tpu.memref_squeeze %dma_start3A_15 : memref<1x16384xf32, #tpu.memory_space<hbm>> -> memref<16384xf32, #tpu.memory_space<hbm>>
    tpu.enqueue_dma source(%dma_start3A_16 : memref<16384xf32, #tpu.memory_space<hbm>>) target(%arg10 : memref<16384xf32, #tpu.memory_space<vmem>>) target_semaphore(%arg19 : memref<!tpu.dma_semaphore, #tpu.memory_space<semaphore_mem>>)
    %dma_start3A_17 = arith.constant 0 : i32
    %dma_start3A_18 = tpu.memref_slice %arg3[%add3A_11, %dma_start3A_17] : memref<32x20480xi32, #tpu.memory_space<hbm>> -> memref<1x20480xi32, #tpu.memory_space<hbm>>
    %dma_start3A_19 = tpu.memref_squeeze %dma_start3A_18 : memref<1x20480xi32, #tpu.memory_space<hbm>> -> memref<20480xi32, #tpu.memory_space<hbm>>
    %dma_start3A_20 = arith.constant 0 : i32
    %dma_start3A_21 = tpu.memref_slice %arg3[%add3A_11, %dma_start3A_20] : memref<32x20480xi32, #tpu.memory_space<hbm>> -> memref<1x20480xi32, #tpu.memory_space<hbm>>
    %dma_start3A_22 = tpu.memref_squeeze %dma_start3A_21 : memref<1x20480xi32, #tpu.memory_space<hbm>> -> memref<20480xi32, #tpu.memory_space<hbm>>
    tpu.enqueue_dma source(%dma_start3A_22 : memref<20480xi32, #tpu.memory_space<hbm>>) target(%arg11 : memref<20480xi32, #tpu.memory_space<vmem>>) target_semaphore(%arg20 : memref<!tpu.dma_semaphore, #tpu.memory_space<semaphore_mem>>)
    %mul3A_23 = arith.constant 1 : i32
    %mul3A_24 = arith.muli %add3A, %mul3A_23 : i32
    %add3A_25 = arith.constant 0 : i32
    %add3A_26 = arith.addi %mul3A_24, %add3A_25 : i32
    %dma_wait3A = arith.constant 0 : i32
    %dma_wait3A_27 = tpu.memref_slice %arg2[%add3A_11, %dma_wait3A] : memref<32x16384xf32, #tpu.memory_space<hbm>> -> memref<1x16384xf32, #tpu.memory_space<hbm>>
    %dma_wait3A_28 = tpu.memref_squeeze %dma_wait3A_27 : memref<1x16384xf32, #tpu.memory_space<hbm>> -> memref<16384xf32, #tpu.memory_space<hbm>>
    %dma_wait3A_29 = arith.constant 0 : i32
    %dma_wait3A_30 = tpu.memref_slice %arg2[%add3A_11, %dma_wait3A_29] : memref<32x16384xf32, #tpu.memory_space<hbm>> -> memref<1x16384xf32, #tpu.memory_space<hbm>>
    %dma_wait3A_31 = tpu.memref_squeeze %dma_wait3A_30 : memref<1x16384xf32, #tpu.memory_space<hbm>> -> memref<16384xf32, #tpu.memory_space<hbm>>
    tpu.wait_dma2 semaphore(%arg19 : memref<!tpu.dma_semaphore, #tpu.memory_space<semaphore_mem>>) src(%dma_wait3A_31 : memref<16384xf32, #tpu.memory_space<hbm>>) dst(%arg10 : memref<16384xf32, #tpu.memory_space<vmem>>)
    %dma_wait3A_32 = arith.constant 0 : i32
    %dma_wait3A_33 = tpu.memref_slice %arg3[%add3A_11, %dma_wait3A_32] : memref<32x20480xi32, #tpu.memory_space<hbm>> -> memref<1x20480xi32, #tpu.memory_space<hbm>>
    %dma_wait3A_34 = tpu.memref_squeeze %dma_wait3A_33 : memref<1x20480xi32, #tpu.memory_space<hbm>> -> memref<20480xi32, #tpu.memory_space<hbm>>
    %dma_wait3A_35 = arith.constant 0 : i32
    %dma_wait3A_36 = tpu.memref_slice %arg3[%add3A_11, %dma_wait3A_35] : memref<32x20480xi32, #tpu.memory_space<hbm>> -> memref<1x20480xi32, #tpu.memory_space<hbm>>
    %dma_wait3A_37 = tpu.memref_squeeze %dma_wait3A_36 : memref<1x20480xi32, #tpu.memory_space<hbm>> -> memref<20480xi32, #tpu.memory_space<hbm>>
    tpu.wait_dma2 semaphore(%arg20 : memref<!tpu.dma_semaphore, #tpu.memory_space<semaphore_mem>>) src(%dma_wait3A_37 : memref<20480xi32, #tpu.memory_space<hbm>>) dst(%arg11 : memref<20480xi32, #tpu.memory_space<vmem>>)
    "tpu.region"() ({
      %run_scoped3A = tpu.sem_alloc : memref<!tpu.dma_semaphore, #tpu.memory_space<semaphore_mem>>
      %dma_start3A_353 = arith.constant 0 : i32
      %dma_start3A_354 = tpu.memref_slice %arg4[%add3A_26, %dma_start3A_353] : memref<32x8192xf32, #tpu.memory_space<hbm>> -> memref<1x8192xf32, #tpu.memory_space<hbm>>
      %dma_start3A_355 = tpu.memref_squeeze %dma_start3A_354 : memref<1x8192xf32, #tpu.memory_space<hbm>> -> memref<8192xf32, #tpu.memory_space<hbm>>
      %dma_start3A_356 = arith.constant 0 : i32
      %dma_start3A_357 = tpu.memref_slice %arg4[%add3A_26, %dma_start3A_356] : memref<32x8192xf32, #tpu.memory_space<hbm>> -> memref<1x8192xf32, #tpu.memory_space<hbm>>
      %dma_start3A_358 = tpu.memref_squeeze %dma_start3A_357 : memref<1x8192xf32, #tpu.memory_space<hbm>> -> memref<8192xf32, #tpu.memory_space<hbm>>
      tpu.enqueue_dma source(%dma_start3A_358 : memref<8192xf32, #tpu.memory_space<hbm>>) target(%arg14 : memref<8192xf32, #tpu.memory_space<vmem>>) target_semaphore(%run_scoped3A : memref<!tpu.dma_semaphore, #tpu.memory_space<semaphore_mem>>)
      %dma_wait3A_359 = arith.constant 0 : i32
      %dma_wait3A_360 = tpu.memref_slice %arg4[%add3A_26, %dma_wait3A_359] : memref<32x8192xf32, #tpu.memory_space<hbm>> -> memref<1x8192xf32, #tpu.memory_space<hbm>>
      %dma_wait3A_361 = tpu.memref_squeeze %dma_wait3A_360 : memref<1x8192xf32, #tpu.memory_space<hbm>> -> memref<8192xf32, #tpu.memory_space<hbm>>
      %dma_wait3A_362 = arith.constant 0 : i32
      %dma_wait3A_363 = tpu.memref_slice %arg4[%add3A_26, %dma_wait3A_362] : memref<32x8192xf32, #tpu.memory_space<hbm>> -> memref<1x8192xf32, #tpu.memory_space<hbm>>
      %dma_wait3A_364 = tpu.memref_squeeze %dma_wait3A_363 : memref<1x8192xf32, #tpu.memory_space<hbm>> -> memref<8192xf32, #tpu.memory_space<hbm>>
      tpu.wait_dma2 semaphore(%run_scoped3A : memref<!tpu.dma_semaphore, #tpu.memory_space<semaphore_mem>>) src(%dma_wait3A_364 : memref<8192xf32, #tpu.memory_space<hbm>>) dst(%arg14 : memref<8192xf32, #tpu.memory_space<vmem>>)
      tpu.yield
    }) : () -> ()
    "tpu.region"() ({
      %run_scoped3A = tpu.sem_alloc : memref<!tpu.dma_semaphore, #tpu.memory_space<semaphore_mem>>
      %dma_start3A_353 = arith.constant 0 : i32
      %dma_start3A_354 = tpu.memref_slice %arg5[%add3A_26, %dma_start3A_353] : memref<32x4096xf32, #tpu.memory_space<hbm>> -> memref<1x4096xf32, #tpu.memory_space<hbm>>
      %dma_start3A_355 = tpu.memref_squeeze %dma_start3A_354 : memref<1x4096xf32, #tpu.memory_space<hbm>> -> memref<4096xf32, #tpu.memory_space<hbm>>
      %dma_start3A_356 = arith.constant 0 : i32
      %dma_start3A_357 = tpu.memref_slice %arg5[%add3A_26, %dma_start3A_356] : memref<32x4096xf32, #tpu.memory_space<hbm>> -> memref<1x4096xf32, #tpu.memory_space<hbm>>
      %dma_start3A_358 = tpu.memref_squeeze %dma_start3A_357 : memref<1x4096xf32, #tpu.memory_space<hbm>> -> memref<4096xf32, #tpu.memory_space<hbm>>
      tpu.enqueue_dma source(%dma_start3A_358 : memref<4096xf32, #tpu.memory_space<hbm>>) target(%arg15 : memref<4096xf32, #tpu.memory_space<vmem>>) target_semaphore(%run_scoped3A : memref<!tpu.dma_semaphore, #tpu.memory_space<semaphore_mem>>)
      %dma_wait3A_359 = arith.constant 0 : i32
      %dma_wait3A_360 = tpu.memref_slice %arg5[%add3A_26, %dma_wait3A_359] : memref<32x4096xf32, #tpu.memory_space<hbm>> -> memref<1x4096xf32, #tpu.memory_space<hbm>>
      %dma_wait3A_361 = tpu.memref_squeeze %dma_wait3A_360 : memref<1x4096xf32, #tpu.memory_space<hbm>> -> memref<4096xf32, #tpu.memory_space<hbm>>
      %dma_wait3A_362 = arith.constant 0 : i32
      %dma_wait3A_363 = tpu.memref_slice %arg5[%add3A_26, %dma_wait3A_362] : memref<32x4096xf32, #tpu.memory_space<hbm>> -> memref<1x4096xf32, #tpu.memory_space<hbm>>
      %dma_wait3A_364 = tpu.memref_squeeze %dma_wait3A_363 : memref<1x4096xf32, #tpu.memory_space<hbm>> -> memref<4096xf32, #tpu.memory_space<hbm>>
      tpu.wait_dma2 semaphore(%run_scoped3A : memref<!tpu.dma_semaphore, #tpu.memory_space<semaphore_mem>>) src(%dma_wait3A_364 : memref<4096xf32, #tpu.memory_space<hbm>>) dst(%arg15 : memref<4096xf32, #tpu.memory_space<vmem>>)
      tpu.yield
    }) : () -> ()
    "tpu.region"() ({
      %run_scoped3A = tpu.sem_alloc : memref<!tpu.dma_semaphore, #tpu.memory_space<semaphore_mem>>
      %dma_start3A_353 = arith.constant 0 : i32
      %dma_start3A_354 = tpu.memref_slice %arg6[%add3A_26, %dma_start3A_353] : memref<32x48xi32, #tpu.memory_space<hbm>> -> memref<1x48xi32, #tpu.memory_space<hbm>>
      %dma_start3A_355 = tpu.memref_squeeze %dma_start3A_354 : memref<1x48xi32, #tpu.memory_space<hbm>> -> memref<48xi32, #tpu.memory_space<hbm>>
      %dma_start3A_356 = arith.constant 0 : i32
      %dma_start3A_357 = tpu.memref_slice %arg6[%add3A_26, %dma_start3A_356] : memref<32x48xi32, #tpu.memory_space<hbm>> -> memref<1x48xi32, #tpu.memory_space<hbm>>
      %dma_start3A_358 = tpu.memref_squeeze %dma_start3A_357 : memref<1x48xi32, #tpu.memory_space<hbm>> -> memref<48xi32, #tpu.memory_space<hbm>>
      tpu.enqueue_dma source(%dma_start3A_358 : memref<48xi32, #tpu.memory_space<hbm>>) target(%arg16 : memref<48xi32, #tpu.memory_space<vmem>>) target_semaphore(%run_scoped3A : memref<!tpu.dma_semaphore, #tpu.memory_space<semaphore_mem>>)
      %dma_wait3A_359 = arith.constant 0 : i32
      %dma_wait3A_360 = tpu.memref_slice %arg6[%add3A_26, %dma_wait3A_359] : memref<32x48xi32, #tpu.memory_space<hbm>> -> memref<1x48xi32, #tpu.memory_space<hbm>>
      %dma_wait3A_361 = tpu.memref_squeeze %dma_wait3A_360 : memref<1x48xi32, #tpu.memory_space<hbm>> -> memref<48xi32, #tpu.memory_space<hbm>>
      %dma_wait3A_362 = arith.constant 0 : i32
      %dma_wait3A_363 = tpu.memref_slice %arg6[%add3A_26, %dma_wait3A_362] : memref<32x48xi32, #tpu.memory_space<hbm>> -> memref<1x48xi32, #tpu.memory_space<hbm>>
      %dma_wait3A_364 = tpu.memref_squeeze %dma_wait3A_363 : memref<1x48xi32, #tpu.memory_space<hbm>> -> memref<48xi32, #tpu.memory_space<hbm>>
      tpu.wait_dma2 semaphore(%run_scoped3A : memref<!tpu.dma_semaphore, #tpu.memory_space<semaphore_mem>>) src(%dma_wait3A_364 : memref<48xi32, #tpu.memory_space<hbm>>) dst(%arg16 : memref<48xi32, #tpu.memory_space<vmem>>)
      tpu.yield
    }) : () -> ()
    %scan3A = arith.constant 0 : i32
    %scan3A_38 = arith.constant 0 : i32
    %scan3A_39 = arith.constant 256 : i32
    %scan3A_40 = arith.addi %scan3A_38, %scan3A_39 : i32
    %scan3A_41 = arith.constant 1 : i32
    scf.for %scan3A_353 = %scan3A_38 to %scan3A_40 step %scan3A_41  : i32 {
      %mul3A_354 = arith.constant 16 : i32
      %mul3A_355 = arith.muli %scan3A_353, %mul3A_354 : i32
      %mul3A_356 = arith.constant 5 : i32
      %mul3A_357 = arith.muli %mul3A_355, %mul3A_356 : i32
      %add3A_358 = arith.constant 0 : i32
      %add3A_359 = arith.addi %mul3A_357, %add3A_358 : i32
      %add3A_360 = vector.broadcast %add3A_359 : i32 to vector<16xi32>
      %add3A_361 = arith.addi %mul3A_3, %add3A_360 : vector<16xi32>
      %gather3A_362 = tpu.vector_load_idx %arg11[%add3A_361] : memref<20480xi32, #tpu.memory_space<vmem>>[vector<16xi32>], vector<16xi32>,
      %add3A_363 = arith.constant 0 : i32
      %add3A_364 = arith.addi %add3A_363, %mul3A_355 : i32
      %swap3A = arith.index_cast %add3A_364 : i32 to index
      %swap3A_365 = tpu.vector_load %arg12[%swap3A] {strides = array<i32>} : memref<20480xi32, #tpu.memory_space<vmem>>, vector<16xi32>,
      tpu.vector_store %arg12[%swap3A], %gather3A_362 {strides = array<i32>} : memref<20480xi32, #tpu.memory_space<vmem>>, vector<16xi32>,
      %mul3A_366 = arith.constant 5 : i32
      %mul3A_367 = arith.muli %mul3A_355, %mul3A_366 : i32
      %add3A_368 = arith.constant 1 : i32
      %add3A_369 = arith.addi %mul3A_367, %add3A_368 : i32
      %add3A_370 = vector.broadcast %add3A_369 : i32 to vector<16xi32>
      %add3A_371 = arith.addi %mul3A_3, %add3A_370 : vector<16xi32>
      %gather3A_372 = tpu.vector_load_idx %arg11[%add3A_371] : memref<20480xi32, #tpu.memory_space<vmem>>[vector<16xi32>], vector<16xi32>,
      %add3A_373 = arith.constant 4096 : i32
      %add3A_374 = arith.addi %add3A_373, %mul3A_355 : i32
      %swap3A_375 = arith.index_cast %add3A_374 : i32 to index
      %swap3A_376 = tpu.vector_load %arg12[%swap3A_375] {strides = array<i32>} : memref<20480xi32, #tpu.memory_space<vmem>>, vector<16xi32>,
      tpu.vector_store %arg12[%swap3A_375], %gather3A_372 {strides = array<i32>} : memref<20480xi32, #tpu.memory_space<vmem>>, vector<16xi32>,
      %mul3A_377 = arith.constant 5 : i32
      %mul3A_378 = arith.muli %mul3A_355, %mul3A_377 : i32
      %add3A_379 = arith.constant 2 : i32
      %add3A_380 = arith.addi %mul3A_378, %add3A_379 : i32
      %add3A_381 = vector.broadcast %add3A_380 : i32 to vector<16xi32>
      %add3A_382 = arith.addi %mul3A_3, %add3A_381 : vector<16xi32>
      %gather3A_383 = tpu.vector_load_idx %arg11[%add3A_382] : memref<20480xi32, #tpu.memory_space<vmem>>[vector<16xi32>], vector<16xi32>,
      %add3A_384 = arith.constant 8192 : i32
      %add3A_385 = arith.addi %add3A_384, %mul3A_355 : i32
      %swap3A_386 = arith.index_cast %add3A_385 : i32 to index
      %swap3A_387 = tpu.vector_load %arg12[%swap3A_386] {strides = array<i32>} : memref<20480xi32, #tpu.memory_space<vmem>>, vector<16xi32>,
      tpu.vector_store %arg12[%swap3A_386], %gather3A_383 {strides = array<i32>} : memref<20480xi32, #tpu.memory_space<vmem>>, vector<16xi32>,
      %mul3A_388 = arith.constant 5 : i32
      %mul3A_389 = arith.muli %mul3A_355, %mul3A_388 : i32
      %add3A_390 = arith.constant 3 : i32
      %add3A_391 = arith.addi %mul3A_389, %add3A_390 : i32
      %add3A_392 = vector.broadcast %add3A_391 : i32 to vector<16xi32>
      %add3A_393 = arith.addi %mul3A_3, %add3A_392 : vector<16xi32>
      %gather3A_394 = tpu.vector_load_idx %arg11[%add3A_393] : memref<20480xi32, #tpu.memory_space<vmem>>[vector<16xi32>], vector<16xi32>,
      %add3A_395 = arith.constant 12288 : i32
      %add3A_396 = arith.addi %add3A_395, %mul3A_355 : i32
      %swap3A_397 = arith.index_cast %add3A_396 : i32 to index
      %swap3A_398 = tpu.vector_load %arg12[%swap3A_397] {strides = array<i32>} : memref<20480xi32, #tpu.memory_space<vmem>>, vector<16xi32>,
      tpu.vector_store %arg12[%swap3A_397], %gather3A_394 {strides = array<i32>} : memref<20480xi32, #tpu.memory_space<vmem>>, vector<16xi32>,
      %mul3A_399 = arith.constant 5 : i32
      %mul3A_400 = arith.muli %mul3A_355, %mul3A_399 : i32
      %add3A_401 = arith.constant 4 : i32
      %add3A_402 = arith.addi %mul3A_400, %add3A_401 : i32
      %add3A_403 = vector.broadcast %add3A_402 : i32 to vector<16xi32>
      %add3A_404 = arith.addi %mul3A_3, %add3A_403 : vector<16xi32>
      %gather3A_405 = tpu.vector_load_idx %arg11[%add3A_404] : memref<20480xi32, #tpu.memory_space<vmem>>[vector<16xi32>], vector<16xi32>,
      %add3A_406 = arith.constant 16384 : i32
      %add3A_407 = arith.addi %add3A_406, %mul3A_355 : i32
      %swap3A_408 = arith.index_cast %add3A_407 : i32 to index
      %swap3A_409 = tpu.vector_load %arg12[%swap3A_408] {strides = array<i32>} : memref<20480xi32, #tpu.memory_space<vmem>>, vector<16xi32>,
      tpu.vector_store %arg12[%swap3A_408], %gather3A_405 {strides = array<i32>} : memref<20480xi32, #tpu.memory_space<vmem>>, vector<16xi32>,
      %swap3A_410 = arith.index_cast %mul3A_355 : i32 to index
      %swap3A_411 = tpu.vector_load %arg17[%swap3A_410] {strides = array<i32>} : memref<4096xf32, #tpu.memory_space<vmem>>, vector<16xf32>,
      tpu.vector_store %arg17[%swap3A_410], %broadcast_in_dim3A_7 {strides = array<i32>} : memref<4096xf32, #tpu.memory_space<vmem>>, vector<16xf32>,
    }
    %scan3A_42 = arith.constant 256 : i32
    %scan3A_43 = arith.constant 0 : i32
    %scan3A_44 = arith.constant 0 : i32
    %scan3A_45 = arith.constant 256 : i32
    %scan3A_46 = arith.addi %scan3A_44, %scan3A_45 : i32
    %scan3A_47 = arith.constant 1 : i32
    scf.for %scan3A_353 = %scan3A_44 to %scan3A_46 step %scan3A_47  : i32 {
      %mul3A_354 = arith.constant 16 : i32
      %mul3A_355 = arith.muli %scan3A_353, %mul3A_354 : i32
      %add3A_356 = arith.constant 0 : i32
      %add3A_357 = arith.addi %add3A_356, %mul3A_355 : i32
      %get3A_358 = arith.index_cast %add3A_357 : i32 to index
      %get3A_359 = tpu.vector_load %arg10[%get3A_358] {strides = array<i32>} : memref<16384xf32, #tpu.memory_space<vmem>>, vector<16xf32>,
      %add3A_360 = arith.constant 4096 : i32
      %add3A_361 = arith.addi %add3A_360, %mul3A_355 : i32
      %get3A_362 = arith.index_cast %add3A_361 : i32 to index
      %get3A_363 = tpu.vector_load %arg10[%get3A_362] {strides = array<i32>} : memref<16384xf32, #tpu.memory_space<vmem>>, vector<16xf32>,
      %add3A_364 = arith.constant 8192 : i32
      %add3A_365 = arith.addi %add3A_364, %mul3A_355 : i32
      %get3A_366 = arith.index_cast %add3A_365 : i32 to index
      %get3A_367 = tpu.vector_load %arg10[%get3A_366] {strides = array<i32>} : memref<16384xf32, #tpu.memory_space<vmem>>, vector<16xf32>,
      %add3A_368 = arith.constant 12288 : i32
      %add3A_369 = arith.addi %add3A_368, %mul3A_355 : i32
      %get3A_370 = arith.index_cast %add3A_369 : i32 to index
      %get3A_371 = tpu.vector_load %arg10[%get3A_370] {strides = array<i32>} : memref<16384xf32, #tpu.memory_space<vmem>>, vector<16xf32>,
      %broadcast_in_dim3A_372 = arith.constant 0.000000e+00 : f32
      %broadcast_in_dim3A_373 = vector.broadcast %broadcast_in_dim3A_372 : f32 to vector<16xf32>
      %add3A_374 = arith.constant 0 : i32
      %add3A_375 = arith.addi %add3A_374, %mul3A_355 : i32
      %get3A_376 = arith.index_cast %add3A_375 : i32 to index
      %get3A_377 = tpu.vector_load %arg12[%get3A_376] {strides = array<i32>} : memref<20480xi32, #tpu.memory_space<vmem>>, vector<16xi32>,
      %add3A_378 = arith.constant 0 : i32
      %add3A_379 = vector.broadcast %add3A_378 : i32 to vector<16xi32>
      %add3A_380 = arith.addi %get3A_377, %add3A_379 : vector<16xi32>
      %gather3A_381 = tpu.vector_load_idx %arg10[%add3A_380] : memref<16384xf32, #tpu.memory_space<vmem>>[vector<16xi32>], vector<16xf32>,
      %mul3A_382 = arith.mulf %get3A_359, %gather3A_381 : vector<16xf32>
      %add3A_383 = arith.addf %broadcast_in_dim3A_373, %mul3A_382 : vector<16xf32>
      %add3A_384 = arith.constant 4096 : i32
      %add3A_385 = vector.broadcast %add3A_384 : i32 to vector<16xi32>
      %add3A_386 = arith.addi %get3A_377, %add3A_385 : vector<16xi32>
      %gather3A_387 = tpu.vector_load_idx %arg10[%add3A_386] : memref<16384xf32, #tpu.memory_space<vmem>>[vector<16xi32>], vector<16xf32>,
      %mul3A_388 = arith.mulf %get3A_363, %gather3A_387 : vector<16xf32>
      %add3A_389 = arith.addf %add3A_383, %mul3A_388 : vector<16xf32>
      %add3A_390 = arith.constant 8192 : i32
      %add3A_391 = vector.broadcast %add3A_390 : i32 to vector<16xi32>
      %add3A_392 = arith.addi %get3A_377, %add3A_391 : vector<16xi32>
      %gather3A_393 = tpu.vector_load_idx %arg10[%add3A_392] : memref<16384xf32, #tpu.memory_space<vmem>>[vector<16xi32>], vector<16xf32>,
      %mul3A_394 = arith.mulf %get3A_367, %gather3A_393 : vector<16xf32>
      %add3A_395 = arith.addf %add3A_389, %mul3A_394 : vector<16xf32>
      %add3A_396 = arith.constant 12288 : i32
      %add3A_397 = vector.broadcast %add3A_396 : i32 to vector<16xi32>
      %add3A_398 = arith.addi %get3A_377, %add3A_397 : vector<16xi32>
      %gather3A_399 = tpu.vector_load_idx %arg10[%add3A_398] : memref<16384xf32, #tpu.memory_space<vmem>>[vector<16xi32>], vector<16xf32>,
      %mul3A_400 = arith.mulf %get3A_371, %gather3A_399 : vector<16xf32>
      %add3A_401 = arith.addf %add3A_395, %mul3A_400 : vector<16xf32>
      %add3A_402 = arith.constant 4096 : i32
      %add3A_403 = arith.addi %add3A_402, %mul3A_355 : i32
      %get3A_404 = arith.index_cast %add3A_403 : i32 to index
      %get3A_405 = tpu.vector_load %arg12[%get3A_404] {strides = array<i32>} : memref<20480xi32, #tpu.memory_space<vmem>>, vector<16xi32>,
      %add3A_406 = arith.constant 0 : i32
      %add3A_407 = vector.broadcast %add3A_406 : i32 to vector<16xi32>
      %add3A_408 = arith.addi %get3A_405, %add3A_407 : vector<16xi32>
      %gather3A_409 = tpu.vector_load_idx %arg10[%add3A_408] : memref<16384xf32, #tpu.memory_space<vmem>>[vector<16xi32>], vector<16xf32>,
      %mul3A_410 = arith.mulf %get3A_359, %gather3A_409 : vector<16xf32>
      %add3A_411 = arith.addf %add3A_401, %mul3A_410 : vector<16xf32>
      %add3A_412 = arith.constant 4096 : i32
      %add3A_413 = vector.broadcast %add3A_412 : i32 to vector<16xi32>
      %add3A_414 = arith.addi %get3A_405, %add3A_413 : vector<16xi32>
      %gather3A_415 = tpu.vector_load_idx %arg10[%add3A_414] : memref<16384xf32, #tpu.memory_space<vmem>>[vector<16xi32>], vector<16xf32>,
      %mul3A_416 = arith.mulf %get3A_363, %gather3A_415 : vector<16xf32>
      %add3A_417 = arith.addf %add3A_411, %mul3A_416 : vector<16xf32>
      %add3A_418 = arith.constant 8192 : i32
      %add3A_419 = vector.broadcast %add3A_418 : i32 to vector<16xi32>
      %add3A_420 = arith.addi %get3A_405, %add3A_419 : vector<16xi32>
      %gather3A_421 = tpu.vector_load_idx %arg10[%add3A_420] : memref<16384xf32, #tpu.memory_space<vmem>>[vector<16xi32>], vector<16xf32>,
      %mul3A_422 = arith.mulf %get3A_367, %gather3A_421 : vector<16xf32>
      %add3A_423 = arith.addf %add3A_417, %mul3A_422 : vector<16xf32>
      %add3A_424 = arith.constant 12288 : i32
      %add3A_425 = vector.broadcast %add3A_424 : i32 to vector<16xi32>
      %add3A_426 = arith.addi %get3A_405, %add3A_425 : vector<16xi32>
      %gather3A_427 = tpu.vector_load_idx %arg10[%add3A_426] : memref<16384xf32, #tpu.memory_space<vmem>>[vector<16xi32>], vector<16xf32>,
      %mul3A_428 = arith.mulf %get3A_371, %gather3A_427 : vector<16xf32>
      %add3A_429 = arith.addf %add3A_423, %mul3A_428 : vector<16xf32>
      %add3A_430 = arith.constant 8192 : i32
      %add3A_431 = arith.addi %add3A_430, %mul3A_355 : i32
      %get3A_432 = arith.index_cast %add3A_431 : i32 to index
      %get3A_433 = tpu.vector_load %arg12[%get3A_432] {strides = array<i32>} : memref<20480xi32, #tpu.memory_space<vmem>>, vector<16xi32>,
      %add3A_434 = arith.constant 0 : i32
      %add3A_435 = vector.broadcast %add3A_434 : i32 to vector<16xi32>
      %add3A_436 = arith.addi %get3A_433, %add3A_435 : vector<16xi32>
      %gather3A_437 = tpu.vector_load_idx %arg10[%add3A_436] : memref<16384xf32, #tpu.memory_space<vmem>>[vector<16xi32>], vector<16xf32>,
      %mul3A_438 = arith.mulf %get3A_359, %gather3A_437 : vector<16xf32>
      %add3A_439 = arith.addf %add3A_429, %mul3A_438 : vector<16xf32>
      %add3A_440 = arith.constant 4096 : i32
      %add3A_441 = vector.broadcast %add3A_440 : i32 to vector<16xi32>
      %add3A_442 = arith.addi %get3A_433, %add3A_441 : vector<16xi32>
      %gather3A_443 = tpu.vector_load_idx %arg10[%add3A_442] : memref<16384xf32, #tpu.memory_space<vmem>>[vector<16xi32>], vector<16xf32>,
      %mul3A_444 = arith.mulf %get3A_363, %gather3A_443 : vector<16xf32>
      %add3A_445 = arith.addf %add3A_439, %mul3A_444 : vector<16xf32>
      %add3A_446 = arith.constant 8192 : i32
      %add3A_447 = vector.broadcast %add3A_446 : i32 to vector<16xi32>
      %add3A_448 = arith.addi %get3A_433, %add3A_447 : vector<16xi32>
      %gather3A_449 = tpu.vector_load_idx %arg10[%add3A_448] : memref<16384xf32, #tpu.memory_space<vmem>>[vector<16xi32>], vector<16xf32>,
      %mul3A_450 = arith.mulf %get3A_367, %gather3A_449 : vector<16xf32>
      %add3A_451 = arith.addf %add3A_445, %mul3A_450 : vector<16xf32>
      %add3A_452 = arith.constant 12288 : i32
      %add3A_453 = vector.broadcast %add3A_452 : i32 to vector<16xi32>
      %add3A_454 = arith.addi %get3A_433, %add3A_453 : vector<16xi32>
      %gather3A_455 = tpu.vector_load_idx %arg10[%add3A_454] : memref<16384xf32, #tpu.memory_space<vmem>>[vector<16xi32>], vector<16xf32>,
      %mul3A_456 = arith.mulf %get3A_371, %gather3A_455 : vector<16xf32>
      %add3A_457 = arith.addf %add3A_451, %mul3A_456 : vector<16xf32>
      %add3A_458 = arith.constant 12288 : i32
      %add3A_459 = arith.addi %add3A_458, %mul3A_355 : i32
      %get3A_460 = arith.index_cast %add3A_459 : i32 to index
      %get3A_461 = tpu.vector_load %arg12[%get3A_460] {strides = array<i32>} : memref<20480xi32, #tpu.memory_space<vmem>>, vector<16xi32>,
      %add3A_462 = arith.constant 0 : i32
      %add3A_463 = vector.broadcast %add3A_462 : i32 to vector<16xi32>
      %add3A_464 = arith.addi %get3A_461, %add3A_463 : vector<16xi32>
      %gather3A_465 = tpu.vector_load_idx %arg10[%add3A_464] : memref<16384xf32, #tpu.memory_space<vmem>>[vector<16xi32>], vector<16xf32>,
      %mul3A_466 = arith.mulf %get3A_359, %gather3A_465 : vector<16xf32>
      %add3A_467 = arith.addf %add3A_457, %mul3A_466 : vector<16xf32>
      %add3A_468 = arith.constant 4096 : i32
      %add3A_469 = vector.broadcast %add3A_468 : i32 to vector<16xi32>
      %add3A_470 = arith.addi %get3A_461, %add3A_469 : vector<16xi32>
      %gather3A_471 = tpu.vector_load_idx %arg10[%add3A_470] : memref<16384xf32, #tpu.memory_space<vmem>>[vector<16xi32>], vector<16xf32>,
      %mul3A_472 = arith.mulf %get3A_363, %gather3A_471 : vector<16xf32>
      %add3A_473 = arith.addf %add3A_467, %mul3A_472 : vector<16xf32>
      %add3A_474 = arith.constant 8192 : i32
      %add3A_475 = vector.broadcast %add3A_474 : i32 to vector<16xi32>
      %add3A_476 = arith.addi %get3A_461, %add3A_475 : vector<16xi32>
      %gather3A_477 = tpu.vector_load_idx %arg10[%add3A_476] : memref<16384xf32, #tpu.memory_space<vmem>>[vector<16xi32>], vector<16xf32>,
      %mul3A_478 = arith.mulf %get3A_367, %gather3A_477 : vector<16xf32>
      %add3A_479 = arith.addf %add3A_473, %mul3A_478 : vector<16xf32>
      %add3A_480 = arith.constant 12288 : i32
      %add3A_481 = vector.broadcast %add3A_480 : i32 to vector<16xi32>
      %add3A_482 = arith.addi %get3A_461, %add3A_481 : vector<16xi32>
      %gather3A_483 = tpu.vector_load_idx %arg10[%add3A_482] : memref<16384xf32, #tpu.memory_space<vmem>>[vector<16xi32>], vector<16xf32>,
      %mul3A_484 = arith.mulf %get3A_371, %gather3A_483 : vector<16xf32>
      %add3A_485 = arith.addf %add3A_479, %mul3A_484 : vector<16xf32>
      %add3A_486 = arith.constant 16384 : i32
      %add3A_487 = arith.addi %add3A_486, %mul3A_355 : i32
      %get3A_488 = arith.index_cast %add3A_487 : i32 to index
      %get3A_489 = tpu.vector_load %arg12[%get3A_488] {strides = array<i32>} : memref<20480xi32, #tpu.memory_space<vmem>>, vector<16xi32>,
      %add3A_490 = arith.constant 0 : i32
      %add3A_491 = vector.broadcast %add3A_490 : i32 to vector<16xi32>
      %add3A_492 = arith.addi %get3A_489, %add3A_491 : vector<16xi32>
      %gather3A_493 = tpu.vector_load_idx %arg10[%add3A_492] : memref<16384xf32, #tpu.memory_space<vmem>>[vector<16xi32>], vector<16xf32>,
      %mul3A_494 = arith.mulf %get3A_359, %gather3A_493 : vector<16xf32>
      %add3A_495 = arith.addf %add3A_485, %mul3A_494 : vector<16xf32>
      %add3A_496 = arith.constant 4096 : i32
      %add3A_497 = vector.broadcast %add3A_496 : i32 to vector<16xi32>
      %add3A_498 = arith.addi %get3A_489, %add3A_497 : vector<16xi32>
      %gather3A_499 = tpu.vector_load_idx %arg10[%add3A_498] : memref<16384xf32, #tpu.memory_space<vmem>>[vector<16xi32>], vector<16xf32>,
      %mul3A_500 = arith.mulf %get3A_363, %gather3A_499 : vector<16xf32>
      %add3A_501 = arith.addf %add3A_495, %mul3A_500 : vector<16xf32>
      %add3A_502 = arith.constant 8192 : i32
      %add3A_503 = vector.broadcast %add3A_502 : i32 to vector<16xi32>
      %add3A_504 = arith.addi %get3A_489, %add3A_503 : vector<16xi32>
      %gather3A_505 = tpu.vector_load_idx %arg10[%add3A_504] : memref<16384xf32, #tpu.memory_space<vmem>>[vector<16xi32>], vector<16xf32>,
      %mul3A_506 = arith.mulf %get3A_367, %gather3A_505 : vector<16xf32>
      %add3A_507 = arith.addf %add3A_501, %mul3A_506 : vector<16xf32>
      %add3A_508 = arith.constant 12288 : i32
      %add3A_509 = vector.broadcast %add3A_508 : i32 to vector<16xi32>
      %add3A_510 = arith.addi %get3A_489, %add3A_509 : vector<16xi32>
      %gather3A_511 = tpu.vector_load_idx %arg10[%add3A_510] : memref<16384xf32, #tpu.memory_space<vmem>>[vector<16xi32>], vector<16xf32>,
      %mul3A_512 = arith.mulf %get3A_371, %gather3A_511 : vector<16xf32>
      %add3A_513 = arith.addf %add3A_507, %mul3A_512 : vector<16xf32>
      %swap3A = arith.index_cast %mul3A_355 : i32 to index
      %swap3A_514 = tpu.vector_load %arg13[%swap3A] {strides = array<i32>} : memref<4096xf32, #tpu.memory_space<vmem>>, vector<16xf32>,
      tpu.vector_store %arg13[%swap3A], %add3A_513 {strides = array<i32>} : memref<4096xf32, #tpu.memory_space<vmem>>, vector<16xf32>,
    }
    %scan3A_48 = arith.constant 256 : i32
    %get3A = arith.constant 0 : index
    %get3A_49 = tpu.vector_load %arg16[%get3A] {strides = array<i32>} : memref<48xi32, #tpu.memory_space<vmem>>, vector<16xi32>,
    %get3A_50 = arith.constant 16 : index
    %get3A_51 = tpu.vector_load %arg16[%get3A_50] {strides = array<i32>} : memref<48xi32, #tpu.memory_space<vmem>>, vector<16xi32>,
    %get3A_52 = arith.constant 32 : index
    %get3A_53 = tpu.vector_load %arg16[%get3A_52] {strides = array<i32>} : memref<48xi32, #tpu.memory_space<vmem>>, vector<16xi32>,
    %broadcast_in_dim3A_54 = arith.constant 3.100000e+01 : f32
    %broadcast_in_dim3A_55 = vector.broadcast %broadcast_in_dim3A_54 : f32 to vector<16xf32>
    %eq3A = arith.constant 15 : i32
    %eq3A_56 = vector.broadcast %eq3A : i32 to vector<16xi32>
    %eq3A_57 = arith.cmpi eq, %iota3A, %eq3A_56 : vector<16xi32>
    tpu.vector_store_idx %arg17[%get3A_51], %broadcast_in_dim3A_55 masked %eq3A_57 : memref<4096xf32, #tpu.memory_space<vmem>>[vector<16xi32>], vector<16xf32>, vector<16xi1>
    %broadcast_in_dim3A_58 = arith.constant 3.000000e+01 : f32
    %broadcast_in_dim3A_59 = vector.broadcast %broadcast_in_dim3A_58 : f32 to vector<16xf32>
    %eq3A_60 = arith.constant 14 : i32
    %eq3A_61 = vector.broadcast %eq3A_60 : i32 to vector<16xi32>
    %eq3A_62 = arith.cmpi eq, %iota3A, %eq3A_61 : vector<16xi32>
    tpu.vector_store_idx %arg17[%get3A_51], %broadcast_in_dim3A_59 masked %eq3A_62 : memref<4096xf32, #tpu.memory_space<vmem>>[vector<16xi32>], vector<16xf32>, vector<16xi1>
    %broadcast_in_dim3A_63 = arith.constant 2.900000e+01 : f32
    %broadcast_in_dim3A_64 = vector.broadcast %broadcast_in_dim3A_63 : f32 to vector<16xf32>
    %eq3A_65 = arith.constant 13 : i32
    %eq3A_66 = vector.broadcast %eq3A_65 : i32 to vector<16xi32>
    %eq3A_67 = arith.cmpi eq, %iota3A, %eq3A_66 : vector<16xi32>
    tpu.vector_store_idx %arg17[%get3A_51], %broadcast_in_dim3A_64 masked %eq3A_67 : memref<4096xf32, #tpu.memory_space<vmem>>[vector<16xi32>], vector<16xf32>, vector<16xi1>
    %broadcast_in_dim3A_68 = arith.constant 2.800000e+01 : f32
    %broadcast_in_dim3A_69 = vector.broadcast %broadcast_in_dim3A_68 : f32 to vector<16xf32>
    %eq3A_70 = arith.constant 12 : i32
    %eq3A_71 = vector.broadcast %eq3A_70 : i32 to vector<16xi32>
    %eq3A_72 = arith.cmpi eq, %iota3A, %eq3A_71 : vector<16xi32>
    tpu.vector_store_idx %arg17[%get3A_51], %broadcast_in_dim3A_69 masked %eq3A_72 : memref<4096xf32, #tpu.memory_space<vmem>>[vector<16xi32>], vector<16xf32>, vector<16xi1>
    %broadcast_in_dim3A_73 = arith.constant 2.700000e+01 : f32
    %broadcast_in_dim3A_74 = vector.broadcast %broadcast_in_dim3A_73 : f32 to vector<16xf32>
    %eq3A_75 = arith.constant 11 : i32
    %eq3A_76 = vector.broadcast %eq3A_75 : i32 to vector<16xi32>
    %eq3A_77 = arith.cmpi eq, %iota3A, %eq3A_76 : vector<16xi32>
    tpu.vector_store_idx %arg17[%get3A_51], %broadcast_in_dim3A_74 masked %eq3A_77 : memref<4096xf32, #tpu.memory_space<vmem>>[vector<16xi32>], vector<16xf32>, vector<16xi1>
    %broadcast_in_dim3A_78 = arith.constant 2.600000e+01 : f32
    %broadcast_in_dim3A_79 = vector.broadcast %broadcast_in_dim3A_78 : f32 to vector<16xf32>
    %eq3A_80 = arith.constant 10 : i32
    %eq3A_81 = vector.broadcast %eq3A_80 : i32 to vector<16xi32>
    %eq3A_82 = arith.cmpi eq, %iota3A, %eq3A_81 : vector<16xi32>
    tpu.vector_store_idx %arg17[%get3A_51], %broadcast_in_dim3A_79 masked %eq3A_82 : memref<4096xf32, #tpu.memory_space<vmem>>[vector<16xi32>], vector<16xf32>, vector<16xi1>
    %broadcast_in_dim3A_83 = arith.constant 2.500000e+01 : f32
    %broadcast_in_dim3A_84 = vector.broadcast %broadcast_in_dim3A_83 : f32 to vector<16xf32>
    %eq3A_85 = arith.constant 9 : i32
    %eq3A_86 = vector.broadcast %eq3A_85 : i32 to vector<16xi32>
    %eq3A_87 = arith.cmpi eq, %iota3A, %eq3A_86 : vector<16xi32>
    tpu.vector_store_idx %arg17[%get3A_51], %broadcast_in_dim3A_84 masked %eq3A_87 : memref<4096xf32, #tpu.memory_space<vmem>>[vector<16xi32>], vector<16xf32>, vector<16xi1>
    %broadcast_in_dim3A_88 = arith.constant 2.400000e+01 : f32
    %broadcast_in_dim3A_89 = vector.broadcast %broadcast_in_dim3A_88 : f32 to vector<16xf32>
    %eq3A_90 = arith.constant 8 : i32
    %eq3A_91 = vector.broadcast %eq3A_90 : i32 to vector<16xi32>
    %eq3A_92 = arith.cmpi eq, %iota3A, %eq3A_91 : vector<16xi32>
    tpu.vector_store_idx %arg17[%get3A_51], %broadcast_in_dim3A_89 masked %eq3A_92 : memref<4096xf32, #tpu.memory_space<vmem>>[vector<16xi32>], vector<16xf32>, vector<16xi1>
    %broadcast_in_dim3A_93 = arith.constant 2.300000e+01 : f32
    %broadcast_in_dim3A_94 = vector.broadcast %broadcast_in_dim3A_93 : f32 to vector<16xf32>
    %eq3A_95 = arith.constant 7 : i32
    %eq3A_96 = vector.broadcast %eq3A_95 : i32 to vector<16xi32>
    %eq3A_97 = arith.cmpi eq, %iota3A, %eq3A_96 : vector<16xi32>
    tpu.vector_store_idx %arg17[%get3A_51], %broadcast_in_dim3A_94 masked %eq3A_97 : memref<4096xf32, #tpu.memory_space<vmem>>[vector<16xi32>], vector<16xf32>, vector<16xi1>
    %broadcast_in_dim3A_98 = arith.constant 2.200000e+01 : f32
    %broadcast_in_dim3A_99 = vector.broadcast %broadcast_in_dim3A_98 : f32 to vector<16xf32>
    %eq3A_100 = arith.constant 6 : i32
    %eq3A_101 = vector.broadcast %eq3A_100 : i32 to vector<16xi32>
    %eq3A_102 = arith.cmpi eq, %iota3A, %eq3A_101 : vector<16xi32>
    tpu.vector_store_idx %arg17[%get3A_51], %broadcast_in_dim3A_99 masked %eq3A_102 : memref<4096xf32, #tpu.memory_space<vmem>>[vector<16xi32>], vector<16xf32>, vector<16xi1>
    %broadcast_in_dim3A_103 = arith.constant 2.100000e+01 : f32
    %broadcast_in_dim3A_104 = vector.broadcast %broadcast_in_dim3A_103 : f32 to vector<16xf32>
    %eq3A_105 = arith.constant 5 : i32
    %eq3A_106 = vector.broadcast %eq3A_105 : i32 to vector<16xi32>
    %eq3A_107 = arith.cmpi eq, %iota3A, %eq3A_106 : vector<16xi32>
    tpu.vector_store_idx %arg17[%get3A_51], %broadcast_in_dim3A_104 masked %eq3A_107 : memref<4096xf32, #tpu.memory_space<vmem>>[vector<16xi32>], vector<16xf32>, vector<16xi1>
    %broadcast_in_dim3A_108 = arith.constant 2.000000e+01 : f32
    %broadcast_in_dim3A_109 = vector.broadcast %broadcast_in_dim3A_108 : f32 to vector<16xf32>
    %eq3A_110 = arith.constant 4 : i32
    %eq3A_111 = vector.broadcast %eq3A_110 : i32 to vector<16xi32>
    %eq3A_112 = arith.cmpi eq, %iota3A, %eq3A_111 : vector<16xi32>
    tpu.vector_store_idx %arg17[%get3A_51], %broadcast_in_dim3A_109 masked %eq3A_112 : memref<4096xf32, #tpu.memory_space<vmem>>[vector<16xi32>], vector<16xf32>, vector<16xi1>
    %broadcast_in_dim3A_113 = arith.constant 1.900000e+01 : f32
    %broadcast_in_dim3A_114 = vector.broadcast %broadcast_in_dim3A_113 : f32 to vector<16xf32>
    %eq3A_115 = arith.constant 3 : i32
    %eq3A_116 = vector.broadcast %eq3A_115 : i32 to vector<16xi32>
    %eq3A_117 = arith.cmpi eq, %iota3A, %eq3A_116 : vector<16xi32>
    tpu.vector_store_idx %arg17[%get3A_51], %broadcast_in_dim3A_114 masked %eq3A_117 : memref<4096xf32, #tpu.memory_space<vmem>>[vector<16xi32>], vector<16xf32>, vector<16xi1>
    %broadcast_in_dim3A_118 = arith.constant 1.800000e+01 : f32
    %broadcast_in_dim3A_119 = vector.broadcast %broadcast_in_dim3A_118 : f32 to vector<16xf32>
    %eq3A_120 = arith.constant 2 : i32
    %eq3A_121 = vector.broadcast %eq3A_120 : i32 to vector<16xi32>
    %eq3A_122 = arith.cmpi eq, %iota3A, %eq3A_121 : vector<16xi32>
    tpu.vector_store_idx %arg17[%get3A_51], %broadcast_in_dim3A_119 masked %eq3A_122 : memref<4096xf32, #tpu.memory_space<vmem>>[vector<16xi32>], vector<16xf32>, vector<16xi1>
    %broadcast_in_dim3A_123 = arith.constant 1.700000e+01 : f32
    %broadcast_in_dim3A_124 = vector.broadcast %broadcast_in_dim3A_123 : f32 to vector<16xf32>
    %eq3A_125 = arith.constant 1 : i32
    %eq3A_126 = vector.broadcast %eq3A_125 : i32 to vector<16xi32>
    %eq3A_127 = arith.cmpi eq, %iota3A, %eq3A_126 : vector<16xi32>
    tpu.vector_store_idx %arg17[%get3A_51], %broadcast_in_dim3A_124 masked %eq3A_127 : memref<4096xf32, #tpu.memory_space<vmem>>[vector<16xi32>], vector<16xf32>, vector<16xi1>
    %broadcast_in_dim3A_128 = arith.constant 1.600000e+01 : f32
    %broadcast_in_dim3A_129 = vector.broadcast %broadcast_in_dim3A_128 : f32 to vector<16xf32>
    %eq3A_130 = arith.constant 0 : i32
    %eq3A_131 = vector.broadcast %eq3A_130 : i32 to vector<16xi32>
    %eq3A_132 = arith.cmpi eq, %iota3A, %eq3A_131 : vector<16xi32>
    tpu.vector_store_idx %arg17[%get3A_51], %broadcast_in_dim3A_129 masked %eq3A_132 : memref<4096xf32, #tpu.memory_space<vmem>>[vector<16xi32>], vector<16xf32>, vector<16xi1>
    %broadcast_in_dim3A_133 = arith.constant 1.500000e+01 : f32
    %broadcast_in_dim3A_134 = vector.broadcast %broadcast_in_dim3A_133 : f32 to vector<16xf32>
    %eq3A_135 = arith.constant 15 : i32
    %eq3A_136 = vector.broadcast %eq3A_135 : i32 to vector<16xi32>
    %eq3A_137 = arith.cmpi eq, %iota3A, %eq3A_136 : vector<16xi32>
    tpu.vector_store_idx %arg17[%get3A_49], %broadcast_in_dim3A_134 masked %eq3A_137 : memref<4096xf32, #tpu.memory_space<vmem>>[vector<16xi32>], vector<16xf32>, vector<16xi1>
    %broadcast_in_dim3A_138 = arith.constant 1.400000e+01 : f32
    %broadcast_in_dim3A_139 = vector.broadcast %broadcast_in_dim3A_138 : f32 to vector<16xf32>
    %eq3A_140 = arith.constant 14 : i32
    %eq3A_141 = vector.broadcast %eq3A_140 : i32 to vector<16xi32>
    %eq3A_142 = arith.cmpi eq, %iota3A, %eq3A_141 : vector<16xi32>
    tpu.vector_store_idx %arg17[%get3A_49], %broadcast_in_dim3A_139 masked %eq3A_142 : memref<4096xf32, #tpu.memory_space<vmem>>[vector<16xi32>], vector<16xf32>, vector<16xi1>
    %broadcast_in_dim3A_143 = arith.constant 1.300000e+01 : f32
    %broadcast_in_dim3A_144 = vector.broadcast %broadcast_in_dim3A_143 : f32 to vector<16xf32>
    %eq3A_145 = arith.constant 13 : i32
    %eq3A_146 = vector.broadcast %eq3A_145 : i32 to vector<16xi32>
    %eq3A_147 = arith.cmpi eq, %iota3A, %eq3A_146 : vector<16xi32>
    tpu.vector_store_idx %arg17[%get3A_49], %broadcast_in_dim3A_144 masked %eq3A_147 : memref<4096xf32, #tpu.memory_space<vmem>>[vector<16xi32>], vector<16xf32>, vector<16xi1>
    %broadcast_in_dim3A_148 = arith.constant 1.200000e+01 : f32
    %broadcast_in_dim3A_149 = vector.broadcast %broadcast_in_dim3A_148 : f32 to vector<16xf32>
    %eq3A_150 = arith.constant 12 : i32
    %eq3A_151 = vector.broadcast %eq3A_150 : i32 to vector<16xi32>
    %eq3A_152 = arith.cmpi eq, %iota3A, %eq3A_151 : vector<16xi32>
    tpu.vector_store_idx %arg17[%get3A_49], %broadcast_in_dim3A_149 masked %eq3A_152 : memref<4096xf32, #tpu.memory_space<vmem>>[vector<16xi32>], vector<16xf32>, vector<16xi1>
    %broadcast_in_dim3A_153 = arith.constant 1.100000e+01 : f32
    %broadcast_in_dim3A_154 = vector.broadcast %broadcast_in_dim3A_153 : f32 to vector<16xf32>
    %eq3A_155 = arith.constant 11 : i32
    %eq3A_156 = vector.broadcast %eq3A_155 : i32 to vector<16xi32>
    %eq3A_157 = arith.cmpi eq, %iota3A, %eq3A_156 : vector<16xi32>
    tpu.vector_store_idx %arg17[%get3A_49], %broadcast_in_dim3A_154 masked %eq3A_157 : memref<4096xf32, #tpu.memory_space<vmem>>[vector<16xi32>], vector<16xf32>, vector<16xi1>
    %broadcast_in_dim3A_158 = arith.constant 1.000000e+01 : f32
    %broadcast_in_dim3A_159 = vector.broadcast %broadcast_in_dim3A_158 : f32 to vector<16xf32>
    %eq3A_160 = arith.constant 10 : i32
    %eq3A_161 = vector.broadcast %eq3A_160 : i32 to vector<16xi32>
    %eq3A_162 = arith.cmpi eq, %iota3A, %eq3A_161 : vector<16xi32>
    tpu.vector_store_idx %arg17[%get3A_49], %broadcast_in_dim3A_159 masked %eq3A_162 : memref<4096xf32, #tpu.memory_space<vmem>>[vector<16xi32>], vector<16xf32>, vector<16xi1>
    %broadcast_in_dim3A_163 = arith.constant 9.000000e+00 : f32
    %broadcast_in_dim3A_164 = vector.broadcast %broadcast_in_dim3A_163 : f32 to vector<16xf32>
    %eq3A_165 = arith.constant 9 : i32
    %eq3A_166 = vector.broadcast %eq3A_165 : i32 to vector<16xi32>
    %eq3A_167 = arith.cmpi eq, %iota3A, %eq3A_166 : vector<16xi32>
    tpu.vector_store_idx %arg17[%get3A_49], %broadcast_in_dim3A_164 masked %eq3A_167 : memref<4096xf32, #tpu.memory_space<vmem>>[vector<16xi32>], vector<16xf32>, vector<16xi1>
    %broadcast_in_dim3A_168 = arith.constant 8.000000e+00 : f32
    %broadcast_in_dim3A_169 = vector.broadcast %broadcast_in_dim3A_168 : f32 to vector<16xf32>
    %eq3A_170 = arith.constant 8 : i32
    %eq3A_171 = vector.broadcast %eq3A_170 : i32 to vector<16xi32>
    %eq3A_172 = arith.cmpi eq, %iota3A, %eq3A_171 : vector<16xi32>
    tpu.vector_store_idx %arg17[%get3A_49], %broadcast_in_dim3A_169 masked %eq3A_172 : memref<4096xf32, #tpu.memory_space<vmem>>[vector<16xi32>], vector<16xf32>, vector<16xi1>
    %broadcast_in_dim3A_173 = arith.constant 7.000000e+00 : f32
    %broadcast_in_dim3A_174 = vector.broadcast %broadcast_in_dim3A_173 : f32 to vector<16xf32>
    %eq3A_175 = arith.constant 7 : i32
    %eq3A_176 = vector.broadcast %eq3A_175 : i32 to vector<16xi32>
    %eq3A_177 = arith.cmpi eq, %iota3A, %eq3A_176 : vector<16xi32>
    tpu.vector_store_idx %arg17[%get3A_49], %broadcast_in_dim3A_174 masked %eq3A_177 : memref<4096xf32, #tpu.memory_space<vmem>>[vector<16xi32>], vector<16xf32>, vector<16xi1>
    %broadcast_in_dim3A_178 = arith.constant 6.000000e+00 : f32
    %broadcast_in_dim3A_179 = vector.broadcast %broadcast_in_dim3A_178 : f32 to vector<16xf32>
    %eq3A_180 = arith.constant 6 : i32
    %eq3A_181 = vector.broadcast %eq3A_180 : i32 to vector<16xi32>
    %eq3A_182 = arith.cmpi eq, %iota3A, %eq3A_181 : vector<16xi32>
    tpu.vector_store_idx %arg17[%get3A_49], %broadcast_in_dim3A_179 masked %eq3A_182 : memref<4096xf32, #tpu.memory_space<vmem>>[vector<16xi32>], vector<16xf32>, vector<16xi1>
    %broadcast_in_dim3A_183 = arith.constant 5.000000e+00 : f32
    %broadcast_in_dim3A_184 = vector.broadcast %broadcast_in_dim3A_183 : f32 to vector<16xf32>
    %eq3A_185 = arith.constant 5 : i32
    %eq3A_186 = vector.broadcast %eq3A_185 : i32 to vector<16xi32>
    %eq3A_187 = arith.cmpi eq, %iota3A, %eq3A_186 : vector<16xi32>
    tpu.vector_store_idx %arg17[%get3A_49], %broadcast_in_dim3A_184 masked %eq3A_187 : memref<4096xf32, #tpu.memory_space<vmem>>[vector<16xi32>], vector<16xf32>, vector<16xi1>
    %broadcast_in_dim3A_188 = arith.constant 4.000000e+00 : f32
    %broadcast_in_dim3A_189 = vector.broadcast %broadcast_in_dim3A_188 : f32 to vector<16xf32>
    %eq3A_190 = arith.constant 4 : i32
    %eq3A_191 = vector.broadcast %eq3A_190 : i32 to vector<16xi32>
    %eq3A_192 = arith.cmpi eq, %iota3A, %eq3A_191 : vector<16xi32>
    tpu.vector_store_idx %arg17[%get3A_49], %broadcast_in_dim3A_189 masked %eq3A_192 : memref<4096xf32, #tpu.memory_space<vmem>>[vector<16xi32>], vector<16xf32>, vector<16xi1>
    %broadcast_in_dim3A_193 = arith.constant 3.000000e+00 : f32
    %broadcast_in_dim3A_194 = vector.broadcast %broadcast_in_dim3A_193 : f32 to vector<16xf32>
    %eq3A_195 = arith.constant 3 : i32
    %eq3A_196 = vector.broadcast %eq3A_195 : i32 to vector<16xi32>
    %eq3A_197 = arith.cmpi eq, %iota3A, %eq3A_196 : vector<16xi32>
    tpu.vector_store_idx %arg17[%get3A_49], %broadcast_in_dim3A_194 masked %eq3A_197 : memref<4096xf32, #tpu.memory_space<vmem>>[vector<16xi32>], vector<16xf32>, vector<16xi1>
    %broadcast_in_dim3A_198 = arith.constant 2.000000e+00 : f32
    %broadcast_in_dim3A_199 = vector.broadcast %broadcast_in_dim3A_198 : f32 to vector<16xf32>
    %eq3A_200 = arith.constant 2 : i32
    %eq3A_201 = vector.broadcast %eq3A_200 : i32 to vector<16xi32>
    %eq3A_202 = arith.cmpi eq, %iota3A, %eq3A_201 : vector<16xi32>
    tpu.vector_store_idx %arg17[%get3A_49], %broadcast_in_dim3A_199 masked %eq3A_202 : memref<4096xf32, #tpu.memory_space<vmem>>[vector<16xi32>], vector<16xf32>, vector<16xi1>
    %broadcast_in_dim3A_203 = arith.constant 1.000000e+00 : f32
    %broadcast_in_dim3A_204 = vector.broadcast %broadcast_in_dim3A_203 : f32 to vector<16xf32>
    %eq3A_205 = arith.constant 1 : i32
    %eq3A_206 = vector.broadcast %eq3A_205 : i32 to vector<16xi32>
    %eq3A_207 = arith.cmpi eq, %iota3A, %eq3A_206 : vector<16xi32>
    tpu.vector_store_idx %arg17[%get3A_49], %broadcast_in_dim3A_204 masked %eq3A_207 : memref<4096xf32, #tpu.memory_space<vmem>>[vector<16xi32>], vector<16xf32>, vector<16xi1>
    %broadcast_in_dim3A_208 = arith.constant 0.000000e+00 : f32
    %broadcast_in_dim3A_209 = vector.broadcast %broadcast_in_dim3A_208 : f32 to vector<16xf32>
    %eq3A_210 = arith.constant 0 : i32
    %eq3A_211 = vector.broadcast %eq3A_210 : i32 to vector<16xi32>
    %eq3A_212 = arith.cmpi eq, %iota3A, %eq3A_211 : vector<16xi32>
    tpu.vector_store_idx %arg17[%get3A_49], %broadcast_in_dim3A_209 masked %eq3A_212 : memref<4096xf32, #tpu.memory_space<vmem>>[vector<16xi32>], vector<16xf32>, vector<16xi1>
    %add3A_213 = arith.constant 0 : i32
    %add3A_214 = vector.broadcast %add3A_213 : i32 to vector<16xi32>
    %add3A_215 = arith.addi %get3A_49, %add3A_214 : vector<16xi32>
    %gather3A = tpu.vector_load_idx %arg10[%add3A_215] : memref<16384xf32, #tpu.memory_space<vmem>>[vector<16xi32>], vector<16xf32>,
    %add3A_216 = arith.constant 4096 : i32
    %add3A_217 = vector.broadcast %add3A_216 : i32 to vector<16xi32>
    %add3A_218 = arith.addi %get3A_49, %add3A_217 : vector<16xi32>
    %gather3A_219 = tpu.vector_load_idx %arg10[%add3A_218] : memref<16384xf32, #tpu.memory_space<vmem>>[vector<16xi32>], vector<16xf32>,
    %add3A_220 = arith.constant 8192 : i32
    %add3A_221 = vector.broadcast %add3A_220 : i32 to vector<16xi32>
    %add3A_222 = arith.addi %get3A_49, %add3A_221 : vector<16xi32>
    %gather3A_223 = tpu.vector_load_idx %arg10[%add3A_222] : memref<16384xf32, #tpu.memory_space<vmem>>[vector<16xi32>], vector<16xf32>,
    %add3A_224 = arith.constant 12288 : i32
    %add3A_225 = vector.broadcast %add3A_224 : i32 to vector<16xi32>
    %add3A_226 = arith.addi %get3A_49, %add3A_225 : vector<16xi32>
    %gather3A_227 = tpu.vector_load_idx %arg10[%add3A_226] : memref<16384xf32, #tpu.memory_space<vmem>>[vector<16xi32>], vector<16xf32>,
    %gather3A_228 = tpu.vector_load_idx %arg14[%get3A_49] : memref<8192xf32, #tpu.memory_space<vmem>>[vector<16xi32>], vector<16xf32>,
    %add3A_229 = arith.constant 4096 : i32
    %add3A_230 = vector.broadcast %add3A_229 : i32 to vector<16xi32>
    %add3A_231 = arith.addi %get3A_49, %add3A_230 : vector<16xi32>
    %gather3A_232 = tpu.vector_load_idx %arg14[%add3A_231] : memref<8192xf32, #tpu.memory_space<vmem>>[vector<16xi32>], vector<16xf32>,
    %gather3A_233 = tpu.vector_load_idx %arg15[%get3A_49] : memref<4096xf32, #tpu.memory_space<vmem>>[vector<16xi32>], vector<16xf32>,
    %gather3A_234 = tpu.vector_load_idx %arg13[%get3A_49] : memref<4096xf32, #tpu.memory_space<vmem>>[vector<16xi32>], vector<16xf32>,
    %add3A_235 = arith.constant 0 : i32
    %add3A_236 = vector.broadcast %add3A_235 : i32 to vector<16xi32>
    %add3A_237 = arith.addi %mul3A_6, %add3A_236 : vector<16xi32>
    tpu.vector_store_idx %arg18[%add3A_237], %gather3A : memref<384xf32, #tpu.memory_space<vmem>>[vector<16xi32>], vector<16xf32>,
    %add3A_238 = arith.constant 1 : i32
    %add3A_239 = vector.broadcast %add3A_238 : i32 to vector<16xi32>
    %add3A_240 = arith.addi %mul3A_6, %add3A_239 : vector<16xi32>
    tpu.vector_store_idx %arg18[%add3A_240], %gather3A_219 : memref<384xf32, #tpu.memory_space<vmem>>[vector<16xi32>], vector<16xf32>,
    %add3A_241 = arith.constant 2 : i32
    %add3A_242 = vector.broadcast %add3A_241 : i32 to vector<16xi32>
    %add3A_243 = arith.addi %mul3A_6, %add3A_242 : vector<16xi32>
    tpu.vector_store_idx %arg18[%add3A_243], %gather3A_223 : memref<384xf32, #tpu.memory_space<vmem>>[vector<16xi32>], vector<16xf32>,
    %add3A_244 = arith.constant 3 : i32
    %add3A_245 = vector.broadcast %add3A_244 : i32 to vector<16xi32>
    %add3A_246 = arith.addi %mul3A_6, %add3A_245 : vector<16xi32>
    tpu.vector_store_idx %arg18[%add3A_246], %gather3A_227 : memref<384xf32, #tpu.memory_space<vmem>>[vector<16xi32>], vector<16xf32>,
    %add3A_247 = arith.constant 4 : i32
    %add3A_248 = vector.broadcast %add3A_247 : i32 to vector<16xi32>
    %add3A_249 = arith.addi %mul3A_6, %add3A_248 : vector<16xi32>
    tpu.vector_store_idx %arg18[%add3A_249], %gather3A_228 : memref<384xf32, #tpu.memory_space<vmem>>[vector<16xi32>], vector<16xf32>,
    %add3A_250 = arith.constant 5 : i32
    %add3A_251 = vector.broadcast %add3A_250 : i32 to vector<16xi32>
    %add3A_252 = arith.addi %mul3A_6, %add3A_251 : vector<16xi32>
    tpu.vector_store_idx %arg18[%add3A_252], %gather3A_232 : memref<384xf32, #tpu.memory_space<vmem>>[vector<16xi32>], vector<16xf32>,
    %add3A_253 = arith.constant 6 : i32
    %add3A_254 = vector.broadcast %add3A_253 : i32 to vector<16xi32>
    %add3A_255 = arith.addi %mul3A_6, %add3A_254 : vector<16xi32>
    tpu.vector_store_idx %arg18[%add3A_255], %gather3A_233 : memref<384xf32, #tpu.memory_space<vmem>>[vector<16xi32>], vector<16xf32>,
    %add3A_256 = arith.constant 7 : i32
    %add3A_257 = vector.broadcast %add3A_256 : i32 to vector<16xi32>
    %add3A_258 = arith.addi %mul3A_6, %add3A_257 : vector<16xi32>
    tpu.vector_store_idx %arg18[%add3A_258], %gather3A_234 : memref<384xf32, #tpu.memory_space<vmem>>[vector<16xi32>], vector<16xf32>,
    %add3A_259 = arith.constant 0 : i32
    %add3A_260 = vector.broadcast %add3A_259 : i32 to vector<16xi32>
    %add3A_261 = arith.addi %get3A_51, %add3A_260 : vector<16xi32>
    %gather3A_262 = tpu.vector_load_idx %arg10[%add3A_261] : memref<16384xf32, #tpu.memory_space<vmem>>[vector<16xi32>], vector<16xf32>,
    %add3A_263 = arith.constant 4096 : i32
    %add3A_264 = vector.broadcast %add3A_263 : i32 to vector<16xi32>
    %add3A_265 = arith.addi %get3A_51, %add3A_264 : vector<16xi32>
    %gather3A_266 = tpu.vector_load_idx %arg10[%add3A_265] : memref<16384xf32, #tpu.memory_space<vmem>>[vector<16xi32>], vector<16xf32>,
    %add3A_267 = arith.constant 8192 : i32
    %add3A_268 = vector.broadcast %add3A_267 : i32 to vector<16xi32>
    %add3A_269 = arith.addi %get3A_51, %add3A_268 : vector<16xi32>
    %gather3A_270 = tpu.vector_load_idx %arg10[%add3A_269] : memref<16384xf32, #tpu.memory_space<vmem>>[vector<16xi32>], vector<16xf32>,
    %add3A_271 = arith.constant 12288 : i32
    %add3A_272 = vector.broadcast %add3A_271 : i32 to vector<16xi32>
    %add3A_273 = arith.addi %get3A_51, %add3A_272 : vector<16xi32>
    %gather3A_274 = tpu.vector_load_idx %arg10[%add3A_273] : memref<16384xf32, #tpu.memory_space<vmem>>[vector<16xi32>], vector<16xf32>,
    %gather3A_275 = tpu.vector_load_idx %arg14[%get3A_51] : memref<8192xf32, #tpu.memory_space<vmem>>[vector<16xi32>], vector<16xf32>,
    %add3A_276 = arith.constant 4096 : i32
    %add3A_277 = vector.broadcast %add3A_276 : i32 to vector<16xi32>
    %add3A_278 = arith.addi %get3A_51, %add3A_277 : vector<16xi32>
    %gather3A_279 = tpu.vector_load_idx %arg14[%add3A_278] : memref<8192xf32, #tpu.memory_space<vmem>>[vector<16xi32>], vector<16xf32>,
    %gather3A_280 = tpu.vector_load_idx %arg15[%get3A_51] : memref<4096xf32, #tpu.memory_space<vmem>>[vector<16xi32>], vector<16xf32>,
    %gather3A_281 = tpu.vector_load_idx %arg13[%get3A_51] : memref<4096xf32, #tpu.memory_space<vmem>>[vector<16xi32>], vector<16xf32>,
    %add3A_282 = arith.constant 128 : i32
    %add3A_283 = vector.broadcast %add3A_282 : i32 to vector<16xi32>
    %add3A_284 = arith.addi %mul3A_6, %add3A_283 : vector<16xi32>
    tpu.vector_store_idx %arg18[%add3A_284], %gather3A_262 : memref<384xf32, #tpu.memory_space<vmem>>[vector<16xi32>], vector<16xf32>,
    %add3A_285 = arith.constant 129 : i32
    %add3A_286 = vector.broadcast %add3A_285 : i32 to vector<16xi32>
    %add3A_287 = arith.addi %mul3A_6, %add3A_286 : vector<16xi32>
    tpu.vector_store_idx %arg18[%add3A_287], %gather3A_266 : memref<384xf32, #tpu.memory_space<vmem>>[vector<16xi32>], vector<16xf32>,
    %add3A_288 = arith.constant 130 : i32
    %add3A_289 = vector.broadcast %add3A_288 : i32 to vector<16xi32>
    %add3A_290 = arith.addi %mul3A_6, %add3A_289 : vector<16xi32>
    tpu.vector_store_idx %arg18[%add3A_290], %gather3A_270 : memref<384xf32, #tpu.memory_space<vmem>>[vector<16xi32>], vector<16xf32>,
    %add3A_291 = arith.constant 131 : i32
    %add3A_292 = vector.broadcast %add3A_291 : i32 to vector<16xi32>
    %add3A_293 = arith.addi %mul3A_6, %add3A_292 : vector<16xi32>
    tpu.vector_store_idx %arg18[%add3A_293], %gather3A_274 : memref<384xf32, #tpu.memory_space<vmem>>[vector<16xi32>], vector<16xf32>,
    %add3A_294 = arith.constant 132 : i32
    %add3A_295 = vector.broadcast %add3A_294 : i32 to vector<16xi32>
    %add3A_296 = arith.addi %mul3A_6, %add3A_295 : vector<16xi32>
    tpu.vector_store_idx %arg18[%add3A_296], %gather3A_275 : memref<384xf32, #tpu.memory_space<vmem>>[vector<16xi32>], vector<16xf32>,
    %add3A_297 = arith.constant 133 : i32
    %add3A_298 = vector.broadcast %add3A_297 : i32 to vector<16xi32>
    %add3A_299 = arith.addi %mul3A_6, %add3A_298 : vector<16xi32>
    tpu.vector_store_idx %arg18[%add3A_299], %gather3A_279 : memref<384xf32, #tpu.memory_space<vmem>>[vector<16xi32>], vector<16xf32>,
    %add3A_300 = arith.constant 134 : i32
    %add3A_301 = vector.broadcast %add3A_300 : i32 to vector<16xi32>
    %add3A_302 = arith.addi %mul3A_6, %add3A_301 : vector<16xi32>
    tpu.vector_store_idx %arg18[%add3A_302], %gather3A_280 : memref<384xf32, #tpu.memory_space<vmem>>[vector<16xi32>], vector<16xf32>,
    %add3A_303 = arith.constant 135 : i32
    %add3A_304 = vector.broadcast %add3A_303 : i32 to vector<16xi32>
    %add3A_305 = arith.addi %mul3A_6, %add3A_304 : vector<16xi32>
    tpu.vector_store_idx %arg18[%add3A_305], %gather3A_281 : memref<384xf32, #tpu.memory_space<vmem>>[vector<16xi32>], vector<16xf32>,
    %add3A_306 = arith.constant 0 : i32
    %add3A_307 = vector.broadcast %add3A_306 : i32 to vector<16xi32>
    %add3A_308 = arith.addi %get3A_53, %add3A_307 : vector<16xi32>
    %gather3A_309 = tpu.vector_load_idx %arg10[%add3A_308] : memref<16384xf32, #tpu.memory_space<vmem>>[vector<16xi32>], vector<16xf32>,
    %add3A_310 = arith.constant 4096 : i32
    %add3A_311 = vector.broadcast %add3A_310 : i32 to vector<16xi32>
    %add3A_312 = arith.addi %get3A_53, %add3A_311 : vector<16xi32>
    %gather3A_313 = tpu.vector_load_idx %arg10[%add3A_312] : memref<16384xf32, #tpu.memory_space<vmem>>[vector<16xi32>], vector<16xf32>,
    %add3A_314 = arith.constant 8192 : i32
    %add3A_315 = vector.broadcast %add3A_314 : i32 to vector<16xi32>
    %add3A_316 = arith.addi %get3A_53, %add3A_315 : vector<16xi32>
    %gather3A_317 = tpu.vector_load_idx %arg10[%add3A_316] : memref<16384xf32, #tpu.memory_space<vmem>>[vector<16xi32>], vector<16xf32>,
    %add3A_318 = arith.constant 12288 : i32
    %add3A_319 = vector.broadcast %add3A_318 : i32 to vector<16xi32>
    %add3A_320 = arith.addi %get3A_53, %add3A_319 : vector<16xi32>
    %gather3A_321 = tpu.vector_load_idx %arg10[%add3A_320] : memref<16384xf32, #tpu.memory_space<vmem>>[vector<16xi32>], vector<16xf32>,
    %gather3A_322 = tpu.vector_load_idx %arg14[%get3A_53] : memref<8192xf32, #tpu.memory_space<vmem>>[vector<16xi32>], vector<16xf32>,
    %add3A_323 = arith.constant 4096 : i32
    %add3A_324 = vector.broadcast %add3A_323 : i32 to vector<16xi32>
    %add3A_325 = arith.addi %get3A_53, %add3A_324 : vector<16xi32>
    %gather3A_326 = tpu.vector_load_idx %arg14[%add3A_325] : memref<8192xf32, #tpu.memory_space<vmem>>[vector<16xi32>], vector<16xf32>,
    %gather3A_327 = tpu.vector_load_idx %arg15[%get3A_53] : memref<4096xf32, #tpu.memory_space<vmem>>[vector<16xi32>], vector<16xf32>,
    %gather3A_328 = tpu.vector_load_idx %arg13[%get3A_53] : memref<4096xf32, #tpu.memory_space<vmem>>[vector<16xi32>], vector<16xf32>,
    %add3A_329 = arith.constant 256 : i32
    %add3A_330 = vector.broadcast %add3A_329 : i32 to vector<16xi32>
    %add3A_331 = arith.addi %mul3A_6, %add3A_330 : vector<16xi32>
    tpu.vector_store_idx %arg18[%add3A_331], %gather3A_309 : memref<384xf32, #tpu.memory_space<vmem>>[vector<16xi32>], vector<16xf32>,
    %add3A_332 = arith.constant 257 : i32
    %add3A_333 = vector.broadcast %add3A_332 : i32 to vector<16xi32>
    %add3A_334 = arith.addi %mul3A_6, %add3A_333 : vector<16xi32>
    tpu.vector_store_idx %arg18[%add3A_334], %gather3A_313 : memref<384xf32, #tpu.memory_space<vmem>>[vector<16xi32>], vector<16xf32>,
    %add3A_335 = arith.constant 258 : i32
    %add3A_336 = vector.broadcast %add3A_335 : i32 to vector<16xi32>
    %add3A_337 = arith.addi %mul3A_6, %add3A_336 : vector<16xi32>
    tpu.vector_store_idx %arg18[%add3A_337], %gather3A_317 : memref<384xf32, #tpu.memory_space<vmem>>[vector<16xi32>], vector<16xf32>,
    %add3A_338 = arith.constant 259 : i32
    %add3A_339 = vector.broadcast %add3A_338 : i32 to vector<16xi32>
    %add3A_340 = arith.addi %mul3A_6, %add3A_339 : vector<16xi32>
    tpu.vector_store_idx %arg18[%add3A_340], %gather3A_321 : memref<384xf32, #tpu.memory_space<vmem>>[vector<16xi32>], vector<16xf32>,
    %add3A_341 = arith.constant 260 : i32
    %add3A_342 = vector.broadcast %add3A_341 : i32 to vector<16xi32>
    %add3A_343 = arith.addi %mul3A_6, %add3A_342 : vector<16xi32>
    tpu.vector_store_idx %arg18[%add3A_343], %gather3A_322 : memref<384xf32, #tpu.memory_space<vmem>>[vector<16xi32>], vector<16xf32>,
    %add3A_344 = arith.constant 261 : i32
    %add3A_345 = vector.broadcast %add3A_344 : i32 to vector<16xi32>
    %add3A_346 = arith.addi %mul3A_6, %add3A_345 : vector<16xi32>
    tpu.vector_store_idx %arg18[%add3A_346], %gather3A_326 : memref<384xf32, #tpu.memory_space<vmem>>[vector<16xi32>], vector<16xf32>,
    %add3A_347 = arith.constant 262 : i32
    %add3A_348 = vector.broadcast %add3A_347 : i32 to vector<16xi32>
    %add3A_349 = arith.addi %mul3A_6, %add3A_348 : vector<16xi32>
    tpu.vector_store_idx %arg18[%add3A_349], %gather3A_327 : memref<384xf32, #tpu.memory_space<vmem>>[vector<16xi32>], vector<16xf32>,
    %add3A_350 = arith.constant 263 : i32
    %add3A_351 = vector.broadcast %add3A_350 : i32 to vector<16xi32>
    %add3A_352 = arith.addi %mul3A_6, %add3A_351 : vector<16xi32>
    tpu.vector_store_idx %arg18[%add3A_352], %gather3A_328 : memref<384xf32, #tpu.memory_space<vmem>>[vector<16xi32>], vector<16xf32>,
    "tpu.region"() ({
      %run_scoped3A = tpu.sem_alloc : memref<!tpu.dma_semaphore, #tpu.memory_space<semaphore_mem>>
      %dma_start3A_353 = arith.constant 0 : i32
      %dma_start3A_354 = tpu.memref_slice %arg7[%add3A_26, %dma_start3A_353] : memref<32x4096xf32, #tpu.memory_space<hbm>> -> memref<1x4096xf32, #tpu.memory_space<hbm>>
      %dma_start3A_355 = tpu.memref_squeeze %dma_start3A_354 : memref<1x4096xf32, #tpu.memory_space<hbm>> -> memref<4096xf32, #tpu.memory_space<hbm>>
      %dma_start3A_356 = arith.constant 0 : i32
      %dma_start3A_357 = tpu.memref_slice %arg7[%add3A_26, %dma_start3A_356] : memref<32x4096xf32, #tpu.memory_space<hbm>> -> memref<1x4096xf32, #tpu.memory_space<hbm>>
      %dma_start3A_358 = tpu.memref_squeeze %dma_start3A_357 : memref<1x4096xf32, #tpu.memory_space<hbm>> -> memref<4096xf32, #tpu.memory_space<hbm>>
      tpu.enqueue_dma source(%arg13 : memref<4096xf32, #tpu.memory_space<vmem>>) target(%dma_start3A_358 : memref<4096xf32, #tpu.memory_space<hbm>>) target_semaphore(%run_scoped3A : memref<!tpu.dma_semaphore, #tpu.memory_space<semaphore_mem>>)
      %dma_wait3A_359 = arith.constant 0 : i32
      %dma_wait3A_360 = tpu.memref_slice %arg7[%add3A_26, %dma_wait3A_359] : memref<32x4096xf32, #tpu.memory_space<hbm>> -> memref<1x4096xf32, #tpu.memory_space<hbm>>
      %dma_wait3A_361 = tpu.memref_squeeze %dma_wait3A_360 : memref<1x4096xf32, #tpu.memory_space<hbm>> -> memref<4096xf32, #tpu.memory_space<hbm>>
      %dma_wait3A_362 = arith.constant 0 : i32
      %dma_wait3A_363 = tpu.memref_slice %arg7[%add3A_26, %dma_wait3A_362] : memref<32x4096xf32, #tpu.memory_space<hbm>> -> memref<1x4096xf32, #tpu.memory_space<hbm>>
      %dma_wait3A_364 = tpu.memref_squeeze %dma_wait3A_363 : memref<1x4096xf32, #tpu.memory_space<hbm>> -> memref<4096xf32, #tpu.memory_space<hbm>>
      tpu.wait_dma2 semaphore(%run_scoped3A : memref<!tpu.dma_semaphore, #tpu.memory_space<semaphore_mem>>) src(%arg13 : memref<4096xf32, #tpu.memory_space<vmem>>) dst(%dma_wait3A_364 : memref<4096xf32, #tpu.memory_space<hbm>>)
      tpu.yield
    }) : () -> ()
    "tpu.region"() ({
      %run_scoped3A = tpu.sem_alloc : memref<!tpu.dma_semaphore, #tpu.memory_space<semaphore_mem>>
      %dma_start3A_353 = arith.constant 0 : i32
      %dma_start3A_354 = tpu.memref_slice %arg8[%add3A_26, %dma_start3A_353] : memref<32x4096xf32, #tpu.memory_space<hbm>> -> memref<1x4096xf32, #tpu.memory_space<hbm>>
      %dma_start3A_355 = tpu.memref_squeeze %dma_start3A_354 : memref<1x4096xf32, #tpu.memory_space<hbm>> -> memref<4096xf32, #tpu.memory_space<hbm>>
      %dma_start3A_356 = arith.constant 0 : i32
      %dma_start3A_357 = tpu.memref_slice %arg8[%add3A_26, %dma_start3A_356] : memref<32x4096xf32, #tpu.memory_space<hbm>> -> memref<1x4096xf32, #tpu.memory_space<hbm>>
      %dma_start3A_358 = tpu.memref_squeeze %dma_start3A_357 : memref<1x4096xf32, #tpu.memory_space<hbm>> -> memref<4096xf32, #tpu.memory_space<hbm>>
      tpu.enqueue_dma source(%arg17 : memref<4096xf32, #tpu.memory_space<vmem>>) target(%dma_start3A_358 : memref<4096xf32, #tpu.memory_space<hbm>>) target_semaphore(%run_scoped3A : memref<!tpu.dma_semaphore, #tpu.memory_space<semaphore_mem>>)
      %dma_wait3A_359 = arith.constant 0 : i32
      %dma_wait3A_360 = tpu.memref_slice %arg8[%add3A_26, %dma_wait3A_359] : memref<32x4096xf32, #tpu.memory_space<hbm>> -> memref<1x4096xf32, #tpu.memory_space<hbm>>
      %dma_wait3A_361 = tpu.memref_squeeze %dma_wait3A_360 : memref<1x4096xf32, #tpu.memory_space<hbm>> -> memref<4096xf32, #tpu.memory_space<hbm>>
      %dma_wait3A_362 = arith.constant 0 : i32
      %dma_wait3A_363 = tpu.memref_slice %arg8[%add3A_26, %dma_wait3A_362] : memref<32x4096xf32, #tpu.memory_space<hbm>> -> memref<1x4096xf32, #tpu.memory_space<hbm>>
      %dma_wait3A_364 = tpu.memref_squeeze %dma_wait3A_363 : memref<1x4096xf32, #tpu.memory_space<hbm>> -> memref<4096xf32, #tpu.memory_space<hbm>>
      tpu.wait_dma2 semaphore(%run_scoped3A : memref<!tpu.dma_semaphore, #tpu.memory_space<semaphore_mem>>) src(%arg17 : memref<4096xf32, #tpu.memory_space<vmem>>) dst(%dma_wait3A_364 : memref<4096xf32, #tpu.memory_space<hbm>>)
      tpu.yield
    }) : () -> ()
    "tpu.region"() ({
      %run_scoped3A = tpu.sem_alloc : memref<!tpu.dma_semaphore, #tpu.memory_space<semaphore_mem>>
      %dma_start3A_353 = arith.constant 0 : i32
      %dma_start3A_354 = tpu.memref_slice %arg9[%add3A_26, %dma_start3A_353] : memref<32x384xf32, #tpu.memory_space<hbm>> -> memref<1x384xf32, #tpu.memory_space<hbm>>
      %dma_start3A_355 = tpu.memref_squeeze %dma_start3A_354 : memref<1x384xf32, #tpu.memory_space<hbm>> -> memref<384xf32, #tpu.memory_space<hbm>>
      %dma_start3A_356 = arith.constant 0 : i32
      %dma_start3A_357 = tpu.memref_slice %arg9[%add3A_26, %dma_start3A_356] : memref<32x384xf32, #tpu.memory_space<hbm>> -> memref<1x384xf32, #tpu.memory_space<hbm>>
      %dma_start3A_358 = tpu.memref_squeeze %dma_start3A_357 : memref<1x384xf32, #tpu.memory_space<hbm>> -> memref<384xf32, #tpu.memory_space<hbm>>
      tpu.enqueue_dma source(%arg18 : memref<384xf32, #tpu.memory_space<vmem>>) target(%dma_start3A_358 : memref<384xf32, #tpu.memory_space<hbm>>) target_semaphore(%run_scoped3A : memref<!tpu.dma_semaphore, #tpu.memory_space<semaphore_mem>>)
      %dma_wait3A_359 = arith.constant 0 : i32
      %dma_wait3A_360 = tpu.memref_slice %arg9[%add3A_26, %dma_wait3A_359] : memref<32x384xf32, #tpu.memory_space<hbm>> -> memref<1x384xf32, #tpu.memory_space<hbm>>
      %dma_wait3A_361 = tpu.memref_squeeze %dma_wait3A_360 : memref<1x384xf32, #tpu.memory_space<hbm>> -> memref<384xf32, #tpu.memory_space<hbm>>
      %dma_wait3A_362 = arith.constant 0 : i32
      %dma_wait3A_363 = tpu.memref_slice %arg9[%add3A_26, %dma_wait3A_362] : memref<32x384xf32, #tpu.memory_space<hbm>> -> memref<1x384xf32, #tpu.memory_space<hbm>>
      %dma_wait3A_364 = tpu.memref_squeeze %dma_wait3A_363 : memref<1x384xf32, #tpu.memory_space<hbm>> -> memref<384xf32, #tpu.memory_space<hbm>>
      tpu.wait_dma2 semaphore(%run_scoped3A : memref<!tpu.dma_semaphore, #tpu.memory_space<semaphore_mem>>) src(%arg18 : memref<384xf32, #tpu.memory_space<vmem>>) dst(%dma_wait3A_364 : memref<384xf32, #tpu.memory_space<hbm>>)
      tpu.yield
    }) : () -> ()
    return
  }
}

module attributes {stable_mosaic.version = 14 : i64} {
  func.func @_tc_body(%arg0: i32, %arg1: memref<1x4xf32, #tpu.memory_space<smem>>, %arg2: memref<1x32x1xi32, #tpu.memory_space<vmem>>, %arg3: memref<1x4x4096xf32, #tpu.memory_space<vmem>>, %arg4: memref<1x2x4096xf32, #tpu.memory_space<vmem>>, %arg5: memref<1x1x4096xf32, #tpu.memory_space<vmem>>, %arg6: memref<1x1x4096xf32, #tpu.memory_space<vmem>>, %arg7: memref<1x1x4096xf32, #tpu.memory_space<vmem>>, %arg8: memref<1x48x8xf32, #tpu.memory_space<vmem>>, %arg9: memref<4x8xf32, #tpu.memory_space<vmem>>, %arg10: memref<1x4xf32, #tpu.memory_space<vmem>>, %arg11: memref<1x32x1xf32, #tpu.memory_space<vmem>>, %arg12: memref<1x1x1xf32, #tpu.memory_space<vmem>>) attributes {dimension_semantics = [#tpu.dimension_semantics<arbitrary>], iteration_bounds = array<i64: 32>, scalar_prefetch = 0 : i64, scratch_operands = 0 : i64, tpu.core_type = #tpu.core_type<tc>, window_params = [{transform_indices = @transform_0, window_bounds = array<i64: 1, 4>}, {transform_indices = @transform_1, window_bounds = array<i64: 1, 32, 1>}, {transform_indices = @transform_2, window_bounds = array<i64: 1, 4, 4096>}, {transform_indices = @transform_3, window_bounds = array<i64: 1, 2, 4096>}, {transform_indices = @transform_4, window_bounds = array<i64: 1, 1, 4096>}, {transform_indices = @transform_5, window_bounds = array<i64: 1, 1, 4096>}, {transform_indices = @transform_6, window_bounds = array<i64: 1, 1, 4096>}, {transform_indices = @transform_7, window_bounds = array<i64: 1, 48, 8>}, {pipeline_mode = #tpu.pipeline_mode<synchronous>, transform_indices = @transform_8, window_bounds = array<i64: 4, 8>}, {pipeline_mode = #tpu.pipeline_mode<synchronous>, transform_indices = @transform_9, window_bounds = array<i64: 1, 4>}, {transform_indices = @transform_10, window_bounds = array<i64: 1, 32, 1>}, {transform_indices = @transform_11, window_bounds = array<i64: 1, 1, 1>}]} {
    %get3A = arith.constant 0 : index
    %get3A_0 = arith.constant 0 : index
    %get3A_1 = arith.constant 0 : index
    %get3A_2 = vector.load %arg2[%get3A, %get3A_0, %get3A_1] : memref<1x32x1xi32, #tpu.memory_space<vmem>>, vector<1x32x1xi32>
    %get3A_3 = vector.shape_cast %get3A_2 : vector<1x32x1xi32> to vector<32x1xi32>
    %get3A_4 = arith.constant 0 : index
    %get3A_5 = arith.constant 0 : index
    %get3A_6 = arith.constant 0 : index
    %get3A_7 = vector.load %arg3[%get3A_4, %get3A_5, %get3A_6] : memref<1x4x4096xf32, #tpu.memory_space<vmem>>, vector<1x4x4096xf32>
    %get3A_8 = vector.shape_cast %get3A_7 : vector<1x4x4096xf32> to vector<4x4096xf32>
    %get3A_9 = arith.constant 0 : index
    %get3A_10 = arith.constant 0 : index
    %get3A_11 = arith.constant 0 : index
    %get3A_12 = vector.load %arg4[%get3A_9, %get3A_10, %get3A_11] : memref<1x2x4096xf32, #tpu.memory_space<vmem>>, vector<1x2x4096xf32>
    %get3A_13 = vector.shape_cast %get3A_12 : vector<1x2x4096xf32> to vector<2x4096xf32>
    %get3A_14 = arith.constant 0 : index
    %get3A_15 = arith.constant 0 : index
    %get3A_16 = arith.constant 0 : index
    %get3A_17 = vector.load %arg5[%get3A_14, %get3A_15, %get3A_16] : memref<1x1x4096xf32, #tpu.memory_space<vmem>>, vector<1x1x4096xf32>
    %get3A_18 = vector.shape_cast %get3A_17 : vector<1x1x4096xf32> to vector<1x4096xf32>
    %get3A_19 = arith.constant 0 : index
    %get3A_20 = arith.constant 0 : index
    %get3A_21 = arith.constant 0 : index
    %get3A_22 = vector.load %arg6[%get3A_19, %get3A_20, %get3A_21] : memref<1x1x4096xf32, #tpu.memory_space<vmem>>, vector<1x1x4096xf32>
    %get3A_23 = vector.shape_cast %get3A_22 : vector<1x1x4096xf32> to vector<1x4096xf32>
    %get3A_24 = arith.constant 0 : index
    %get3A_25 = arith.constant 0 : index
    %get3A_26 = arith.constant 0 : index
    %get3A_27 = vector.load %arg7[%get3A_24, %get3A_25, %get3A_26] : memref<1x1x4096xf32, #tpu.memory_space<vmem>>, vector<1x1x4096xf32>
    %get3A_28 = vector.shape_cast %get3A_27 : vector<1x1x4096xf32> to vector<1x4096xf32>
    %get3A_29 = arith.constant 0 : index
    %get3A_30 = arith.constant 0 : index
    %get3A_31 = arith.constant 0 : index
    %get3A_32 = vector.load %arg8[%get3A_29, %get3A_30, %get3A_31] : memref<1x48x8xf32, #tpu.memory_space<vmem>>, vector<1x48x8xf32>
    %get3A_33 = vector.shape_cast %get3A_32 : vector<1x48x8xf32> to vector<48x8xf32>
    %get3A_34 = arith.constant 0 : index
    %get3A_35 = arith.constant 0 : index
    %get3A_36 = vector.load %arg9[%get3A_34, %get3A_35] : memref<4x8xf32, #tpu.memory_space<vmem>>, vector<4x8xf32>
    %get3A_37 = arith.constant 0 : index
    %get3A_38 = arith.constant 0 : index
    %get3A_39 = vector.load %arg10[%get3A_37, %get3A_38] : memref<1x4xf32, #tpu.memory_space<vmem>>, vector<1x4xf32>
    %get3A_40 = arith.constant 0 : index
    %get3A_41 = arith.constant 0 : index
    %get3A_42 = memref.load %arg1[%get3A_40, %get3A_41] : memref<1x4xf32, #tpu.memory_space<smem>>
    %get3A_43 = arith.constant 0 : index
    %get3A_44 = arith.constant 1 : index
    %get3A_45 = memref.load %arg1[%get3A_43, %get3A_44] : memref<1x4xf32, #tpu.memory_space<smem>>
    %get3A_46 = arith.constant 0 : index
    %get3A_47 = arith.constant 2 : index
    %get3A_48 = memref.load %arg1[%get3A_46, %get3A_47] : memref<1x4xf32, #tpu.memory_space<smem>>
    %get3A_49 = arith.constant 0 : index
    %get3A_50 = arith.constant 3 : index
    %get3A_51 = memref.load %arg1[%get3A_49, %get3A_50] : memref<1x4xf32, #tpu.memory_space<smem>>
    %iota3A = tpu.iota {dimensions = array<i32: 1>} : vector<32x4096xi32>
    %iota3A_52 = tpu.iota {dimensions = array<i32: 0>} : vector<32x1xi32>
    %convert_element_type3A = arith.sitofp %iota3A_52 : vector<32x1xi32> to vector<32x1xf32>
    %broadcast_in_dim3A = arith.constant 0 : i32
    %broadcast_in_dim3A_53 = vector.broadcast %broadcast_in_dim3A : i32 to vector<1x1xi32>
    %slice3A = vector.extract_strided_slice %get3A_3 {offsets = [0, 0], sizes = [31, 1], strides = [1, 1]} : vector<32x1xi32> to vector<31x1xi32>
    %concatenate3A = tpu.concatenate %broadcast_in_dim3A_53, %slice3A in 0 : vector<1x1xi32>, vector<31x1xi32> -> vector<32x1xi32>
    %eq3A = arith.constant 0 : i32
    %eq3A_54 = vector.broadcast %eq3A : i32 to vector<32x1xi32>
    %eq3A_55 = arith.cmpi eq, %concatenate3A, %eq3A_54 : vector<32x1xi32>
    %slice3A_56 = vector.extract_strided_slice %get3A_33 {offsets = [0, 0], sizes = [32, 8], strides = [1, 1]} : vector<48x8xf32> to vector<32x8xf32>
    %slice3A_57 = vector.extract_strided_slice %get3A_33 {offsets = [32, 0], sizes = [1, 8], strides = [1, 1]} : vector<48x8xf32> to vector<1x8xf32>
    %slice3A_58 = vector.extract_strided_slice %slice3A_56 {offsets = [0, 0], sizes = [31, 8], strides = [1, 1]} : vector<32x8xf32> to vector<31x8xf32>
    %concatenate3A_59 = tpu.concatenate %slice3A_57, %slice3A_58 in 0 : vector<1x8xf32>, vector<31x8xf32> -> vector<32x8xf32>
    %slice3A_60 = vector.extract_strided_slice %concatenate3A_59 {offsets = [0, 0], sizes = [32, 4], strides = [1, 1]} : vector<32x8xf32> to vector<32x4xf32>
    %slice3A_61 = vector.extract_strided_slice %concatenate3A_59 {offsets = [0, 4], sizes = [32, 2], strides = [1, 1]} : vector<32x8xf32> to vector<32x2xf32>
    %slice3A_62 = vector.extract_strided_slice %slice3A_56 {offsets = [0, 6], sizes = [32, 1], strides = [1, 1]} : vector<32x8xf32> to vector<32x1xf32>
    %iota3A_63 = tpu.iota {dimensions = array<i32: 0>} : vector<32x32xi32>
    %iota3A_64 = tpu.iota {dimensions = array<i32: 1>} : vector<32x32xi32>
    %eq3A_65 = arith.cmpi eq, %iota3A_63, %iota3A_64 : vector<32x32xi32>
    %jit3A = arith.constant 0.000000e+00 : f32
    %broadcast_in_dim3A_66 = vector.shape_cast %slice3A_62 : vector<32x1xf32> to vector<32x1xf32>
    %broadcast_in_dim3A_67 = vector.broadcast %broadcast_in_dim3A_66 : vector<32x1xf32> to vector<32x32xf32>
    %broadcast_in_dim3A_68 = vector.broadcast %jit3A : f32 to vector<32x32xf32>
    %select_n3A = arith.select %eq3A_65, %broadcast_in_dim3A_67, %broadcast_in_dim3A_68 : vector<32x32xi1>, vector<32x32xf32>
    %reduce_sum3A = arith.constant dense<0.000000e+00> : vector<32xf32>
    %reduce_sum3A_69 = vector.multi_reduction <add>, %select_n3A, %reduce_sum3A [0] : vector<32x32xf32> to vector<32xf32>
    %broadcast_in_dim3A_70 = vector.shape_cast %reduce_sum3A_69 : vector<32xf32> to vector<1x32xf32>
    %lt3A = arith.cmpi slt, %iota3A_63, %iota3A_64 : vector<32x32xi32>
    %jit3A_71 = arith.constant 0.000000e+00 : f32
    %broadcast_in_dim3A_72 = vector.shape_cast %slice3A_62 : vector<32x1xf32> to vector<32x1xf32>
    %broadcast_in_dim3A_73 = vector.broadcast %broadcast_in_dim3A_72 : vector<32x1xf32> to vector<32x32xf32>
    %broadcast_in_dim3A_74 = vector.broadcast %jit3A_71 : f32 to vector<32x32xf32>
    %select_n3A_75 = arith.select %lt3A, %broadcast_in_dim3A_73, %broadcast_in_dim3A_74 : vector<32x32xi1>, vector<32x32xf32>
    %reduce_sum3A_76 = arith.constant dense<0.000000e+00> : vector<32xf32>
    %reduce_sum3A_77 = vector.multi_reduction <add>, %select_n3A_75, %reduce_sum3A_76 [0] : vector<32x32xf32> to vector<32xf32>
    %broadcast_in_dim3A_78 = vector.shape_cast %reduce_sum3A_77 : vector<32xf32> to vector<1x32xf32>
    %lt3A_79 = arith.cmpi slt, %iota3A_64, %iota3A_63 : vector<32x32xi32>
    %jit3A_80 = arith.constant 0.000000e+00 : f32
    %broadcast_in_dim3A_81 = vector.shape_cast %broadcast_in_dim3A_70 : vector<1x32xf32> to vector<1x32xf32>
    %broadcast_in_dim3A_82 = vector.broadcast %broadcast_in_dim3A_81 : vector<1x32xf32> to vector<32x32xf32>
    %broadcast_in_dim3A_83 = vector.broadcast %jit3A_80 : f32 to vector<32x32xf32>
    %select_n3A_84 = arith.select %lt3A_79, %broadcast_in_dim3A_82, %broadcast_in_dim3A_83 : vector<32x32xi1>, vector<32x32xf32>
    %reduce_sum3A_85 = arith.constant dense<0.000000e+00> : vector<32xf32>
    %reduce_sum3A_86 = vector.multi_reduction <add>, %select_n3A_84, %reduce_sum3A_85 [1] : vector<32x32xf32> to vector<32xf32>
    %broadcast_in_dim3A_87 = vector.shape_cast %reduce_sum3A_86 : vector<32xf32> to vector<32x1xf32>
    %eq3A_88 = arith.constant 0 : i32
    %eq3A_89 = vector.broadcast %eq3A_88 : i32 to vector<32x1xi32>
    %eq3A_90 = arith.cmpi eq, %get3A_3, %eq3A_89 : vector<32x1xi32>
    %add3A = arith.constant 1 : i32
    %add3A_91 = vector.broadcast %add3A : i32 to vector<32x1xi32>
    %add3A_92 = arith.addi %iota3A_52, %add3A_91 : vector<32x1xi32>
    %jit3A_93 = arith.constant 0 : i32
    %broadcast_in_dim3A_94 = vector.broadcast %jit3A_93 : i32 to vector<32x1xi32>
    %select_n3A_95 = arith.select %eq3A_90, %add3A_92, %broadcast_in_dim3A_94 : vector<32x1xi1>, vector<32x1xi32>
    %jit3A_96 = arith.constant 0 : i32
    %broadcast_in_dim3A_97 = vector.shape_cast %select_n3A_95 : vector<32x1xi32> to vector<32x1xi32>
    %broadcast_in_dim3A_98 = vector.broadcast %broadcast_in_dim3A_97 : vector<32x1xi32> to vector<32x32xi32>
    %broadcast_in_dim3A_99 = vector.broadcast %jit3A_96 : i32 to vector<32x32xi32>
    %select_n3A_100 = arith.select %eq3A_65, %broadcast_in_dim3A_98, %broadcast_in_dim3A_99 : vector<32x32xi1>, vector<32x32xi32>
    %reduce_sum3A_101 = arith.constant dense<0> : vector<32xi32>
    %reduce_sum3A_102 = vector.multi_reduction <add>, %select_n3A_100, %reduce_sum3A_101 [0] : vector<32x32xi32> to vector<32xi32>
    %broadcast_in_dim3A_103 = vector.shape_cast %reduce_sum3A_102 : vector<32xi32> to vector<1x32xi32>
    %lt3A_104 = arith.cmpi slt, %iota3A_64, %iota3A_63 : vector<32x32xi32>
    %jit3A_105 = arith.constant 0 : i32
    %broadcast_in_dim3A_106 = vector.shape_cast %broadcast_in_dim3A_103 : vector<1x32xi32> to vector<1x32xi32>
    %broadcast_in_dim3A_107 = vector.broadcast %broadcast_in_dim3A_106 : vector<1x32xi32> to vector<32x32xi32>
    %broadcast_in_dim3A_108 = vector.broadcast %jit3A_105 : i32 to vector<32x32xi32>
    %select_n3A_109 = arith.select %lt3A_104, %broadcast_in_dim3A_107, %broadcast_in_dim3A_108 : vector<32x32xi1>, vector<32x32xi32>
    %reduce_max3A = arith.constant dense<-2147483648> : vector<32xi32>
    %reduce_max3A_110 = vector.multi_reduction <maxsi>, %select_n3A_109, %reduce_max3A [1] : vector<32x32xi32> to vector<32xi32>
    %broadcast_in_dim3A_111 = vector.shape_cast %reduce_max3A_110 : vector<32xi32> to vector<32x1xi32>
    %eq3A_112 = vector.broadcast %broadcast_in_dim3A_111 : vector<32x1xi32> to vector<32x32xi32>
    %eq3A_113 = arith.cmpi eq, %iota3A_64, %eq3A_112 : vector<32x32xi32>
    %jit3A_114 = arith.constant 0.000000e+00 : f32
    %broadcast_in_dim3A_115 = vector.shape_cast %broadcast_in_dim3A_78 : vector<1x32xf32> to vector<1x32xf32>
    %broadcast_in_dim3A_116 = vector.broadcast %broadcast_in_dim3A_115 : vector<1x32xf32> to vector<32x32xf32>
    %broadcast_in_dim3A_117 = vector.broadcast %jit3A_114 : f32 to vector<32x32xf32>
    %select_n3A_118 = arith.select %eq3A_113, %broadcast_in_dim3A_116, %broadcast_in_dim3A_117 : vector<32x32xi1>, vector<32x32xf32>
    %reduce_sum3A_119 = arith.constant dense<0.000000e+00> : vector<32xf32>
    %reduce_sum3A_120 = vector.multi_reduction <add>, %select_n3A_118, %reduce_sum3A_119 [1] : vector<32x32xf32> to vector<32xf32>
    %broadcast_in_dim3A_121 = vector.shape_cast %reduce_sum3A_120 : vector<32xf32> to vector<32x1xf32>
    %sub3A = arith.subf %broadcast_in_dim3A_87, %broadcast_in_dim3A_121 : vector<32x1xf32>
    %sub3A_122 = vector.broadcast %get3A_51 : f32 to vector<32x1xf32>
    %sub3A_123 = arith.subf %sub3A_122, %sub3A : vector<32x1xf32>
    %max3A = arith.constant 9.99999993E-9 : f32
    %max3A_124 = arith.maximumf %get3A_51, %max3A : f32
    %div3A = vector.broadcast %max3A_124 : f32 to vector<32x1xf32>
    %div3A_125 = arith.divf %sub3A_123, %div3A : vector<32x1xf32>
    %lt3A_126 = vector.broadcast %get3A_28 : vector<1x4096xf32> to vector<32x4096xf32>
    %lt3A_127 = vector.broadcast %convert_element_type3A : vector<32x1xf32> to vector<32x4096xf32>
    %lt3A_128 = arith.cmpf olt, %lt3A_126, %lt3A_127 : vector<32x4096xf32>
    %jit3A_129 = arith.constant 1.000000e+00 : f32
    %jit3A_130 = arith.constant 0.000000e+00 : f32
    %broadcast_in_dim3A_131 = vector.broadcast %jit3A_129 : f32 to vector<32x4096xf32>
    %broadcast_in_dim3A_132 = vector.broadcast %jit3A_130 : f32 to vector<32x4096xf32>
    %select_n3A_133 = arith.select %lt3A_128, %broadcast_in_dim3A_131, %broadcast_in_dim3A_132 : vector<32x4096xi1>, vector<32x4096xf32>
    %jit3A_134 = arith.constant 1.000000e+00 : f32
    %jit3A_135 = arith.constant 0.000000e+00 : f32
    %broadcast_in_dim3A_136 = vector.broadcast %jit3A_134 : f32 to vector<32x1xf32>
    %broadcast_in_dim3A_137 = vector.broadcast %jit3A_135 : f32 to vector<32x1xf32>
    %select_n3A_138 = arith.select %eq3A_55, %broadcast_in_dim3A_136, %broadcast_in_dim3A_137 : vector<32x1xi1>, vector<32x1xf32>
    %eq3A_139 = arith.constant 0 : i32
    %eq3A_140 = vector.broadcast %eq3A_139 : i32 to vector<32x4096xi32>
    %eq3A_141 = arith.cmpi eq, %iota3A, %eq3A_140 : vector<32x4096xi32>
    %broadcast_in_dim3A_142 = vector.shape_cast %select_n3A_138 : vector<32x1xf32> to vector<32x1xf32>
    %broadcast_in_dim3A_143 = vector.broadcast %broadcast_in_dim3A_142 : vector<32x1xf32> to vector<32x4096xf32>
    %select_n3A_144 = arith.select %eq3A_141, %broadcast_in_dim3A_143, %select_n3A_133 : vector<32x4096xi1>, vector<32x4096xf32>
    %jit3A_145 = arith.constant 0.000000e+00 : f32
    %broadcast_in_dim3A_146 = vector.shape_cast %eq3A_55 : vector<32x1xi1> to vector<32x1xi1>
    %broadcast_in_dim3A_147 = vector.broadcast %broadcast_in_dim3A_146 : vector<32x1xi1> to vector<32x4xi1>
    %broadcast_in_dim3A_148 = vector.broadcast %jit3A_145 : f32 to vector<32x4xf32>
    %select_n3A_149 = arith.select %broadcast_in_dim3A_147, %broadcast_in_dim3A_148, %slice3A_60 : vector<32x4xi1>, vector<32x4xf32>
    %div3A_150 = arith.constant 4.095000e+03 : f32
    %div3A_151 = vector.broadcast %div3A_150 : f32 to vector<32x1xf32>
    %div3A_152 = arith.divf %convert_element_type3A, %div3A_151 : vector<32x1xf32>
    %concatenate3A_153 = tpu.concatenate %select_n3A_149, %div3A_125, %div3A_152, %slice3A_61 in 1 : vector<32x4xf32>, vector<32x1xf32>, vector<32x1xf32>, vector<32x2xf32> -> vector<32x8xf32>
    %dot_general3A = arith.constant dense<0.000000e+00> : vector<32x4xf32>
    %dot_general3A_154 = tpu.matmul %concatenate3A_153, %get3A_36, %dot_general3A {dimension_numbers = #tpu.dot_dimension_numbers<[1], [1], [0], [0], [0, 0, 1, 0], [], []>, precision = #tpu.contract_precision<fp32>, transpose_lhs_hint = false} : vector<32x8xf32>, vector<4x8xf32>, vector<32x4xf32> -> vector<32x4xf32>
    %add3A_155 = vector.broadcast %get3A_39 : vector<1x4xf32> to vector<32x4xf32>
    %add3A_156 = arith.addf %dot_general3A_154, %add3A_155 : vector<32x4xf32>
    %mul3A = vector.broadcast %get3A_42 : f32 to vector<1x4096xf32>
    %mul3A_157 = arith.mulf %mul3A, %get3A_23 : vector<1x4096xf32>
    %max3A_158 = arith.constant 9.99999993E-9 : f32
    %max3A_159 = arith.maximumf %get3A_51, %max3A_158 : f32
    %div3A_160 = arith.divf %get3A_48, %max3A_159 : f32
    %mul3A_161 = vector.broadcast %div3A_160 : f32 to vector<1x4096xf32>
    %mul3A_162 = arith.mulf %mul3A_161, %get3A_18 : vector<1x4096xf32>
    %add3A_163 = arith.addf %mul3A_157, %mul3A_162 : vector<1x4096xf32>
    %slice3A_164 = vector.extract_strided_slice %add3A_156 {offsets = [0, 0], sizes = [32, 1], strides = [1, 1]} : vector<32x4xf32> to vector<32x1xf32>
    %slice3A_165 = vector.extract_strided_slice %get3A_8 {offsets = [0, 0], sizes = [1, 4096], strides = [1, 1]} : vector<4x4096xf32> to vector<1x4096xf32>
    %mul3A_166 = vector.broadcast %slice3A_164 : vector<32x1xf32> to vector<32x4096xf32>
    %mul3A_167 = vector.broadcast %slice3A_165 : vector<1x4096xf32> to vector<32x4096xf32>
    %mul3A_168 = arith.mulf %mul3A_166, %mul3A_167 : vector<32x4096xf32>
    %slice3A_169 = vector.extract_strided_slice %add3A_156 {offsets = [0, 1], sizes = [32, 1], strides = [1, 1]} : vector<32x4xf32> to vector<32x1xf32>
    %slice3A_170 = vector.extract_strided_slice %get3A_8 {offsets = [1, 0], sizes = [1, 4096], strides = [1, 1]} : vector<4x4096xf32> to vector<1x4096xf32>
    %mul3A_171 = vector.broadcast %slice3A_169 : vector<32x1xf32> to vector<32x4096xf32>
    %mul3A_172 = vector.broadcast %slice3A_170 : vector<1x4096xf32> to vector<32x4096xf32>
    %mul3A_173 = arith.mulf %mul3A_171, %mul3A_172 : vector<32x4096xf32>
    %slice3A_174 = vector.extract_strided_slice %add3A_156 {offsets = [0, 2], sizes = [32, 1], strides = [1, 1]} : vector<32x4xf32> to vector<32x1xf32>
    %slice3A_175 = vector.extract_strided_slice %get3A_8 {offsets = [2, 0], sizes = [1, 4096], strides = [1, 1]} : vector<4x4096xf32> to vector<1x4096xf32>
    %mul3A_176 = vector.broadcast %slice3A_174 : vector<32x1xf32> to vector<32x4096xf32>
    %mul3A_177 = vector.broadcast %slice3A_175 : vector<1x4096xf32> to vector<32x4096xf32>
    %mul3A_178 = arith.mulf %mul3A_176, %mul3A_177 : vector<32x4096xf32>
    %slice3A_179 = vector.extract_strided_slice %add3A_156 {offsets = [0, 3], sizes = [32, 1], strides = [1, 1]} : vector<32x4xf32> to vector<32x1xf32>
    %slice3A_180 = vector.extract_strided_slice %get3A_8 {offsets = [3, 0], sizes = [1, 4096], strides = [1, 1]} : vector<4x4096xf32> to vector<1x4096xf32>
    %mul3A_181 = vector.broadcast %slice3A_179 : vector<32x1xf32> to vector<32x4096xf32>
    %mul3A_182 = vector.broadcast %slice3A_180 : vector<1x4096xf32> to vector<32x4096xf32>
    %mul3A_183 = arith.mulf %mul3A_181, %mul3A_182 : vector<32x4096xf32>
    %add3A_184 = arith.addf %mul3A_168, %mul3A_173 : vector<32x4096xf32>
    %add3A_185 = arith.addf %mul3A_178, %mul3A_183 : vector<32x4096xf32>
    %add3A_186 = arith.addf %add3A_184, %add3A_185 : vector<32x4096xf32>
    %slice3A_187 = vector.extract_strided_slice %get3A_13 {offsets = [0, 0], sizes = [1, 4096], strides = [1, 1]} : vector<2x4096xf32> to vector<1x4096xf32>
    %slice3A_188 = vector.extract_strided_slice %slice3A_61 {offsets = [0, 0], sizes = [32, 1], strides = [1, 1]} : vector<32x2xf32> to vector<32x1xf32>
    %sub3A_189 = vector.broadcast %slice3A_187 : vector<1x4096xf32> to vector<32x4096xf32>
    %sub3A_190 = vector.broadcast %slice3A_188 : vector<32x1xf32> to vector<32x4096xf32>
    %sub3A_191 = arith.subf %sub3A_189, %sub3A_190 : vector<32x4096xf32>
    %slice3A_192 = vector.extract_strided_slice %get3A_13 {offsets = [1, 0], sizes = [1, 4096], strides = [1, 1]} : vector<2x4096xf32> to vector<1x4096xf32>
    %slice3A_193 = vector.extract_strided_slice %slice3A_61 {offsets = [0, 1], sizes = [32, 1], strides = [1, 1]} : vector<32x2xf32> to vector<32x1xf32>
    %sub3A_194 = vector.broadcast %slice3A_192 : vector<1x4096xf32> to vector<32x4096xf32>
    %sub3A_195 = vector.broadcast %slice3A_193 : vector<32x1xf32> to vector<32x4096xf32>
    %sub3A_196 = arith.subf %sub3A_194, %sub3A_195 : vector<32x4096xf32>
    %mul3A_197 = arith.mulf %sub3A_191, %sub3A_191 : vector<32x4096xf32>
    %mul3A_198 = arith.mulf %sub3A_196, %sub3A_196 : vector<32x4096xf32>
    %add3A_199 = arith.addf %mul3A_197, %mul3A_198 : vector<32x4096xf32>
    %mul3A_200 = arith.mulf %get3A_45, %get3A_45 : f32
    %mul3A_201 = vector.broadcast %mul3A_200 : f32 to vector<32x4096xf32>
    %mul3A_202 = arith.mulf %mul3A_201, %add3A_199 : vector<32x4096xf32>
    %max3A_203 = arith.constant 1.000000e-30 : f32
    %max3A_204 = vector.broadcast %max3A_203 : f32 to vector<32x4096xf32>
    %max3A_205 = arith.maximumf %mul3A_202, %max3A_204 : vector<32x4096xf32>
    %sqrt3A = math.sqrt %max3A_205 : vector<32x4096xf32>
    %add3A_206 = vector.broadcast %add3A_163 : vector<1x4096xf32> to vector<32x4096xf32>
    %add3A_207 = arith.addf %add3A_186, %add3A_206 : vector<32x4096xf32>
    %sub3A_208 = arith.subf %add3A_207, %sqrt3A : vector<32x4096xf32>
    %gt3A = arith.constant 0.000000e+00 : f32
    %gt3A_209 = vector.broadcast %gt3A : f32 to vector<32x4096xf32>
    %gt3A_210 = arith.cmpf ogt, %select_n3A_144, %gt3A_209 : vector<32x4096xf32>
    %jit3A_211 = arith.constant -1.000000e+09 : f32
    %broadcast_in_dim3A_212 = vector.broadcast %jit3A_211 : f32 to vector<32x4096xf32>
    %select_n3A_213 = arith.select %gt3A_210, %broadcast_in_dim3A_212, %sub3A_208 : vector<32x4096xi1>, vector<32x4096xf32>
    %reduce_max3A_214 = arith.constant dense<0xFF800000> : vector<32xf32>
    %reduce_max3A_215 = vector.multi_reduction <maximumf>, %select_n3A_213, %reduce_max3A_214 [1] : vector<32x4096xf32> to vector<32xf32>
    %broadcast_in_dim3A_216 = vector.shape_cast %reduce_max3A_215 : vector<32xf32> to vector<32x1xf32>
    %sub3A_217 = vector.broadcast %broadcast_in_dim3A_216 : vector<32x1xf32> to vector<32x4096xf32>
    %sub3A_218 = arith.subf %select_n3A_213, %sub3A_217 : vector<32x4096xf32>
    %exp3A = math.exp %sub3A_218 : vector<32x4096xf32>
    %reduce_sum3A_219 = arith.constant dense<0.000000e+00> : vector<32xf32>
    %reduce_sum3A_220 = vector.multi_reduction <add>, %exp3A, %reduce_sum3A_219 [1] : vector<32x4096xf32> to vector<32xf32>
    %broadcast_in_dim3A_221 = vector.shape_cast %reduce_sum3A_220 : vector<32xf32> to vector<32x1xf32>
    %log3A = math.log %broadcast_in_dim3A_221 : vector<32x1xf32>
    %mul3A_222 = arith.mulf %exp3A, %sub3A_218 : vector<32x4096xf32>
    %reduce_sum3A_223 = arith.constant dense<0.000000e+00> : vector<32xf32>
    %reduce_sum3A_224 = vector.multi_reduction <add>, %mul3A_222, %reduce_sum3A_223 [1] : vector<32x4096xf32> to vector<32xf32>
    %broadcast_in_dim3A_225 = vector.shape_cast %reduce_sum3A_224 : vector<32xf32> to vector<32x1xf32>
    %div3A_226 = arith.divf %broadcast_in_dim3A_225, %broadcast_in_dim3A_221 : vector<32x1xf32>
    %sub3A_227 = arith.subf %log3A, %div3A_226 : vector<32x1xf32>
    %reduce_sum3A_228 = arith.constant dense<0.000000e+00> : vector<1xf32>
    %reduce_sum3A_229 = vector.multi_reduction <add>, %sub3A_227, %reduce_sum3A_228 [0] : vector<32x1xf32> to vector<1xf32>
    %broadcast_in_dim3A_230 = vector.shape_cast %reduce_sum3A_229 : vector<1xf32> to vector<1x1xf32>
    %div3A_231 = arith.constant 3.200000e+01 : f32
    %div3A_232 = vector.broadcast %div3A_231 : f32 to vector<1x1xf32>
    %div3A_233 = arith.divf %broadcast_in_dim3A_230, %div3A_232 : vector<1x1xf32>
    %swap3A = arith.constant 0 : index
    %swap3A_234 = arith.constant 0 : index
    %swap3A_235 = arith.constant 0 : index
    %swap3A_236 = vector.load %arg12[%swap3A, %swap3A_234, %swap3A_235] : memref<1x1x1xf32, #tpu.memory_space<vmem>>, vector<1x1x1xf32>
    %swap3A_237 = vector.shape_cast %swap3A_236 : vector<1x1x1xf32> to vector<1x1xf32>
    %swap3A_238 = vector.shape_cast %div3A_233 : vector<1x1xf32> to vector<1x1x1xf32>
    tpu.vector_store %arg12[%swap3A, %swap3A_234, %swap3A_235], %swap3A_238 {strides = array<i32>} : memref<1x1x1xf32, #tpu.memory_space<vmem>>, vector<1x1x1xf32>,
    %slice3A_239 = vector.extract_strided_slice %slice3A_56 {offsets = [0, 0], sizes = [32, 4], strides = [1, 1]} : vector<32x8xf32> to vector<32x4xf32>
    %slice3A_240 = vector.extract_strided_slice %slice3A_56 {offsets = [0, 4], sizes = [32, 2], strides = [1, 1]} : vector<32x8xf32> to vector<32x2xf32>
    %slice3A_241 = vector.extract_strided_slice %slice3A_56 {offsets = [0, 6], sizes = [32, 1], strides = [1, 1]} : vector<32x8xf32> to vector<32x1xf32>
    %slice3A_242 = vector.extract_strided_slice %slice3A_56 {offsets = [0, 7], sizes = [32, 1], strides = [1, 1]} : vector<32x8xf32> to vector<32x1xf32>
    %mul3A_243 = arith.mulf %add3A_156, %slice3A_239 : vector<32x4xf32>
    %reduce_sum3A_244 = arith.constant dense<0.000000e+00> : vector<32xf32>
    %reduce_sum3A_245 = vector.multi_reduction <add>, %mul3A_243, %reduce_sum3A_244 [1] : vector<32x4xf32> to vector<32xf32>
    %broadcast_in_dim3A_246 = vector.shape_cast %reduce_sum3A_245 : vector<32xf32> to vector<32x1xf32>
    %slice3A_247 = vector.extract_strided_slice %slice3A_240 {offsets = [0, 0], sizes = [32, 1], strides = [1, 1]} : vector<32x2xf32> to vector<32x1xf32>
    %slice3A_248 = vector.extract_strided_slice %slice3A_61 {offsets = [0, 0], sizes = [32, 1], strides = [1, 1]} : vector<32x2xf32> to vector<32x1xf32>
    %sub3A_249 = arith.subf %slice3A_247, %slice3A_248 : vector<32x1xf32>
    %slice3A_250 = vector.extract_strided_slice %slice3A_240 {offsets = [0, 1], sizes = [32, 1], strides = [1, 1]} : vector<32x2xf32> to vector<32x1xf32>
    %slice3A_251 = vector.extract_strided_slice %slice3A_61 {offsets = [0, 1], sizes = [32, 1], strides = [1, 1]} : vector<32x2xf32> to vector<32x1xf32>
    %sub3A_252 = arith.subf %slice3A_250, %slice3A_251 : vector<32x1xf32>
    %mul3A_253 = arith.mulf %get3A_45, %get3A_45 : f32
    %mul3A_254 = arith.mulf %sub3A_249, %sub3A_249 : vector<32x1xf32>
    %mul3A_255 = arith.mulf %sub3A_252, %sub3A_252 : vector<32x1xf32>
    %add3A_256 = arith.addf %mul3A_254, %mul3A_255 : vector<32x1xf32>
    %mul3A_257 = vector.broadcast %mul3A_253 : f32 to vector<32x1xf32>
    %mul3A_258 = arith.mulf %mul3A_257, %add3A_256 : vector<32x1xf32>
    %max3A_259 = arith.constant 1.000000e-30 : f32
    %max3A_260 = vector.broadcast %max3A_259 : f32 to vector<32x1xf32>
    %max3A_261 = arith.maximumf %mul3A_258, %max3A_260 : vector<32x1xf32>
    %sqrt3A_262 = math.sqrt %max3A_261 : vector<32x1xf32>
    %mul3A_263 = vector.broadcast %get3A_42 : f32 to vector<32x1xf32>
    %mul3A_264 = arith.mulf %mul3A_263, %slice3A_242 : vector<32x1xf32>
    %add3A_265 = arith.addf %broadcast_in_dim3A_246, %mul3A_264 : vector<32x1xf32>
    %max3A_266 = arith.constant 9.99999993E-9 : f32
    %max3A_267 = arith.maximumf %get3A_51, %max3A_266 : f32
    %div3A_268 = arith.divf %get3A_48, %max3A_267 : f32
    %mul3A_269 = vector.broadcast %div3A_268 : f32 to vector<32x1xf32>
    %mul3A_270 = arith.mulf %mul3A_269, %slice3A_241 : vector<32x1xf32>
    %add3A_271 = arith.addf %add3A_265, %mul3A_270 : vector<32x1xf32>
    %sub3A_272 = arith.subf %add3A_271, %sqrt3A_262 : vector<32x1xf32>
    %jit3A_273 = arith.constant 0 : i32
    %broadcast_in_dim3A_274 = vector.shape_cast %get3A_3 : vector<32x1xi32> to vector<32x1xi32>
    %broadcast_in_dim3A_275 = vector.broadcast %broadcast_in_dim3A_274 : vector<32x1xi32> to vector<32x32xi32>
    %broadcast_in_dim3A_276 = vector.broadcast %jit3A_273 : i32 to vector<32x32xi32>
    %select_n3A_277 = arith.select %eq3A_65, %broadcast_in_dim3A_275, %broadcast_in_dim3A_276 : vector<32x32xi1>, vector<32x32xi32>
    %reduce_sum3A_278 = arith.constant dense<0> : vector<32xi32>
    %reduce_sum3A_279 = vector.multi_reduction <add>, %select_n3A_277, %reduce_sum3A_278 [0] : vector<32x32xi32> to vector<32xi32>
    %broadcast_in_dim3A_280 = vector.shape_cast %reduce_sum3A_279 : vector<32xi32> to vector<1x32xi32>
    %eq3A_281 = vector.broadcast %broadcast_in_dim3A_280 : vector<1x32xi32> to vector<32x32xi32>
    %eq3A_282 = vector.broadcast %get3A_3 : vector<32x1xi32> to vector<32x32xi32>
    %eq3A_283 = arith.cmpi eq, %eq3A_281, %eq3A_282 : vector<32x32xi32>
    %lt3A_284 = arith.cmpi slt, %iota3A_64, %iota3A_63 : vector<32x32xi32>
    %and3A = arith.andi %eq3A_283, %lt3A_284 : vector<32x32xi1>
    %jit3A_285 = arith.constant 1.000000e+00 : f32
    %jit3A_286 = arith.constant 0.000000e+00 : f32
    %broadcast_in_dim3A_287 = vector.broadcast %jit3A_285 : f32 to vector<32x32xf32>
    %broadcast_in_dim3A_288 = vector.broadcast %jit3A_286 : f32 to vector<32x32xf32>
    %select_n3A_289 = arith.select %and3A, %broadcast_in_dim3A_287, %broadcast_in_dim3A_288 : vector<32x32xi1>, vector<32x32xf32>
    %reduce_max3A_290 = arith.constant dense<0xFF800000> : vector<32xf32>
    %reduce_max3A_291 = vector.multi_reduction <maximumf>, %select_n3A_289, %reduce_max3A_290 [1] : vector<32x32xf32> to vector<32xf32>
    %broadcast_in_dim3A_292 = vector.shape_cast %reduce_max3A_291 : vector<32xf32> to vector<32x1xf32>
    %eq3A_293 = arith.constant 0 : i32
    %eq3A_294 = vector.broadcast %eq3A_293 : i32 to vector<32x1xi32>
    %eq3A_295 = arith.cmpi eq, %get3A_3, %eq3A_294 : vector<32x1xi32>
    %select_n3A_296 = arith.select %eq3A_295, %select_n3A_138, %broadcast_in_dim3A_292 : vector<32x1xi1>, vector<32x1xf32>
    %gt3A_297 = arith.constant 0.000000e+00 : f32
    %gt3A_298 = vector.broadcast %gt3A_297 : f32 to vector<32x1xf32>
    %gt3A_299 = arith.cmpf ogt, %select_n3A_296, %gt3A_298 : vector<32x1xf32>
    %jit3A_300 = arith.constant -1.000000e+09 : f32
    %broadcast_in_dim3A_301 = vector.broadcast %jit3A_300 : f32 to vector<32x1xf32>
    %select_n3A_302 = arith.select %gt3A_299, %broadcast_in_dim3A_301, %sub3A_272 : vector<32x1xi1>, vector<32x1xf32>
    %sub3A_303 = arith.subf %select_n3A_302, %broadcast_in_dim3A_216 : vector<32x1xf32>
    %sub3A_304 = arith.subf %sub3A_303, %log3A : vector<32x1xf32>
    %swap3A_305 = arith.constant 0 : index
    %swap3A_306 = arith.constant 0 : index
    %swap3A_307 = arith.constant 0 : index
    %swap3A_308 = vector.load %arg11[%swap3A_305, %swap3A_306, %swap3A_307] : memref<1x32x1xf32, #tpu.memory_space<vmem>>, vector<1x32x1xf32>
    %swap3A_309 = vector.shape_cast %swap3A_308 : vector<1x32x1xf32> to vector<32x1xf32>
    %swap3A_310 = vector.shape_cast %sub3A_304 : vector<32x1xf32> to vector<1x32x1xf32>
    tpu.vector_store %arg11[%swap3A_305, %swap3A_306, %swap3A_307], %swap3A_310 {strides = array<i32>} : memref<1x32x1xf32, #tpu.memory_space<vmem>>, vector<1x32x1xf32>,
    return
  }
  func.func @transform_0(%arg0: i32) -> (i32, i32) {
    %c0_i32 = arith.constant 0 : i32
    %c0_i32_0 = arith.constant 0 : i32
    %c0_i32_1 = arith.constant 0 : i32
    return %c0_i32, %c0_i32_0 : i32, i32
  }
  func.func @transform_1(%arg0: i32) -> (i32, i32, i32) {
    %c0_i32 = arith.constant 0 : i32
    %c0_i32_0 = arith.constant 0 : i32
    %c0_i32_1 = arith.constant 0 : i32
    return %arg0, %c0_i32, %c0_i32_0 : i32, i32, i32
  }
  func.func @transform_2(%arg0: i32) -> (i32, i32, i32) {
    %c0_i32 = arith.constant 0 : i32
    %c0_i32_0 = arith.constant 0 : i32
    %c0_i32_1 = arith.constant 0 : i32
    return %arg0, %c0_i32, %c0_i32_0 : i32, i32, i32
  }
  func.func @transform_3(%arg0: i32) -> (i32, i32, i32) {
    %c0_i32 = arith.constant 0 : i32
    %c0_i32_0 = arith.constant 0 : i32
    %c0_i32_1 = arith.constant 0 : i32
    return %arg0, %c0_i32, %c0_i32_0 : i32, i32, i32
  }
  func.func @transform_4(%arg0: i32) -> (i32, i32, i32) {
    %c0_i32 = arith.constant 0 : i32
    %c0_i32_0 = arith.constant 0 : i32
    %c0_i32_1 = arith.constant 0 : i32
    return %arg0, %c0_i32, %c0_i32_0 : i32, i32, i32
  }
  func.func @transform_5(%arg0: i32) -> (i32, i32, i32) {
    %c0_i32 = arith.constant 0 : i32
    %c0_i32_0 = arith.constant 0 : i32
    %c0_i32_1 = arith.constant 0 : i32
    return %arg0, %c0_i32, %c0_i32_0 : i32, i32, i32
  }
  func.func @transform_6(%arg0: i32) -> (i32, i32, i32) {
    %c0_i32 = arith.constant 0 : i32
    %c0_i32_0 = arith.constant 0 : i32
    %c0_i32_1 = arith.constant 0 : i32
    return %arg0, %c0_i32, %c0_i32_0 : i32, i32, i32
  }
  func.func @transform_7(%arg0: i32) -> (i32, i32, i32) {
    %c0_i32 = arith.constant 0 : i32
    %c0_i32_0 = arith.constant 0 : i32
    %c0_i32_1 = arith.constant 0 : i32
    return %arg0, %c0_i32, %c0_i32_0 : i32, i32, i32
  }
  func.func @transform_8(%arg0: i32) -> (i32, i32) {
    %c0_i32 = arith.constant 0 : i32
    %c0_i32_0 = arith.constant 0 : i32
    %c0_i32_1 = arith.constant 0 : i32
    return %c0_i32, %c0_i32_0 : i32, i32
  }
  func.func @transform_9(%arg0: i32) -> (i32, i32) {
    %c0_i32 = arith.constant 0 : i32
    %c0_i32_0 = arith.constant 0 : i32
    %c0_i32_1 = arith.constant 0 : i32
    return %c0_i32, %c0_i32_0 : i32, i32
  }
  func.func @transform_10(%arg0: i32) -> (i32, i32, i32) {
    %c0_i32 = arith.constant 0 : i32
    %c0_i32_0 = arith.constant 0 : i32
    %c0_i32_1 = arith.constant 0 : i32
    return %arg0, %c0_i32, %c0_i32_0 : i32, i32, i32
  }
  func.func @transform_11(%arg0: i32) -> (i32, i32, i32) {
    %c0_i32 = arith.constant 0 : i32
    %c0_i32_0 = arith.constant 0 : i32
    %c0_i32_1 = arith.constant 0 : i32
    return %arg0, %c0_i32, %c0_i32_0 : i32, i32, i32
  }
}

</mosaic_0001>

<sc_bundles>
// kernel: kernel.6.cloned.1.call-start
scs
__scs_entry_jumppad:
0x0: {  	(pc) =	sbr.rel $0x88, $3  }
0x1: {  	(tag) =	ssettag $0x0;
	lr =	simm.s32 $0x1  }
0x2: {  	[smem:$0x3F96] =	sst lr;
	_ =	strace $0xD0000000  }
0x3: {  	_ = 	snop  }
0x4: {  	_ = 	snop  }
0x5: {  	_ = 	snop  }
0x6: {  	_ = 	snop  }
0x7: {  	_ = 	snop  }
__scs_overlays_trampoline_lowered:
0x8: {  	[smem:$0x3FA5] =	sst s0  }
0x9: {  	[smem:$0x3FA6] =	sst s1  }
0xa: {  	[smem:$0x3FA7] =	sst s2  }
0xb: {  	[smem:$0x3FA8] =	sst s3  }
0xc: {  	[smem:$0x3FA9] =	sst s4  }
0xd: {  	[smem:$0x3FAA] =	sst s5  }
0xe: {  	[smem:$0x3FAB] =	sst s6  }
0xf: {  	[smem:$0x3FAC] =	sst s7  }
0x10: {  	[smem:$0x3FAD] =	sst s8  }
0x11: {  	[smem:$0x3FAE] =	sst s9;
	s0 =	simm.s32 @!p0 $0x0  }
0x12: {  	s1 =	sld [smem:$0x3F94];
	s0 =	simm.s32 @p0 $0x1  }
0x13: {  	[smem:$0x3FAF] =	sst s0;
	s0 =	simm.s32 @!p1 $0x0  }
0x14: {  	s2 =	sld [smem:$0x3F93];
	s0 =	simm.s32 @p1 $0x1  }
0x15: {  	[smem:$0x3FB0] =	sst s0;
	s0 =	simm.s32 @!p2 $0x0  }
0x16: {  	s3 =	sld [smem:$0x3FDB];
	s0 =	simm.s32 @p2 $0x1  }
0x17: {  	s4 =	simm.s32 $0x1BF5;
	[smem:$0x3FB2] =	sst s0  }
0x18: {  	s0 =	sld [smem:$0x3F95];
	_ =	swait.ge [sflag:s4], $0x0  }
0x19: {  	s7 =	sld [smem:$0x3F96]  }
0x1a: {  	s8 =	sadd.s32 $0xFFFFE003, lr  }
0x1b: {  	s9 =	sadd.s32 $0xFFFFFEF7, lr;
	s5 =	simm.s32 $0xFFFFFFFF;
	p2 =	slt.u32 s8, $0xFFFFF086  }
0x1c: {  	p1 =	slt.u32 s9, $0xF7A;
	s5 =	simm.s32 @!p2 $0x0  }
0x1d: {  	s5 =	simm.s32 @p1 $0x1;
	p0 =	seq.s32 s7, s2  }
0x1e: {  	s7 =	smul.u32 @!p0 $0xF7A, s2;
	p2 =	seq.s32 @!p0 s5, $0x0  }
0x1f: {  	s9 =	smul.u32 $0xF7A, s1;
	s8 =	simm.s32 @!p0 $0x1BF5;
	p2 =	por !p2, p0  }
0x20: {  	[sflag:s8] =	ssyncset.s32 @!p0 $0xFFFFF086;
	s6 =	sadd.s32 @!p0 s3, s7;
	s7 =	simm.s32 @!p0 $0x108  }
0x21: {  	s3 =	sadd.s32 s3, s9;
	s6 =	sadd.s32 @!p0 $0x88, s6;
	s7 =	simm.s32 @p2 $0x1082  }
0x22: {  	[simem:s7], [sflag:s8] =	dma.local @!p0 [hbm:s6], $0xF7A  }
0x23: {  	s9 =	sor.u32 $0xD0000000, s2;
	s6 =	simm.s32 $0x108;
	_ =	swait.ge @!p0 [sflag:s8], $0x0  }
0x24: {  	s3 =	sadd.s32 $0x88, s3;
	s6 =	simm.s32 @!p1 $0x1082;
	[sflag:s4] =	ssyncset.s32 $0xFFFFF086  }
0x25: {  	[simem:s6], [sflag:s4] =	dma.local [hbm:s3], $0xF7A  }
0x26: {  	[smem:$0x3F96] =	sst s1;
	(tag) =	ssettag s2;
	_ =	strace s9  }
0x27: {  	s1 =	sld [smem:$0x3FA6]  }
0x28: {  	s2 =	sld [smem:$0x3FA7]  }
0x29: {  	s4 =	sld [smem:$0x3FA9]  }
0x2a: {  	p0 =	seq.s32 s5, $0x0;
	s5 =	sld [smem:$0x3FAA]  }
0x2b: {  	s6 =	sld [smem:$0x3FAB]  }
0x2c: {  	s7 =	sld [smem:$0x3FAC]  }
0x2d: {  	s3 =	simm.s32 $0x108;
	s8 =	sld [smem:$0x3FAD]  }
0x2e: {  	s3 =	simm.s32 @!p0 $0x1082;
	s9 =	sld [smem:$0x3FAE]  }
0x2f: {  	lr =	sadd.s32 s0, s3;
	s0 =	sld [smem:$0x3FA5]  }
0x30: {  	s3 =	sld [smem:$0x3FA8]  }
0x31: {  	[smem:$0x3FB1] =	sst s10  }
0x32: {  	s10 =	sld [smem:$0x3FAF];
	_ =	sdelay $0x3  }
0x33: {  	p0 =	seq.s32 s10, $0x1;
	s10 =	sld [smem:$0x3FB1];
	_ =	sdelay $0x3  }
0x34: {  	[smem:$0x3FB1] =	sst s10  }
0x35: {  	s10 =	sld [smem:$0x3FB0];
	_ =	sdelay $0x3  }
0x36: {  	p1 =	seq.s32 s10, $0x1;
	s10 =	sld [smem:$0x3FB1];
	_ =	sdelay $0x3  }
0x37: {  	[smem:$0x3FB1] =	sst s10  }
0x38: {  	s10 =	sld [smem:$0x3FB2]  }
0x39: {  	_ = 	snop;
	(pc) =	sbr.ind lr, $3  }
0x3a: {  	_ = 	snop  }
0x3b: {  	_ = 	snop  }
0x3c: {  	p2 =	seq.s32 s10, $0x1;
	s10 =	sld [smem:$0x3FB1]  }
0x3d: {  	_ =	shalt  }
0x3e: {  	_ =	shalt  }
0x3f: {  	_ =	shalt  }
0x40: {  	_ =	shalt  }
0x41: {  	_ =	shalt  }
0x42: {  	_ =	shalt  }
0x43: {  	_ =	shalt  }
0x44: {  	_ =	shalt  }
0x45: {  	_ =	shalt  }
0x46: {  	_ =	shalt  }
0x47: {  	_ =	shalt  }
0x48: {  	_ =	shalt  }
0x49: {  	_ =	shalt  }
0x4a: {  	_ =	shalt  }
0x4b: {  	_ =	shalt  }
0x4c: {  	_ =	shalt  }
0x4d: {  	_ =	shalt  }
0x4e: {  	_ =	shalt  }
0x4f: {  	_ =	shalt  }
0x50: {  	_ =	shalt  }
0x51: {  	_ =	shalt  }
0x52: {  	_ =	shalt  }
0x53: {  	_ =	shalt  }
0x54: {  	_ =	shalt  }
0x55: {  	_ =	shalt  }
0x56: {  	_ =	shalt  }
0x57: {  	_ =	shalt  }
0x58: {  	_ =	shalt  }
0x59: {  	_ =	shalt  }
0x5a: {  	_ =	shalt  }
0x5b: {  	_ =	shalt  }
0x5c: {  	_ =	shalt  }
0x5d: {  	_ =	shalt  }
0x5e: {  	_ =	shalt  }
0x5f: {  	_ =	shalt  }
0x60: {  	_ =	shalt  }
0x61: {  	_ =	shalt  }
0x62: {  	_ =	shalt  }
0x63: {  	_ =	shalt  }
0x64: {  	_ =	shalt  }
0x65: {  	_ =	shalt  }
0x66: {  	_ =	shalt  }
0x67: {  	_ =	shalt  }
0x68: {  	_ =	shalt  }
0x69: {  	_ =	shalt  }
0x6a: {  	_ =	shalt  }
0x6b: {  	_ =	shalt  }
0x6c: {  	_ =	shalt  }
0x6d: {  	_ =	shalt  }
0x6e: {  	_ =	shalt  }
0x6f: {  	_ =	shalt  }
0x70: {  	_ =	shalt  }
0x71: {  	_ =	shalt  }
0x72: {  	_ =	shalt  }
0x73: {  	_ =	shalt  }
0x74: {  	_ =	shalt  }
0x75: {  	_ =	shalt  }
0x76: {  	_ =	shalt  }
0x77: {  	_ =	shalt  }
0x78: {  	_ =	shalt  }
0x79: {  	_ =	shalt  }
0x7a: {  	_ =	shalt  }
0x7b: {  	_ =	shalt  }
0x7c: {  	_ =	shalt  }
0x7d: {  	_ =	shalt  }
0x7e: {  	_ =	shalt  }
0x7f: {  	_ =	shalt  }
0x80: {  	_ =	shalt  }
0x81: {  	_ =	shalt  }
0x82: {  	_ =	shalt  }
0x83: {  	_ =	shalt  }
0x84: {  	_ =	shalt  }
0x85: {  	_ =	shalt  }
0x86: {  	_ =	shalt  }
0x87: {  	_ =	shalt  }
.Lfunc_end0:
.L_simem_size_0:
called_computation_lowered:
.L_overlay_start_0:
0x88: {  	s2 =	sld [smem:$0x3FD9]  }
0x89: {  	s3 =	sld [smem:$0x3FFE];
	_ =	sdelay $0x1  }
0x8a: {  	s1 =	srdreg.scid  }
0x8b: {  	s0 =	sand.u32 $0x1, s1  }
0x8c: {  	s15 =	sshll.u32 s0, $0xA;
	s2 =	sadd.s32 s3, s2  }
0x8d: {  	s2 =	sadd.s32 s2, s15  }
0x8e: {  	[smem:$0x3FBD] =	sst s2  }
0x8f: {  	_ = 	snop  }
0x90: {  	s2 =	sld [smem:$0x3FD0];
	_ =	sdelay $0x2  }
0x91: {  	s16 =	simm.s32 $0xB;
	s4 =	simm.s32 $0x10  }
0x92: {  	[smem:s4], [sflag:s16] =	dma.local [hbm:s2], $0x1  }
0x93: {  	_ =	swait.eq [sflag:s16], $0x1  }
0x94: {  	[sflag:s16] =	ssyncset.done $0x0  }
0x95: {  	[sflag:s16] =	ssyncadd.s32 $0xFFFFFFFF  }
0x96: {  	s17 =	sld [smem:$0x10];
	(tm) =	ssettm $0x1  }
0x97: {  	s18 =	sld [smem:$0x3FFB];
	_ =	sdelay $0x3  }
0x98: {  	_ =	strace s18  }
0x99: {  	s2 =	sld [smem:$0x3FFC];
	_ =	sdelay $0x3  }
0x9a: {  	_ =	strace s2  }
0x9b: {  	s2 =	sld [smem:$0x3FFD];
	_ =	sdelay $0x3  }
0x9c: {  	_ =	strace s2  }
0x9d: {  	_ =	strace $0x8FFFFFFF  }
0x9e: {  	s19 =	sld [smem:$0x3FDB];
	_ =	sdelay $0x1  }
0x9f: {  	s20 =	simm.s32 $_scs_section_size  }
0xa0: {  	s5 =	simm.s32 $_size__tile_overlayer_lowered;
	s6 =	simm.s32 $_tile_overlayer_lowered  }
0xa1: {  	s7 =	simm.s32 $0x1BFF;
	s21 =	sshll.u32 s6, $0x1;
	s4 =	sadd.s32 s20, s19  }
0xa2: {  	s22 =	simm.s32 $0x0;
	s5 =	sshll.u32 s5, $0x1;
	s6 =	sadd.s32 s21, s4  }
0xa3: {  	[timem:s22], [sflag:s7] =	dma.local [hbm:s6], s5  }
0xa4: {  	_ =	swait.ge [sflag:s7], s5  }
0xa5: {  	s5 =	ssub.s32 $0x0, s5;
	[sflag:s7] =	ssyncset.done $0x0  }
0xa6: {  	[sflag:s7] =	ssyncadd.s32 s5;
	_ =	sdelay $0x1  }
0xa7: {  	s23 =	simm.s32 $0x1B8B  }
0xa8: {  	_ =	swait.ge [sflag:s23], $0x1  }
0xa9: {  	[sflag:s23] =	ssyncset.done $0x0  }
0xaa: {  	[sflag:s23] =	ssyncadd.s32 $0xFFFFFFFF  }
0xab: {  	s5 =	sld [smem:$0x0]  }
0xac: {  	s6 =	sand.u32 $0xFFFFFFFE, s1  }
0xad: {  	p0 =	sne.s32 s1, s6  }
0xae: {  	s6 =	sshll.u32 @p0 s6, $0xE  }
0xaf: {  	s6 =	sadd.s32 @p0 $0x11B8D, s6;
	s7 =	sshll.u32 @p0 s5, $0x11  }
0xb0: {  	s6 =	sor.u32 @p0 s7, s6  }
0xb1: {  	[sflag:s6] =	ssyncadd.remote.s32 @p0 $0x1;
	_ =	sdelay $0x1  }
0xb2: {  	s6 =	simm.s32 @p0 $0x1B8D  }
0xb3: {  	_ =	swait.eq @p0 [sflag:s6], $0x1  }
0xb4: {  	[sflag:s6] =	ssyncadd.s32 @p0 $0xFFFFFFFF  }
0xb5: {  	s7 =	sshll.u32 @!p0 s1, $0xE  }
0xb6: {  	s7 =	sor.u32 @!p0 $0x4000, s7;
	s6 =	simm.s32 @!p0 $0x1B8D  }
0xb7: {  	s5 =	sshll.u32 @!p0 s5, $0x11;
	s7 =	sadd.s32 @!p0 $0x11B8D, s7;
	_ =	swait.eq @!p0 [sflag:s6], $0x1  }
0xb8: {  	s5 =	sor.u32 @!p0 s5, s7;
	[sflag:s6] =	ssyncadd.s32 @!p0 $0xFFFFFFFF  }
0xb9: {  	s25 =	simm.s32 $0x1B8E;
	s24 =	sld [smem:$0x3FFE];
	[sflag:s5] =	ssyncadd.remote.s32 @!p0 $0x1  }
0xba: {  	s26 =	simm.s32 $execute0_lowered;
	[smem:$0x3FD2] =	sst s25  }
0xbb: {  	s6 =	sshll.u32 s26, $0x1;
	_ =	strace $0x80000049;
	[dreg:$0x1] =	wrdreg $0xFFFFFFFF  }
0xbc: {  	s28 =	simm.s32 $_size_execute0_lowered;
	s4 =	sadd.s32 s4, s6;
	[dreg:$0x0] =	wrdreg $0x0  }
0xbd: {  	s6 =	sshll.u32 s28, $0x1;
	[dreg:$0x2] =	wrdreg s4  }
0xbe: {  	[dreg:$0x3] =	wrdreg s6  }
0xbf: {  	[dreg:$0x4] =	wrdreg $0xC0  }
0xc0: {  	_ =	task [dreg:s22], $0x5FFFF  }
0xc1: {  	[dreg:$0x1] =	wrdreg $0xFFFFFFFF  }
0xc2: {  	[dreg:$0x0] =	wrdreg $0x60  }
0xc3: {  	[dreg:$0x2] =	wrdreg s24  }
0xc4: {  	[dreg:$0x3] =	wrdreg s17  }
0xc5: {  	[dreg:$0x4] =	wrdreg $0x9  }
0xc6: {  	_ =	task.clear_ibuf [dreg:s22], $0x5FFFF;
	_ =	strace $0x90000049  }
0xc7: {  	s29 =	simm.s32 $0x9;
	_ =	strace $0x8000004B  }
0xc8: {  	_ =	swait.ge [sflag:s29], $0x1  }
0xc9: {  	[sflag:s29] =	ssyncadd.s32 $0xFFFFFFFF  }
0xca: {  	_ =	strace $0x9000004B  }
0xcb: {  	_ =	sfence  }
0xcc: {  	s30 =	sld [smem:$0x0];
	_ =	sdelay $0x2  }
0xcd: {  	s31 =	sshll.u32 s1, $0xD;
	s1 =	sshrl.u32 s1, $0x2  }
0xce: {  	s4 =	sand.u32 $0x4000, s31;
	s1 =	sadd.s32 s1, s30  }
0xcf: {  	s0 =	sor.u32 s4, s0;
	s1 =	sshll.u32 s1, $0x11  }
0xd0: {  	s0 =	sor.u32 s1, s0  }
0xd1: {  	s0 =	sadd.s32 $0x8F2B, s0  }
0xd2: {  	[sflag:s0] =	ssyncadd.remote.s32 $0x1  }
0xd3: {  	_ =	sfence.sel $0xFFFF  }
0xd4: {  	[dreg:$0x0] =	wrdreg $0xFFFFFFFF;
	(pc) =	sbr.abs _section_cstart, $3  }
0xd5: {  	[dreg:$0x1] =	wrdreg $0xFFFFFFFF  }
0xd6: {  	_ =	task.clear_ibuf [dreg:s22], $0x2FFFF;
	_ =	strace $0x9FFFFFFF  }
0xd7: {  	(tm) =	ssettm $0x7FFFFFFF  }
tec
execute0_lowered:
.L_overlay_start_1:
0x0: {  	(tag) =	ssettag $0x1  }
0x1: {  	v31 =	vlaneseq.u32  }
0x2: {  	v1 =	vimm.f32 $1.000000000e+09;
	vm0 =	vcmask $0x3F3C;
	vm1 =	vcmask $0x3B38  }
0x3: {  	vm2 =	vcmask $0x3734;
	s3 =	rddreg [dreg:$0x0];
	vm3 =	vcmask $0x3330;
	vm4 =	vcmask $0x2F2C  }
0x4: {  	s0 =	srdreg.scid;
	s7 =	rddreg [dreg:$0x1];
	vm5 =	vcmask $0x2B28;
	v7 =	vimm.f32 $2.600000000e+01;
	s2 =	simm.s32 $0x0;
	vm6 =	vcmask $0x2724  }
0x5: {  	v8 =	vimm.f32 $2.500000000e+01;
	vm7 =	vcmask $0x2320;
	v9 =	vimm.f32 $2.400000000e+01;
	s14 =	simm.s32 $0x4000;
	s15 =	simm.s32 $0x1;
	s16 =	simm.s32 $0x2  }
0x6: {  	vm8 =	vcmask $0x1F1C;
	v10 =	vimm.f32 $2.300000000e+01;
	vm9 =	vcmask $0x1B18;
	s17 =	simm.s32 $0xF000;
	s18 =	simm.s32 $0x3;
	s19 =	simm.s32 $0x11000  }
0x7: {  	v11 =	vimm.f32 $2.200000000e+01;
	vm10 =	vcmask $0x1714;
	v12 =	vimm.f32 $2.100000000e+01;
	s20 =	simm.s32 $0x12000;
	s21 =	simm.s32 $0x12080;
	s22 =	simm.s32 $0xE000  }
0x8: {  	vm11 =	vcmask $0x1310;
	v13 =	vimm.f32 $2.000000000e+01;
	vm12 =	vcmask $0xF0C;
	s23 =	simm.s32 $0x13080;
	s24 =	simm.s32 $0x0;
	s4 =	sand.u32 $0x1, s0  }
0x9: {  	v14 =	vimm.f32 $1.900000000e+01;
	vm13 =	vcmask $0xB08;
	v15 =	vimm.f32 $1.800000000e+01;
	s0 =	stileid.u32;
	[smem:$0x7FF] =	sst s2;
	s5 =	sshll.u32 s4, $0x4  }
0xa: {  	vm14 =	vcmask $0x704;
	v16 =	vimm.f32 $1.700000000e+01;
	v17 =	vimm.f32 $1.600000000e+01;
	s6 =	sshll.u32 s0, $0x7;
	s4 =	ssub.s32 $0x2, s4;
	s5 =	sor.u32 s0, s5  }
0xb: {  	v18 =	vimm.f32 $1.500000000e+01;
	v19 =	vimm.f32 $1.400000000e+01;
	v20 =	vimm.f32 $1.300000000e+01;
	_ =	strace $0x8000004A;
	s13 =	sshrl.u32 s4, $0x1;
	s5 =	sshrl.u32 s5, $0x3  }
0xc: {  	v21 =	vimm.f32 $1.200000000e+01;
	v22 =	vimm.f32 $1.100000000e+01;
	v23 =	vimm.f32 $1.000000000e+01;
	s6 =	sand.u32 $0x380, s6;
	s13 =	ssub.s32 s4, s13;
	s8 =	sshll.u32 s5, $0x11  }
0xd: {  	v24 =	vimm.f32 $9.000000000e+00;
	v25 =	vimm.f32 $8.000000000e+00;
	v26 =	vimm.f32 $7.000000000e+00;
	s9 =	smul.u32 $0x28000, s5;
	s10 =	sshll.u32 s5, $0x10;
	s11 =	sshll.u32 s5, $0xF  }
0xe: {  	v27 =	vimm.f32 $6.000000000e+00;
	v28 =	vimm.f32 $5.000000000e+00;
	v29 =	vimm.f32 $4.000000000e+00;
	s12 =	smul.u32 $0xC00, s5;
	s5 =	sshll.u32 s5, $0xA;
	s8 =	sor.u32 s6, s8  }
0xf: {  	v30 =	vimm.f32 $3.000000000e+00;
	v0 =	vmul.u32 $0x5, v31;
	v31 =	vmul.u32 $0x8, v31;
	s10 =	sor.u32 s6, s10;
	s11 =	sor.u32 s6, s11;
	s31 =	sor.u32 s6, s5  }
0x10: {  	v32 =	vimm.f32 $2.000000000e+00;
	v33 =	vimm.f32 $1.000000000e+00;
	v34 =	vimm.f32 $0.0e+00;
	s8 =	sshrl.u32 s8, $0x3;
	s9 =	sor.u32 s6, s9;
	s10 =	sshrl.u32 s10, $0x3  }
0x11: {  	v35 =	vor.u32 $0x1, v31;
	v36 =	vor.u32 $0x2, v31;
	v37 =	vor.u32 $0x3, v31;
	s11 =	sshrl.u32 s11, $0x3;
	s12 =	sor.u32 s6, s12;
	s8 =	sadd.s32 s8, s3  }
0x12: {  	v38 =	vor.u32 $0x4, v31;
	v39 =	vor.u32 $0x5, v31;
	v40 =	vor.u32 $0x6, v31;
	s9 =	sshrl.u32 s9, $0x3;
	s10 =	sadd.s32 s10, s3;
	s12 =	sshrl.u32 s12, $0x3  }
0x13: {  	v41 =	vor.u32 $0x7, v31;
	v42 =	vor.u32 $0x80, v31;
	v43 =	vor.u32 $0x81, v31;
	s11 =	sadd.s32 s11, s3;
	s9 =	sadd.s32 s9, s3;
	s12 =	sadd.s32 s12, s3  }
0x14: {  	v44 =	vor.u32 $0x82, v31;
	v45 =	vor.u32 $0x83, v31;
	v46 =	vor.u32 $0x84, v31;
	s3 =	sadd.s32 $0x40200, s8;
	s5 =	sadd.s32 $0x64200, s10;
	s8 =	sshrl.u32 s31, $0x3  }
0x15: {  	v47 =	vor.u32 $0x85, v31;
	v48 =	vor.u32 $0x86, v31;
	v49 =	vor.u32 $0x87, v31;
	s6 =	sadd.s32 $0x33A00, s11;
	s4 =	sadd.s32 $0x50200, s9;
	s7 =	sadd.s32 s7, s8  }
0x16: {  	v50 =	vor.u32 $0x100, v31;
	v51 =	vor.u32 $0x101, v31;
	v52 =	vor.u32 $0x102, v31;
	s8 =	sadd.s32 $0x6C200, s11;
	s9 =	sadd.s32 $0x70200, s11;
	s10 =	sadd.s32 $0x74200, s12  }
0x17: {  	v53 =	vor.u32 $0x103, v31;
	v54 =	vor.u32 $0x104, v31;
	v55 =	vor.u32 $0x105, v31;
	s11 =	smax.u32 s13, $0x1;
	s12 =	simm.s32 $0x80;
	s13 =	simm.s32 $0x400  }
.LBB2_1:
0x18: {  	[tilespmem:s2], [sflag:$0x1] =	stream.strided.gather [hbm4b:s3+s12], $0x4000, s13, s12, $0x38;
	[tilespmem:$0x13200] =	vst v63  }
0x19: {  	_ = 	snop  }
0x1a: {  	[tilespmem:s14], [sflag:$0x2] =	stream.strided.gather [hbm4b:s4+s12], $0x5000, s13, s12, $0x38;
	[tilespmem:$0x13200] =	vst v63  }
0x1b: {  	_ =	swait.ge [sflag:s15], $0x4000  }
0x1c: {  	[sflag:s15] =	ssyncset.done $0x0  }
0x1d: {  	[sflag:s15] =	ssyncadd.s32 $0xFFFFC000  }
0x1e: {  	_ =	swait.ge [sflag:s16], $0x5000  }
0x1f: {  	[sflag:s16] =	ssyncset.done $0x0  }
0x20: {  	[sflag:s16] =	ssyncadd.s32 $0xFFFFB000  }
0x21: {  	[tilespmem:s17], [sflag:$0x3] =	stream.strided.gather [hbm4b:s5+s12], $0x2000, s13, s12, $0x38;
	[tilespmem:$0x13200] =	vst v63  }
0x22: {  	_ =	swait.ge [sflag:s18], $0x2000  }
0x23: {  	[sflag:s18] =	ssyncset.done $0x0  }
0x24: {  	[sflag:s18] =	ssyncadd.s32 $0xFFFFE000  }
0x25: {  	[tilespmem:s19], [sflag:$0x3] =	stream.strided.gather [hbm4b:s6+s12], $0x1000, s13, s12, $0x38;
	[tilespmem:$0x13200] =	vst v63  }
0x26: {  	_ =	swait.ge [sflag:s18], $0x1000  }
0x27: {  	s25 =	simm.s32 $0x0;
	[sflag:s18] =	ssyncset.done $0x0  }
0x28: {  	v56 =	vadd.s32 s25, v0;
	[sflag:s18] =	ssyncadd.s32 $0xFFFFF000  }
0x29: {  	[tilespmem:s20], [sflag:$0x3] =	stream.linear.gather [hbm4b:s7+s2], $0x80, $0x38;
	[tilespmem:$0x13200] =	vst v63  }
0x2a: {  	_ =	swait.ge [sflag:s18], $0x80  }
0x2b: {  	[sflag:s18] =	ssyncset.done $0x0  }
0x2c: {  	[sflag:s18] =	ssyncadd.s32 $0xFFFFFF80  }
0x2d: {  	s26 =	simm.s32 $0x1;
	v56 =	vld.idx.msk [tilespmem:v56+s14+$0x0], $0xffff  }
0x2e: {  	v57 =	vadd.s32 s26, v0;
	_ =	sdelay $0x2  }
0x2f: {  	s1 =	simm.s32 $0x9000  }
0x30: {  	[tilespmem:s1+$0x0] =	vst v56  }
0x31: {  	s26 =	simm.s32 $0x2;
	v56 =	vld.idx.msk [tilespmem:v57+s14+$0x0], $0xffff  }
0x32: {  	v60 =	vadd.s32 s26, v0;
	_ =	sdelay $0x2  }
0x33: {  	s25 =	sand.u32 $0xFF0, s2  }
0x34: {  	[tilespmem:s25+$0xA000] =	vst v56  }
0x35: {  	s26 =	simm.s32 $0x3;
	v56 =	vld.idx.msk [tilespmem:v60+s14+$0x0], $0xffff  }
0x36: {  	v61 =	vadd.s32 s26, v0;
	_ =	sdelay $0x3  }
0x37: {  	[tilespmem:s25+$0xB000] =	vst v56  }
0x38: {  	s1 =	simm.s32 $0x4;
	v56 =	vld.idx.msk [tilespmem:v61+s14+$0x0], $0xffff  }
0x39: {  	v62 =	vadd.s32 s1, v0;
	_ =	sdelay $0x3  }
0x3a: {  	[tilespmem:s25+$0xC000] =	vst v56  }
0x3b: {  	v56 =	vld.idx.msk [tilespmem:v62+s14+$0x0], $0xffff  }
0x3c: {  	s1 =	simm.s32 $0x50  }
0x3d: {  	v63 =	vadd.s32 s1, v0;
	_ =	sdelay $0x2  }
0x3e: {  	[tilespmem:s25+$0xD000] =	vst v56  }
0x3f: {  	[tilespmem:s21+$0x0] =	vst v1  }
0x40: {  	s26 =	simm.s32 $0x51;
	v56 =	vld.idx.msk [tilespmem:v63+s14+$0x0], $0xffff  }
0x41: {  	v60 =	vadd.s32 s26, v0;
	_ =	sdelay $0x2  }
0x42: {  	s25 =	simm.s32 $0x9010  }
0x43: {  	[tilespmem:s25+$0x0] =	vst v56  }
0x44: {  	s1 =	simm.s32 $0x52;
	v56 =	vld.idx.msk [tilespmem:v60+s14+$0x0], $0xffff  }
0x45: {  	v61 =	vadd.s32 s1, v0;
	_ =	sdelay $0x1  }
0x46: {  	s26 =	simm.s32 $0x10  }
0x47: {  	s31 =	sand.u32 $0xFF0, s26  }
0x48: {  	[tilespmem:s31+$0xA000] =	vst v56  }
0x49: {  	s28 =	simm.s32 $0x53;
	v56 =	vld.idx.msk [tilespmem:v61+s14+$0x0], $0xffff  }
0x4a: {  	v62 =	vadd.s32 s28, v0;
	_ =	sdelay $0x3  }
0x4b: {  	[tilespmem:s31+$0xB000] =	vst v56  }
0x4c: {  	s28 =	simm.s32 $0x54;
	v56 =	vld.idx.msk [tilespmem:v62+s14+$0x0], $0xffff  }
0x4d: {  	v63 =	vadd.s32 s28, v0;
	_ =	sdelay $0x3  }
0x4e: {  	[tilespmem:s31+$0xC000] =	vst v56  }
0x4f: {  	v57 =	vld.idx.msk [tilespmem:v63+s14+$0x0], $0xffff  }
0x50: {  	s29 =	simm.s32 $0xA0  }
0x51: {  	s30 =	simm.s32 $0xF4;
	s28 =	simm.s32 $0xA4;
	v56 =	vadd.s32 s29, v0;
	s29 =	simm.s32 $0x12080  }
.LBB2_2:
0x52: {  	p0 =	sne.s32 s30, $0x4FB4;
	_ =	sdelay $0x1  }
0x53: {  	s29 =	sadd.s32 $0x10, s29;
	[tilespmem:s31+$0xD000] =	vst v57  }
0x54: {  	[tilespmem:s29+$0x0] =	vst v1  }
0x55: {  	v56 =	vld.idx.msk [tilespmem:v56+s14+$0x0], $0xffff  }
0x56: {  	s31 =	sadd.s32 $0xFFFFFFFD, s28  }
0x57: {  	v57 =	vadd.s32 s31, v0;
	_ =	sdelay $0x2  }
0x58: {  	s25 =	sadd.s32 $0x10, s25  }
0x59: {  	[tilespmem:s25+$0x0] =	vst v56  }
0x5a: {  	v56 =	vld.idx.msk [tilespmem:v57+s14+$0x0], $0xffff  }
0x5b: {  	s31 =	sadd.s32 $0xFFFFFFFE, s28  }
0x5c: {  	v57 =	vadd.s32 s31, v0;
	_ =	sdelay $0x1  }
0x5d: {  	s26 =	sadd.s32 $0x10, s26  }
0x5e: {  	s31 =	sand.u32 $0xFF0, s26  }
0x5f: {  	[tilespmem:s31+$0xA000] =	vst v56  }
0x60: {  	v56 =	vld.idx.msk [tilespmem:v57+s14+$0x0], $0xffff  }
0x61: {  	s1 =	sadd.s32 $0xFFFFFFFF, s28  }
0x62: {  	v57 =	vadd.s32 s1, v0;
	_ =	sdelay $0x3  }
0x63: {  	[tilespmem:s31+$0xB000] =	vst v56  }
0x64: {  	v56 =	vld.idx.msk [tilespmem:v57+s14+$0x0], $0xffff;
	_ =	sdelay $0x1  }
0x65: {  	v57 =	vadd.s32 s28, v0;
	s28 =	smov.u32 s30;
	_ =	sdelay $0x3  }
.Ltmp0:
0x66: {  	[tilespmem:s31+$0xC000] =	vst v56;
	(pc) =	sbr.rel @p0 .LBB2_2-.Ltmp0, $3  }
0x67: {  	v57 =	vld.idx.msk [tilespmem:v57+s14+$0x0], $0xffff;
	_ =	sdelay $0x1  }
0x68: {  	s1 =	sadd.s32 $0xFFFFFFFC, s30  }
0x69: {  	s30 =	sadd.s32 $0x50, s30;
	v56 =	vadd.s32 s1, v0  }
0x6a: {  	_ =	sdelay $0x1  }
0x6b: {  	s1 =	sadd.s32 $0x10, s29;
	[tilespmem:s31+$0xD000] =	vst v57  }
0x6c: {  	[tilespmem:s1+$0x0] =	vst v1  }
0x6d: {  	s29 =	sadd.s32 $0xFFFFFFFD, s28;
	v56 =	vld.idx.msk [tilespmem:v56+s14+$0x0], $0xffff  }
0x6e: {  	v60 =	vadd.s32 s29, v0;
	_ =	sdelay $0x2  }
0x6f: {  	s25 =	sadd.s32 $0x10, s25  }
0x70: {  	[tilespmem:s25+$0x0] =	vst v56  }
0x71: {  	s31 =	sadd.s32 $0xFFFFFFFE, s28;
	v56 =	vld.idx.msk [tilespmem:v60+s14+$0x0], $0xffff  }
0x72: {  	v61 =	vadd.s32 s31, v0;
	_ =	sdelay $0x1  }
0x73: {  	s26 =	sadd.s32 $0x10, s26  }
0x74: {  	s25 =	sand.u32 $0xFF0, s26  }
0x75: {  	[tilespmem:s25+$0xA000] =	vst v56  }
0x76: {  	s31 =	sadd.s32 $0xFFFFFFFF, s28;
	v56 =	vld.idx.msk [tilespmem:v61+s14+$0x0], $0xffff  }
0x77: {  	v62 =	vadd.s32 s31, v0;
	_ =	sdelay $0x3  }
0x78: {  	[tilespmem:s25+$0xB000] =	vst v56  }
0x79: {  	v56 =	vld.idx.msk [tilespmem:v62+s14+$0x0], $0xffff  }
0x7a: {  	v63 =	vadd.s32 s28, v0;
	_ =	sdelay $0x3  }
0x7b: {  	[tilespmem:s25+$0xC000] =	vst v56  }
0x7c: {  	v56 =	vld.idx.msk [tilespmem:v63+s14+$0x0], $0xffff;
	_ =	sdelay $0x4  }
0x7d: {  	s1 =	sadd.s32 $0x10, s1;
	[tilespmem:s25+$0xD000] =	vst v56  }
0x7e: {  	s26 =	simm.s32 $0xB000;
	[tilespmem:s1+$0x0] =	vst v1  }
0x7f: {  	v56 =	vld [tilespmem:s26+$0xFFFFE000];
	_ =	sdelay $0x4  }
0x80: {  	v57 =	vadd.s32 $0x1000, v56  }
0x81: {  	s25 =	simm.s32 $0x2000;
	v59 =	vld [tilespmem:s26+$0xFFFFF000]  }
0x82: {  	v61 =	vld [tilespmem:s25+$0xFFFFE000];
	v58 =	vadd.s32 $0x2000, v56  }
0x83: {  	v60 =	vld.idx.msk [tilespmem:v56+s2+$0x0], $0xffff  }
0x84: {  	v62 =	vld [tilespmem:s25+$0xFFFFF000];
	v56 =	vadd.s32 $0x3000, v56  }
0x85: {  	v57 =	vld.idx.msk [tilespmem:v57+s2+$0x0], $0xffff  }
0x86: {  	v63 =	vld [tilespmem:s25+$0x0]  }
0x87: {  	v58 =	vld.idx.msk [tilespmem:v58+s2+$0x0], $0xffff  }
0x88: {  	v2 =	vld [tilespmem:s25+$0x1000];
	v3 =	vadd.s32 $0x1000, v59;
	v60 =	vmul.f32 v60, v61  }
0x89: {  	v56 =	vld.idx.msk [tilespmem:v56+s2+$0x0], $0xffff  }
0x8a: {  	v5 =	vld [tilespmem:s26+$0x0];
	v4 =	vadd.s32 $0x2000, v59;
	v60 =	vadd.f32 $0.0e+00, v60;
	v57 =	vmul.f32 v57, v62  }
0x8b: {  	v6 =	vld.idx.msk [tilespmem:v59+s2+$0x0], $0xffff  }
0x8c: {  	v59 =	vadd.s32 $0x3000, v59;
	v58 =	vmul.f32 v58, v63;
	v57 =	vadd.f32 v57, v60  }
0x8d: {  	v3 =	vld.idx.msk [tilespmem:v3+s2+$0x0], $0xffff  }
0x8e: {  	v56 =	vmul.f32 v56, v2;
	v57 =	vadd.f32 v58, v57  }
0x8f: {  	v4 =	vld.idx.msk [tilespmem:v4+s2+$0x0], $0xffff  }
0x90: {  	v6 =	vmul.f32 v6, v61;
	v58 =	vadd.s32 $0x1000, v5;
	v56 =	vadd.f32 v56, v57  }
0x91: {  	v57 =	vld.idx.msk [tilespmem:v59+s2+$0x0], $0xffff  }
0x92: {  	v3 =	vmul.f32 v3, v62;
	v60 =	vld [tilespmem:s26+$0x1000];
	v59 =	vadd.s32 $0x2000, v5;
	v6 =	vadd.f32 v6, v56  }
0x93: {  	v56 =	vld.idx.msk [tilespmem:v5+s2+$0x0], $0xffff  }
0x94: {  	v4 =	vmul.f32 v4, v63;
	v5 =	vadd.s32 $0x3000, v5;
	v3 =	vadd.f32 v3, v6  }
0x95: {  	v6 =	vld.idx.msk [tilespmem:v58+s2+$0x0], $0xffff  }
0x96: {  	v3 =	vadd.f32 v4, v3;
	v4 =	vmul.f32 v57, v2  }
0x97: {  	v57 =	vld.idx.msk [tilespmem:v59+s2+$0x0], $0xffff  }
0x98: {  	s31 =	simm.s32 $0x0;
	v58 =	vadd.s32 $0x1000, v60;
	v3 =	vadd.f32 v4, v3;
	v4 =	vmul.f32 v56, v61  }
0x99: {  	s1 =	sand.u32 $0xFF0, s31;
	v5 =	vld.idx.msk [tilespmem:v5+s2+$0x0], $0xffff  }
0x9a: {  	v59 =	vld [tilespmem:s1+$0xD000];
	v56 =	vadd.s32 $0x2000, v60;
	v3 =	vadd.f32 v4, v3;
	v4 =	vmul.f32 v6, v62  }
0x9b: {  	v6 =	vld.idx.msk [tilespmem:v60+s2+$0x0], $0xffff  }
0x9c: {  	v60 =	vadd.s32 $0x3000, v60;
	v3 =	vadd.f32 v4, v3;
	v4 =	vmul.f32 v57, v63  }
0x9d: {  	v57 =	vld.idx.msk [tilespmem:v58+s2+$0x0], $0xffff  }
0x9e: {  	v3 =	vadd.f32 v4, v3;
	v4 =	vmul.f32 v5, v2  }
0x9f: {  	v5 =	vld.idx.msk [tilespmem:v56+s2+$0x0], $0xffff  }
0xa0: {  	v56 =	vadd.s32 $0x1000, v59;
	v3 =	vadd.f32 v4, v3;
	v4 =	vmul.f32 v6, v61  }
0xa1: {  	v6 =	vld.idx.msk [tilespmem:v60+s2+$0x0], $0xffff  }
0xa2: {  	v58 =	vadd.s32 $0x2000, v59;
	v3 =	vadd.f32 v4, v3;
	v4 =	vmul.f32 v57, v62  }
0xa3: {  	v60 =	vld.idx.msk [tilespmem:v59+s2+$0x0], $0xffff  }
0xa4: {  	v59 =	vadd.s32 $0x3000, v59;
	v3 =	vadd.f32 v4, v3;
	v4 =	vmul.f32 v5, v63  }
0xa5: {  	v5 =	vld.idx.msk [tilespmem:v56+s2+$0x0], $0xffff  }
0xa6: {  	v3 =	vadd.f32 v4, v3;
	v4 =	vmul.f32 v6, v2  }
0xa7: {  	v6 =	vld.idx.msk [tilespmem:v58+s2+$0x0], $0xffff  }
0xa8: {  	v3 =	vadd.f32 v4, v3;
	v4 =	vmul.f32 v60, v61  }
0xa9: {  	v61 =	vld.idx.msk [tilespmem:v59+s2+$0x0], $0xffff  }
0xaa: {  	v3 =	vadd.f32 v4, v3;
	v4 =	vmul.f32 v5, v62;
	_ =	sdelay $0x1  }
0xab: {  	v3 =	vadd.f32 v4, v3;
	v4 =	vmul.f32 v6, v63;
	_ =	sdelay $0x1  }
0xac: {  	v2 =	vmul.f32 v61, v2;
	v3 =	vadd.f32 v4, v3;
	_ =	sdelay $0x1  }
0xad: {  	v2 =	vadd.f32 v2, v3  }
0xae: {  	s26 =	simm.s32 $0xE000  }
0xaf: {  	s29 =	simm.s32 $0xB010;
	[tilespmem:s26+$0x0] =	vst v2  }
0xb0: {  	s30 =	simm.s32 $0x20;
	s28 =	simm.s32 $0x10;
	v56 =	vld [tilespmem:s29+$0xFFFFE000]  }
.LBB2_4:
0xb1: {  	p0 =	sne.s32 s30, $0xFF0;
	_ =	sdelay $0x3  }
0xb2: {  	s25 =	sadd.s32 $0x10, s25;
	v2 =	vadd.s32 $0x1000, v56  }
0xb3: {  	v3 =	vld [tilespmem:s25+$0x1000]  }
0xb4: {  	v4 =	vadd.s32 $0x2000, v56;
	v5 =	vld [tilespmem:s29+$0xFFFFF000]  }
0xb5: {  	v6 =	vld.idx.msk [tilespmem:v56+s2+$0x0], $0xffff  }
0xb6: {  	v56 =	vadd.s32 $0x3000, v56;
	v57 =	vld [tilespmem:s25+$0xFFFFE000]  }
0xb7: {  	v2 =	vld.idx.msk [tilespmem:v2+s2+$0x0], $0xffff  }
0xb8: {  	v58 =	vld [tilespmem:s25+$0xFFFFF000]  }
0xb9: {  	v4 =	vld.idx.msk [tilespmem:v4+s2+$0x0], $0xffff  }
0xba: {  	v60 =	vadd.s32 $0x1000, v5;
	v59 =	vld [tilespmem:s25+$0x0]  }
0xbb: {  	v6 =	vmul.f32 v6, v57;
	v56 =	vld.idx.msk [tilespmem:v56+s2+$0x0], $0xffff  }
0xbc: {  	v61 =	vadd.s32 $0x2000, v5;
	v62 =	vld [tilespmem:s29+$0x0]  }
0xbd: {  	v6 =	vadd.f32 $0.0e+00, v6;
	v2 =	vmul.f32 v2, v58;
	v63 =	vld.idx.msk [tilespmem:v5+s2+$0x0], $0xffff  }
0xbe: {  	v5 =	vadd.s32 $0x3000, v5  }
0xbf: {  	v2 =	vadd.f32 v2, v6;
	v4 =	vmul.f32 v4, v59;
	v6 =	vld.idx.msk [tilespmem:v60+s2+$0x0], $0xffff;
	_ =	sdelay $0x1  }
0xc0: {  	v2 =	vadd.f32 v4, v2;
	v4 =	vmul.f32 v56, v3;
	v56 =	vld.idx.msk [tilespmem:v61+s2+$0x0], $0xffff  }
0xc1: {  	v60 =	vadd.s32 $0x1000, v62  }
0xc2: {  	v2 =	vadd.f32 v4, v2;
	v4 =	vmul.f32 v63, v57;
	v5 =	vld.idx.msk [tilespmem:v5+s2+$0x0], $0xffff  }
0xc3: {  	v61 =	vadd.s32 $0x2000, v62;
	v63 =	vld [tilespmem:s29+$0x1000]  }
0xc4: {  	v2 =	vadd.f32 v4, v2;
	v4 =	vmul.f32 v6, v58;
	v6 =	vld.idx.msk [tilespmem:v62+s2+$0x0], $0xffff  }
0xc5: {  	v62 =	vadd.s32 $0x3000, v62  }
0xc6: {  	v2 =	vadd.f32 v4, v2;
	v4 =	vmul.f32 v56, v59;
	v56 =	vld.idx.msk [tilespmem:v60+s2+$0x0], $0xffff;
	_ =	sdelay $0x1  }
0xc7: {  	v2 =	vadd.f32 v4, v2;
	v4 =	vmul.f32 v5, v3;
	v5 =	vld.idx.msk [tilespmem:v61+s2+$0x0], $0xffff  }
0xc8: {  	v60 =	vadd.s32 $0x1000, v63  }
0xc9: {  	s1 =	sand.u32 $0xFF0, s28;
	s28 =	smov.u32 s30;
	v2 =	vadd.f32 v4, v2;
	v4 =	vmul.f32 v6, v57;
	v6 =	vld.idx.msk [tilespmem:v62+s2+$0x0], $0xffff  }
0xca: {  	v61 =	vadd.s32 $0x2000, v63;
	v62 =	vld [tilespmem:s1+$0xD000]  }
0xcb: {  	v2 =	vadd.f32 v4, v2;
	v4 =	vmul.f32 v56, v58;
	v56 =	vld.idx.msk [tilespmem:v63+s2+$0x0], $0xffff  }
0xcc: {  	v63 =	vadd.s32 $0x3000, v63  }
0xcd: {  	v2 =	vadd.f32 v4, v2;
	v4 =	vmul.f32 v5, v59;
	v5 =	vld.idx.msk [tilespmem:v60+s2+$0x0], $0xffff;
	_ =	sdelay $0x1  }
0xce: {  	v2 =	vadd.f32 v4, v2;
	v4 =	vmul.f32 v6, v3;
	v6 =	vld.idx.msk [tilespmem:v61+s2+$0x0], $0xffff  }
0xcf: {  	v60 =	vadd.s32 $0x1000, v62  }
0xd0: {  	v2 =	vadd.f32 v4, v2;
	v4 =	vmul.f32 v56, v57;
	v56 =	vld.idx.msk [tilespmem:v63+s2+$0x0], $0xffff  }
0xd1: {  	v61 =	vadd.s32 $0x2000, v62  }
0xd2: {  	v2 =	vadd.f32 v4, v2;
	v4 =	vmul.f32 v5, v58;
	v5 =	vld.idx.msk [tilespmem:v62+s2+$0x0], $0xffff  }
0xd3: {  	v62 =	vadd.s32 $0x3000, v62  }
0xd4: {  	v2 =	vadd.f32 v4, v2;
	v4 =	vmul.f32 v6, v59;
	v6 =	vld.idx.msk [tilespmem:v60+s2+$0x0], $0xffff;
	_ =	sdelay $0x1  }
0xd5: {  	v2 =	vadd.f32 v4, v2;
	v4 =	vmul.f32 v56, v3;
	v56 =	vld.idx.msk [tilespmem:v61+s2+$0x0], $0xffff;
	_ =	sdelay $0x1  }
0xd6: {  	v2 =	vadd.f32 v4, v2;
	v4 =	vmul.f32 v5, v57;
	v5 =	vld.idx.msk [tilespmem:v62+s2+$0x0], $0xffff;
	_ =	sdelay $0x1  }
0xd7: {  	v2 =	vadd.f32 v4, v2;
	v4 =	vmul.f32 v6, v58;
	_ =	sdelay $0x1  }
0xd8: {  	v2 =	vadd.f32 v4, v2;
	v4 =	vmul.f32 v56, v59;
	_ =	sdelay $0x1  }
0xd9: {  	v3 =	vmul.f32 v5, v3;
	v2 =	vadd.f32 v4, v2  }
.Ltmp1:
0xda: {  	(pc) =	sbr.rel @p0 .LBB2_4-.Ltmp1, $4  }
0xdb: {  	v2 =	vadd.f32 v3, v2  }
0xdc: {  	s26 =	sadd.s32 $0x10, s26  }
0xdd: {  	s29 =	sadd.s32 $0x10, s29;
	[tilespmem:s26+$0x0] =	vst v2  }
0xde: {  	s30 =	sadd.s32 $0x10, s30;
	v56 =	vld [tilespmem:s29+$0xFFFFE000]  }
0xdf: {  	_ =	sdelay $0x4  }
0xe0: {  	v2 =	vadd.s32 $0x1000, v56  }
0xe1: {  	v4 =	vld [tilespmem:s29+$0xFFFFF000];
	s1 =	sadd.s32 $0x10, s25  }
0xe2: {  	v6 =	vld [tilespmem:s1+$0xFFFFE000];
	v3 =	vadd.s32 $0x2000, v56  }
0xe3: {  	v5 =	vld.idx.msk [tilespmem:v56+s2+$0x0], $0xffff  }
0xe4: {  	v57 =	vld [tilespmem:s1+$0xFFFFF000];
	v56 =	vadd.s32 $0x3000, v56  }
0xe5: {  	v2 =	vld.idx.msk [tilespmem:v2+s2+$0x0], $0xffff  }
0xe6: {  	v58 =	vld [tilespmem:s1+$0x0]  }
0xe7: {  	v3 =	vld.idx.msk [tilespmem:v3+s2+$0x0], $0xffff  }
0xe8: {  	v59 =	vld [tilespmem:s1+$0x1000];
	v60 =	vadd.s32 $0x1000, v4;
	v5 =	vmul.f32 v5, v6  }
0xe9: {  	v56 =	vld.idx.msk [tilespmem:v56+s2+$0x0], $0xffff  }
0xea: {  	v62 =	vld [tilespmem:s29+$0x0];
	v61 =	vadd.s32 $0x2000, v4;
	v5 =	vadd.f32 $0.0e+00, v5;
	v2 =	vmul.f32 v2, v57  }
0xeb: {  	v63 =	vld.idx.msk [tilespmem:v4+s2+$0x0], $0xffff  }
0xec: {  	v4 =	vadd.s32 $0x3000, v4;
	v3 =	vmul.f32 v3, v58;
	v2 =	vadd.f32 v2, v5  }
0xed: {  	v5 =	vld.idx.msk [tilespmem:v60+s2+$0x0], $0xffff  }
0xee: {  	v2 =	vadd.f32 v3, v2;
	v3 =	vmul.f32 v56, v59  }
0xef: {  	v56 =	vld.idx.msk [tilespmem:v61+s2+$0x0], $0xffff  }
0xf0: {  	v60 =	vadd.s32 $0x1000, v62;
	v2 =	vadd.f32 v3, v2;
	v3 =	vmul.f32 v63, v6  }
0xf1: {  	v4 =	vld.idx.msk [tilespmem:v4+s2+$0x0], $0xffff  }
0xf2: {  	v61 =	vadd.s32 $0x2000, v62;
	v63 =	vld [tilespmem:s29+$0x1000];
	v2 =	vadd.f32 v3, v2;
	v3 =	vmul.f32 v5, v57  }
0xf3: {  	v5 =	vld.idx.msk [tilespmem:v62+s2+$0x0], $0xffff  }
0xf4: {  	v62 =	vadd.s32 $0x3000, v62;
	v2 =	vadd.f32 v3, v2;
	v3 =	vmul.f32 v56, v58  }
0xf5: {  	v56 =	vld.idx.msk [tilespmem:v60+s2+$0x0], $0xffff  }
0xf6: {  	v2 =	vadd.f32 v3, v2;
	v3 =	vmul.f32 v4, v59  }
0xf7: {  	v4 =	vld.idx.msk [tilespmem:v61+s2+$0x0], $0xffff  }
0xf8: {  	v60 =	vadd.s32 $0x1000, v63;
	v2 =	vadd.f32 v3, v2;
	v3 =	vmul.f32 v5, v6  }
0xf9: {  	s30 =	sand.u32 $0xFF0, s28;
	v5 =	vld.idx.msk [tilespmem:v62+s2+$0x0], $0xffff  }
0xfa: {  	v61 =	vadd.s32 $0x2000, v63;
	v62 =	vld [tilespmem:s30+$0xD000];
	v2 =	vadd.f32 v3, v2;
	v3 =	vmul.f32 v56, v57  }
0xfb: {  	v56 =	vld.idx.msk [tilespmem:v63+s2+$0x0], $0xffff  }
0xfc: {  	v4 =	vmul.f32 v4, v58;
	v2 =	vadd.f32 v3, v2;
	v3 =	vadd.s32 $0x3000, v63  }
0xfd: {  	v60 =	vld.idx.msk [tilespmem:v60+s2+$0x0], $0xffff  }
0xfe: {  	v2 =	vadd.f32 v4, v2;
	v4 =	vmul.f32 v5, v59  }
0xff: {  	v5 =	vld.idx.msk [tilespmem:v61+s2+$0x0], $0xffff  }
0x100: {  	v61 =	vadd.s32 $0x1000, v62;
	v2 =	vadd.f32 v4, v2;
	v4 =	vmul.f32 v56, v6  }
0x101: {  	v3 =	vld.idx.msk [tilespmem:v3+s2+$0x0], $0xffff  }
0x102: {  	v56 =	vadd.s32 $0x2000, v62;
	v2 =	vadd.f32 v4, v2;
	v4 =	vmul.f32 v60, v57  }
0x103: {  	v60 =	vld.idx.msk [tilespmem:v62+s2+$0x0], $0xffff  }
0x104: {  	v5 =	vmul.f32 v5, v58;
	v2 =	vadd.f32 v4, v2;
	v4 =	vadd.s32 $0x3000, v62  }
0x105: {  	v61 =	vld.idx.msk [tilespmem:v61+s2+$0x0], $0xffff  }
0x106: {  	v2 =	vadd.f32 v5, v2;
	v3 =	vmul.f32 v3, v59  }
0x107: {  	v5 =	vld.idx.msk [tilespmem:v56+s2+$0x0], $0xffff  }
0x108: {  	v2 =	vadd.f32 v3, v2;
	v3 =	vmul.f32 v60, v6  }
0x109: {  	v4 =	vld.idx.msk [tilespmem:v4+s2+$0x0], $0xffff  }
0x10a: {  	v2 =	vadd.f32 v3, v2;
	v3 =	vmul.f32 v61, v57;
	_ =	sdelay $0x1  }
0x10b: {  	v2 =	vadd.f32 v3, v2;
	v3 =	vmul.f32 v5, v58;
	_ =	sdelay $0x1  }
0x10c: {  	v2 =	vadd.f32 v3, v2;
	v3 =	vmul.f32 v4, v59;
	_ =	sdelay $0x1  }
0x10d: {  	v2 =	vadd.f32 v3, v2  }
0x10e: {  	s31 =	sadd.s32 $0x10, s26  }
0x10f: {  	[tilespmem:s31+$0x0] =	vst v2  }
0x110: {  	v2 =	vld [tilespmem:$0x12010];
	_ =	sdelay $0x6  }
0x111: {  	v5 =	vimm.f32 $3.100000000e+01;
	v3 =	vld [tilespmem:$0x12000]  }
0x112: {  	v4 =	vld [tilespmem:$0x12020];
	[tilespmem:v2+s21+$0x0] =	vst.idx.msk vm0, v5;
	v5 =	vimm.f32 $3.000000000e+01  }
0x113: {  	[tilespmem:v2+s21+$0x0] =	vst.idx.msk vm1, v5;
	v5 =	vimm.f32 $2.900000000e+01  }
0x114: {  	[tilespmem:v2+s21+$0x0] =	vst.idx.msk vm2, v5;
	v5 =	vimm.f32 $2.800000000e+01  }
0x115: {  	[tilespmem:v2+s21+$0x0] =	vst.idx.msk vm3, v5;
	v5 =	vimm.f32 $2.700000000e+01  }
0x116: {  	[tilespmem:v2+s21+$0x0] =	vst.idx.msk vm4, v5  }
0x117: {  	[tilespmem:v2+s21+$0x0] =	vst.idx.msk vm5, v7  }
0x118: {  	[tilespmem:v2+s21+$0x0] =	vst.idx.msk vm6, v8  }
0x119: {  	[tilespmem:v2+s21+$0x0] =	vst.idx.msk vm7, v9  }
0x11a: {  	[tilespmem:v2+s21+$0x0] =	vst.idx.msk vm8, v10  }
0x11b: {  	[tilespmem:v2+s21+$0x0] =	vst.idx.msk vm9, v11  }
0x11c: {  	[tilespmem:v2+s21+$0x0] =	vst.idx.msk vm10, v12  }
0x11d: {  	[tilespmem:v2+s21+$0x0] =	vst.idx.msk vm11, v13  }
0x11e: {  	[tilespmem:v2+s21+$0x0] =	vst.idx.msk vm12, v14  }
0x11f: {  	[tilespmem:v2+s21+$0x0] =	vst.idx.msk vm13, v15  }
0x120: {  	[tilespmem:v2+s21+$0x0] =	vst.idx.msk vm14, v16  }
0x121: {  	[tilespmem:v2+s21+$0x0] =	vst.idx.msk $0x1, v17  }
0x122: {  	[tilespmem:v3+s21+$0x0] =	vst.idx.msk vm0, v18  }
0x123: {  	[tilespmem:v3+s21+$0x0] =	vst.idx.msk vm1, v19  }
0x124: {  	[tilespmem:v3+s21+$0x0] =	vst.idx.msk vm2, v20  }
0x125: {  	[tilespmem:v3+s21+$0x0] =	vst.idx.msk vm3, v21  }
0x126: {  	[tilespmem:v3+s21+$0x0] =	vst.idx.msk vm4, v22  }
0x127: {  	[tilespmem:v3+s21+$0x0] =	vst.idx.msk vm5, v23  }
0x128: {  	[tilespmem:v3+s21+$0x0] =	vst.idx.msk vm6, v24  }
0x129: {  	[tilespmem:v3+s21+$0x0] =	vst.idx.msk vm7, v25  }
0x12a: {  	[tilespmem:v3+s21+$0x0] =	vst.idx.msk vm8, v26  }
0x12b: {  	[tilespmem:v3+s21+$0x0] =	vst.idx.msk vm9, v27  }
0x12c: {  	[tilespmem:v3+s21+$0x0] =	vst.idx.msk vm10, v28  }
0x12d: {  	[tilespmem:v3+s21+$0x0] =	vst.idx.msk vm11, v29  }
0x12e: {  	v5 =	vadd.s32 $0x1000, v3;
	[tilespmem:v3+s21+$0x0] =	vst.idx.msk vm12, v30  }
0x12f: {  	v6 =	vadd.s32 $0x2000, v3;
	[tilespmem:v3+s21+$0x0] =	vst.idx.msk vm13, v32  }
0x130: {  	v62 =	vadd.s32 $0x3000, v3;
	[tilespmem:v3+s21+$0x0] =	vst.idx.msk vm14, v33  }
0x131: {  	[tilespmem:v3+s21+$0x0] =	vst.idx.msk $0x1, v34  }
0x132: {  	v57 =	vld.idx.msk [tilespmem:v3+s2+$0x0], $0xffff  }
0x133: {  	v58 =	vld.idx.msk [tilespmem:v5+s2+$0x0], $0xffff  }
0x134: {  	v6 =	vld.idx.msk [tilespmem:v6+s2+$0x0], $0xffff  }
0x135: {  	v56 =	vld.idx.msk [tilespmem:v62+s2+$0x0], $0xffff  }
0x136: {  	v59 =	vld.idx.msk [tilespmem:v3+s17+$0x0], $0xffff  }
0x137: {  	v5 =	vld.idx.msk [tilespmem:v5+s17+$0x0], $0xffff  }
0x138: {  	v60 =	vld.idx.msk [tilespmem:v3+s19+$0x0], $0xffff  }
0x139: {  	v3 =	vld.idx.msk [tilespmem:v3+s22+$0x0], $0xffff;
	[tilespmem:v31+s23+$0x0] =	vst.idx.msk $0xffff, v57  }
0x13a: {  	[tilespmem:v35+s23+$0x0] =	vst.idx.msk $0xffff, v58  }
0x13b: {  	[tilespmem:v36+s23+$0x0] =	vst.idx.msk $0xffff, v6  }
0x13c: {  	[tilespmem:v37+s23+$0x0] =	vst.idx.msk $0xffff, v56  }
0x13d: {  	v6 =	vadd.s32 $0x1000, v2;
	[tilespmem:v38+s23+$0x0] =	vst.idx.msk $0xffff, v59  }
0x13e: {  	v63 =	vadd.s32 $0x3000, v2;
	[tilespmem:v39+s23+$0x0] =	vst.idx.msk $0xffff, v5  }
0x13f: {  	[tilespmem:v40+s23+$0x0] =	vst.idx.msk $0xffff, v60  }
0x140: {  	v5 =	vadd.s32 $0x2000, v2;
	[tilespmem:v41+s23+$0x0] =	vst.idx.msk $0xffff, v3  }
0x141: {  	v3 =	vld.idx.msk [tilespmem:v2+s2+$0x0], $0xffff  }
0x142: {  	v57 =	vld.idx.msk [tilespmem:v6+s2+$0x0], $0xffff  }
0x143: {  	v56 =	vld.idx.msk [tilespmem:v63+s2+$0x0], $0xffff  }
0x144: {  	v58 =	vld.idx.msk [tilespmem:v2+s17+$0x0], $0xffff  }
0x145: {  	v5 =	vld.idx.msk [tilespmem:v5+s2+$0x0], $0xffff  }
0x146: {  	v6 =	vld.idx.msk [tilespmem:v6+s17+$0x0], $0xffff  }
0x147: {  	v59 =	vld.idx.msk [tilespmem:v2+s19+$0x0], $0xffff  }
0x148: {  	v2 =	vld.idx.msk [tilespmem:v2+s22+$0x0], $0xffff;
	[tilespmem:v42+s23+$0x0] =	vst.idx.msk $0xffff, v3  }
0x149: {  	[tilespmem:v43+s23+$0x0] =	vst.idx.msk $0xffff, v57  }
0x14a: {  	[tilespmem:v44+s23+$0x0] =	vst.idx.msk $0xffff, v5  }
0x14b: {  	[tilespmem:v45+s23+$0x0] =	vst.idx.msk $0xffff, v56  }
0x14c: {  	v3 =	vadd.s32 $0x1000, v4;
	[tilespmem:v46+s23+$0x0] =	vst.idx.msk $0xffff, v58  }
0x14d: {  	v5 =	vadd.s32 $0x2000, v4;
	[tilespmem:v47+s23+$0x0] =	vst.idx.msk $0xffff, v6  }
0x14e: {  	[tilespmem:v48+s23+$0x0] =	vst.idx.msk $0xffff, v59  }
0x14f: {  	[tilespmem:v49+s23+$0x0] =	vst.idx.msk $0xffff, v2  }
0x150: {  	v6 =	vadd.s32 $0x3000, v4;
	v2 =	vld.idx.msk [tilespmem:v4+s2+$0x0], $0xffff  }
0x151: {  	v56 =	vld.idx.msk [tilespmem:v3+s2+$0x0], $0xffff  }
0x152: {  	v5 =	vld.idx.msk [tilespmem:v5+s2+$0x0], $0xffff  }
0x153: {  	v57 =	vld.idx.msk [tilespmem:v4+s17+$0x0], $0xffff  }
0x154: {  	v3 =	vld.idx.msk [tilespmem:v3+s17+$0x0], $0xffff  }
0x155: {  	v6 =	vld.idx.msk [tilespmem:v6+s2+$0x0], $0xffff  }
0x156: {  	v58 =	vld.idx.msk [tilespmem:v4+s19+$0x0], $0xffff  }
0x157: {  	v4 =	vld.idx.msk [tilespmem:v4+s22+$0x0], $0xffff;
	[tilespmem:v50+s23+$0x0] =	vst.idx.msk $0xffff, v2  }
0x158: {  	v2 =	vor.u32 $0x106, v31;
	[tilespmem:v51+s23+$0x0] =	vst.idx.msk $0xffff, v56  }
0x159: {  	[tilespmem:v52+s23+$0x0] =	vst.idx.msk $0xffff, v5;
	v5 =	vor.u32 $0x107, v31  }
0x15a: {  	[tilespmem:v53+s23+$0x0] =	vst.idx.msk $0xffff, v6  }
0x15b: {  	[tilespmem:v54+s23+$0x0] =	vst.idx.msk $0xffff, v57  }
0x15c: {  	[tilespmem:v55+s23+$0x0] =	vst.idx.msk $0xffff, v3  }
0x15d: {  	[tilespmem:v2+s23+$0x0] =	vst.idx.msk $0xffff, v58  }
0x15e: {  	[tilespmem:v5+s23+$0x0] =	vst.idx.msk $0xffff, v4  }
0x15f: {  	[hbm4b:s8+s12] =	stream.strided.scatter [tilespmem:s22], [sflag:$0x3], $0x1000, s13, s12, $0x38;
	[tilespmem:$0x13200] =	vst v63  }
0x160: {  	_ =	swait.ge [sflag:s18], $0x1000  }
0x161: {  	[sflag:s18] =	ssyncset.done $0x0  }
0x162: {  	[sflag:s18] =	ssyncadd.s32 $0xFFFFF000  }
0x163: {  	[hbm4b:s9+s12] =	stream.strided.scatter [tilespmem:s21], [sflag:$0x3], $0x1000, s13, s12, $0x38;
	[tilespmem:$0x13200] =	vst v63  }
0x164: {  	s24 =	sadd.s32 $0x1, s24;
	_ =	swait.ge [sflag:s18], $0x1000  }
0x165: {  	p0 =	sne.s32 s24, s11;
	[sflag:s18] =	ssyncset.done $0x0  }
.Ltmp2:
0x166: {  	[sflag:s18] =	ssyncadd.s32 $0xFFFFF000;
	(pc) =	sbr.rel @p0 .LBB2_1-.Ltmp2, $4  }
0x167: {  	[hbm4b:s10+s12] =	stream.strided.scatter [tilespmem:s23], [sflag:$0x3], $0x180, s13, s12, $0x38;
	[tilespmem:$0x13200] =	vst v63  }
0x168: {  	_ =	swait.ge [sflag:s18], $0x180  }
0x169: {  	[sflag:s18] =	ssyncset.done $0x0  }
0x16a: {  	[sflag:s18] =	ssyncadd.s32 $0xFFFFFE80  }
0x16b: {  	_ =	sfence.sel $0x180000  }
0x16c: {  	[bflag:$0x0] =	sbarrier.arrive $0xFFFF  }
0x16d: {  	_ =	strace $0x9000004A  }
0x16e: {  	[bflag:$0x2] =	sbarrier.arrive $0xFFFF  }
0x16f: {  	p0 =	sne.s32 s0, $0x0;
	s0 =	rddreg [dreg:$0x2]  }
0x170: {  	s0 =	sadd.s32 @!p0 $0x100000, s0  }
0x171: {  	[sflag:s0] =	ssyncadd.tile.s32 @!p0 $0x1;
	_ =	shalt  }
.Lfunc_end2:
_tile_overlayer_lowered:
.L_overlay_start_2:
0x172: {  	(tag) =	ssettag $0x2  }
0x173: {  	s0 =	rddreg [dreg:$0x0];
	s2 =	stileid.u32  }
0x174: {  	s1 =	rddreg [dreg:$0x1];
	p0 =	sne.s32 s2, $0x0  }
0x175: {  	s3 =	rddreg [dreg:$0x2];
	[bflag:$0x3] =	sbarrier.arrive $0xFFFF;
	s2 =	simm.s32 @!p0 $0x1C03  }
0x176: {  	[timem:s3], [sflag:s2] =	dma.local @!p0 [hbm:s0], s1  }
0x177: {  	s0 =	simm.s32 @!p0 $0x3  }
0x178: {  	_ =	swait.ge @!p0 [sflag:s0], s1  }
0x179: {  	s1 =	ssub.s32 @!p0 $0x0, s1;
	[sflag:s0] =	ssyncset.done @!p0 $0x0  }
0x17a: {  	[sflag:s0] =	ssyncadd.s32 @!p0 s1  }
0x17b: {  	[bflag:$0x3] =	sbarrier.arrive $0xFFFF  }
0x17c: {  	_ =	shalt  }

// kernel: kernel.9.cloned.1.call-start
scs
__scs_entry_jumppad:
0x0: {  	(pc) =	sbr.rel $0x88, $3  }
0x1: {  	(tag) =	ssettag $0x0;
	lr =	simm.s32 $0x1  }
0x2: {  	[smem:$0x3F96] =	sst lr;
	_ =	strace $0xD0000000  }
0x3: {  	_ = 	snop  }
0x4: {  	_ = 	snop  }
0x5: {  	_ = 	snop  }
0x6: {  	_ = 	snop  }
0x7: {  	_ = 	snop  }
__scs_overlays_trampoline_lowered:
0x8: {  	[smem:$0x3FA5] =	sst s0  }
0x9: {  	[smem:$0x3FA6] =	sst s1  }
0xa: {  	[smem:$0x3FA7] =	sst s2  }
0xb: {  	[smem:$0x3FA8] =	sst s3  }
0xc: {  	[smem:$0x3FA9] =	sst s4  }
0xd: {  	[smem:$0x3FAA] =	sst s5  }
0xe: {  	[smem:$0x3FAB] =	sst s6  }
0xf: {  	[smem:$0x3FAC] =	sst s7  }
0x10: {  	[smem:$0x3FAD] =	sst s8  }
0x11: {  	[smem:$0x3FAE] =	sst s9;
	s0 =	simm.s32 @!p0 $0x0  }
0x12: {  	s1 =	sld [smem:$0x3F94];
	s0 =	simm.s32 @p0 $0x1  }
0x13: {  	[smem:$0x3FAF] =	sst s0;
	s0 =	simm.s32 @!p1 $0x0  }
0x14: {  	s2 =	sld [smem:$0x3F93];
	s0 =	simm.s32 @p1 $0x1  }
0x15: {  	[smem:$0x3FB0] =	sst s0;
	s0 =	simm.s32 @!p2 $0x0  }
0x16: {  	s3 =	sld [smem:$0x3FDB];
	s0 =	simm.s32 @p2 $0x1  }
0x17: {  	s4 =	simm.s32 $0x1BF5;
	[smem:$0x3FB2] =	sst s0  }
0x18: {  	s0 =	sld [smem:$0x3F95];
	_ =	swait.ge [sflag:s4], $0x0  }
0x19: {  	s7 =	sld [smem:$0x3F96]  }
0x1a: {  	s8 =	sadd.s32 $0xFFFFE003, lr  }
0x1b: {  	s9 =	sadd.s32 $0xFFFFFEF7, lr;
	s5 =	simm.s32 $0xFFFFFFFF;
	p2 =	slt.u32 s8, $0xFFFFF086  }
0x1c: {  	p1 =	slt.u32 s9, $0xF7A;
	s5 =	simm.s32 @!p2 $0x0  }
0x1d: {  	s5 =	simm.s32 @p1 $0x1;
	p0 =	seq.s32 s7, s2  }
0x1e: {  	s7 =	smul.u32 @!p0 $0xF7A, s2;
	p2 =	seq.s32 @!p0 s5, $0x0  }
0x1f: {  	s9 =	smul.u32 $0xF7A, s1;
	s8 =	simm.s32 @!p0 $0x1BF5;
	p2 =	por !p2, p0  }
0x20: {  	[sflag:s8] =	ssyncset.s32 @!p0 $0xFFFFF086;
	s6 =	sadd.s32 @!p0 s3, s7;
	s7 =	simm.s32 @!p0 $0x108  }
0x21: {  	s3 =	sadd.s32 s3, s9;
	s6 =	sadd.s32 @!p0 $0x88, s6;
	s7 =	simm.s32 @p2 $0x1082  }
0x22: {  	[simem:s7], [sflag:s8] =	dma.local @!p0 [hbm:s6], $0xF7A  }
0x23: {  	s9 =	sor.u32 $0xD0000000, s2;
	s6 =	simm.s32 $0x108;
	_ =	swait.ge @!p0 [sflag:s8], $0x0  }
0x24: {  	s3 =	sadd.s32 $0x88, s3;
	s6 =	simm.s32 @!p1 $0x1082;
	[sflag:s4] =	ssyncset.s32 $0xFFFFF086  }
0x25: {  	[simem:s6], [sflag:s4] =	dma.local [hbm:s3], $0xF7A  }
0x26: {  	[smem:$0x3F96] =	sst s1;
	(tag) =	ssettag s2;
	_ =	strace s9  }
0x27: {  	s1 =	sld [smem:$0x3FA6]  }
0x28: {  	s2 =	sld [smem:$0x3FA7]  }
0x29: {  	s4 =	sld [smem:$0x3FA9]  }
0x2a: {  	p0 =	seq.s32 s5, $0x0;
	s5 =	sld [smem:$0x3FAA]  }
0x2b: {  	s6 =	sld [smem:$0x3FAB]  }
0x2c: {  	s7 =	sld [smem:$0x3FAC]  }
0x2d: {  	s3 =	simm.s32 $0x108;
	s8 =	sld [smem:$0x3FAD]  }
0x2e: {  	s3 =	simm.s32 @!p0 $0x1082;
	s9 =	sld [smem:$0x3FAE]  }
0x2f: {  	lr =	sadd.s32 s0, s3;
	s0 =	sld [smem:$0x3FA5]  }
0x30: {  	s3 =	sld [smem:$0x3FA8]  }
0x31: {  	[smem:$0x3FB1] =	sst s10  }
0x32: {  	s10 =	sld [smem:$0x3FAF];
	_ =	sdelay $0x3  }
0x33: {  	p0 =	seq.s32 s10, $0x1;
	s10 =	sld [smem:$0x3FB1];
	_ =	sdelay $0x3  }
0x34: {  	[smem:$0x3FB1] =	sst s10  }
0x35: {  	s10 =	sld [smem:$0x3FB0];
	_ =	sdelay $0x3  }
0x36: {  	p1 =	seq.s32 s10, $0x1;
	s10 =	sld [smem:$0x3FB1];
	_ =	sdelay $0x3  }
0x37: {  	[smem:$0x3FB1] =	sst s10  }
0x38: {  	s10 =	sld [smem:$0x3FB2]  }
0x39: {  	_ = 	snop;
	(pc) =	sbr.ind lr, $3  }
0x3a: {  	_ = 	snop  }
0x3b: {  	_ = 	snop  }
0x3c: {  	p2 =	seq.s32 s10, $0x1;
	s10 =	sld [smem:$0x3FB1]  }
0x3d: {  	_ =	shalt  }
0x3e: {  	_ =	shalt  }
0x3f: {  	_ =	shalt  }
0x40: {  	_ =	shalt  }
0x41: {  	_ =	shalt  }
0x42: {  	_ =	shalt  }
0x43: {  	_ =	shalt  }
0x44: {  	_ =	shalt  }
0x45: {  	_ =	shalt  }
0x46: {  	_ =	shalt  }
0x47: {  	_ =	shalt  }
0x48: {  	_ =	shalt  }
0x49: {  	_ =	shalt  }
0x4a: {  	_ =	shalt  }
0x4b: {  	_ =	shalt  }
0x4c: {  	_ =	shalt  }
0x4d: {  	_ =	shalt  }
0x4e: {  	_ =	shalt  }
0x4f: {  	_ =	shalt  }
0x50: {  	_ =	shalt  }
0x51: {  	_ =	shalt  }
0x52: {  	_ =	shalt  }
0x53: {  	_ =	shalt  }
0x54: {  	_ =	shalt  }
0x55: {  	_ =	shalt  }
0x56: {  	_ =	shalt  }
0x57: {  	_ =	shalt  }
0x58: {  	_ =	shalt  }
0x59: {  	_ =	shalt  }
0x5a: {  	_ =	shalt  }
0x5b: {  	_ =	shalt  }
0x5c: {  	_ =	shalt  }
0x5d: {  	_ =	shalt  }
0x5e: {  	_ =	shalt  }
0x5f: {  	_ =	shalt  }
0x60: {  	_ =	shalt  }
0x61: {  	_ =	shalt  }
0x62: {  	_ =	shalt  }
0x63: {  	_ =	shalt  }
0x64: {  	_ =	shalt  }
0x65: {  	_ =	shalt  }
0x66: {  	_ =	shalt  }
0x67: {  	_ =	shalt  }
0x68: {  	_ =	shalt  }
0x69: {  	_ =	shalt  }
0x6a: {  	_ =	shalt  }
0x6b: {  	_ =	shalt  }
0x6c: {  	_ =	shalt  }
0x6d: {  	_ =	shalt  }
0x6e: {  	_ =	shalt  }
0x6f: {  	_ =	shalt  }
0x70: {  	_ =	shalt  }
0x71: {  	_ =	shalt  }
0x72: {  	_ =	shalt  }
0x73: {  	_ =	shalt  }
0x74: {  	_ =	shalt  }
0x75: {  	_ =	shalt  }
0x76: {  	_ =	shalt  }
0x77: {  	_ =	shalt  }
0x78: {  	_ =	shalt  }
0x79: {  	_ =	shalt  }
0x7a: {  	_ =	shalt  }
0x7b: {  	_ =	shalt  }
0x7c: {  	_ =	shalt  }
0x7d: {  	_ =	shalt  }
0x7e: {  	_ =	shalt  }
0x7f: {  	_ =	shalt  }
0x80: {  	_ =	shalt  }
0x81: {  	_ =	shalt  }
0x82: {  	_ =	shalt  }
0x83: {  	_ =	shalt  }
0x84: {  	_ =	shalt  }
0x85: {  	_ =	shalt  }
0x86: {  	_ =	shalt  }
0x87: {  	_ =	shalt  }
.Lfunc_end0:
.L_simem_size_0:
called_computation.1_lowered:
.L_overlay_start_0:
0x88: {  	s2 =	sld [smem:$0x3FD9]  }
0x89: {  	s3 =	sld [smem:$0x3FFE];
	_ =	sdelay $0x1  }
0x8a: {  	s1 =	srdreg.scid  }
0x8b: {  	s0 =	sand.u32 $0x1, s1  }
0x8c: {  	s16 =	sshll.u32 s0, $0xA;
	s2 =	sadd.s32 s3, s2  }
0x8d: {  	s2 =	sadd.s32 s2, s16  }
0x8e: {  	[smem:$0x3FBD] =	sst s2  }
0x8f: {  	_ = 	snop  }
0x90: {  	(tm) =	ssettm $0x1  }
0x91: {  	s17 =	sld [smem:$0x3FFB];
	_ =	sdelay $0x3  }
0x92: {  	_ =	strace s17  }
0x93: {  	s2 =	sld [smem:$0x3FFC];
	_ =	sdelay $0x3  }
0x94: {  	_ =	strace s2  }
0x95: {  	s2 =	sld [smem:$0x3FFD];
	_ =	sdelay $0x3  }
0x96: {  	_ =	strace s2  }
0x97: {  	_ =	strace $0x8FFFFFFF  }
0x98: {  	s18 =	sld [smem:$0x3FDB];
	_ =	sdelay $0x1  }
0x99: {  	s19 =	simm.s32 $_scs_section_size  }
0x9a: {  	s4 =	simm.s32 $_size__tile_overlayer_lowered;
	s5 =	simm.s32 $_tile_overlayer_lowered  }
0x9b: {  	s22 =	simm.s32 $0x1BFF;
	s21 =	sshll.u32 s5, $0x1;
	s2 =	sadd.s32 s19, s18  }
0x9c: {  	s6 =	simm.s32 $0x0;
	s20 =	sshll.u32 s4, $0x1;
	s4 =	sadd.s32 s21, s2  }
0x9d: {  	[timem:s6], [sflag:s22] =	dma.local [hbm:s4], s20  }
0x9e: {  	_ =	swait.ge [sflag:s22], s20  }
0x9f: {  	s3 =	ssub.s32 $0x0, s20;
	[sflag:s22] =	ssyncset.done $0x0  }
0xa0: {  	[sflag:s22] =	ssyncadd.s32 s3;
	_ =	sdelay $0x1  }
0xa1: {  	s23 =	simm.s32 $0x1B8B  }
0xa2: {  	_ =	swait.ge [sflag:s23], $0x1  }
0xa3: {  	[sflag:s23] =	ssyncset.done $0x0  }
0xa4: {  	s25 =	simm.s32 $0x1B8E;
	s24 =	sld [smem:$0x3FFE];
	[sflag:s23] =	ssyncadd.s32 $0xFFFFFFFF  }
0xa5: {  	s26 =	simm.s32 $execute0_lowered;
	[smem:$0x3FD2] =	sst s25  }
0xa6: {  	s4 =	sshll.u32 s26, $0x1;
	_ =	strace $0x80000046;
	[dreg:$0x1] =	wrdreg $0xFFFFFFFF  }
0xa7: {  	s28 =	simm.s32 $_size_execute0_lowered;
	s2 =	sadd.s32 s2, s4;
	[dreg:$0x0] =	wrdreg $0x0  }
0xa8: {  	s4 =	sshll.u32 s28, $0x1;
	[dreg:$0x2] =	wrdreg s2  }
0xa9: {  	[dreg:$0x3] =	wrdreg s4  }
0xaa: {  	[dreg:$0x4] =	wrdreg $0xC0  }
0xab: {  	_ =	task [dreg:s6], $0x5FFFF  }
0xac: {  	[dreg:$0x1] =	wrdreg $0xFFFFFFFF  }
0xad: {  	[dreg:$0x0] =	wrdreg $0x60  }
0xae: {  	[dreg:$0x2] =	wrdreg s24  }
0xaf: {  	[dreg:$0x3] =	wrdreg $0xA  }
0xb0: {  	_ =	task.clear_ibuf [dreg:s6], $0x4FFFF;
	_ =	strace $0x90000046  }
0xb1: {  	s29 =	simm.s32 $0xA;
	_ =	strace $0x80000048  }
0xb2: {  	_ =	swait.ge [sflag:s29], $0x1  }
0xb3: {  	[sflag:s29] =	ssyncadd.s32 $0xFFFFFFFF  }
0xb4: {  	_ =	strace $0x90000048  }
0xb5: {  	_ =	sfence  }
0xb6: {  	s30 =	sld [smem:$0x0];
	_ =	sdelay $0x2  }
0xb7: {  	s31 =	sshll.u32 s1, $0xD;
	s1 =	sshrl.u32 s1, $0x2  }
0xb8: {  	s3 =	sand.u32 $0x4000, s31;
	s1 =	sadd.s32 s1, s30  }
0xb9: {  	s0 =	sor.u32 s3, s0;
	s1 =	sshll.u32 s1, $0x11  }
0xba: {  	s0 =	sor.u32 s1, s0  }
0xbb: {  	s0 =	sadd.s32 $0x8F2B, s0  }
0xbc: {  	[sflag:s0] =	ssyncadd.remote.s32 $0x1  }
0xbd: {  	_ =	sfence.sel $0xFFFF  }
0xbe: {  	[dreg:$0x0] =	wrdreg $0xFFFFFFFF;
	(pc) =	sbr.abs _section_cstart, $3  }
0xbf: {  	[dreg:$0x1] =	wrdreg $0xFFFFFFFF  }
0xc0: {  	_ =	task.clear_ibuf [dreg:s6], $0x2FFFF;
	_ =	strace $0x9FFFFFFF  }
0xc1: {  	(tm) =	ssettm $0x7FFFFFFF  }
tec
execute0_lowered:
.L_overlay_start_1:
0x0: {  	(tag) =	ssettag $0x1  }
0x1: {  	v31 =	vlaneseq.u32  }
0x2: {  	v1 =	vimm.f32 $1.000000000e+09;
	vm0 =	vcmask $0x3F3C;
	vm1 =	vcmask $0x3B38  }
0x3: {  	s0 =	srdreg.scid;
	vm2 =	vcmask $0x3734;
	vm3 =	vcmask $0x3330;
	vm4 =	vcmask $0x2F2C  }
0x4: {  	s3 =	rddreg [dreg:$0x0];
	vm5 =	vcmask $0x2B28;
	v7 =	vimm.f32 $2.600000000e+01;
	vm6 =	vcmask $0x2724;
	s14 =	simm.s32 $0x4000;
	s15 =	simm.s32 $0x1  }
0x5: {  	v8 =	vimm.f32 $2.500000000e+01;
	vm7 =	vcmask $0x2320;
	v9 =	vimm.f32 $2.400000000e+01;
	s16 =	simm.s32 $0x2;
	s17 =	simm.s32 $0xF000;
	s18 =	simm.s32 $0x3  }
0x6: {  	vm8 =	vcmask $0x1F1C;
	v10 =	vimm.f32 $2.300000000e+01;
	vm9 =	vcmask $0x1B18;
	s19 =	simm.s32 $0x11000;
	s20 =	simm.s32 $0x12000;
	s21 =	simm.s32 $0x12080  }
0x7: {  	v11 =	vimm.f32 $2.200000000e+01;
	vm10 =	vcmask $0x1714;
	v12 =	vimm.f32 $2.100000000e+01;
	s22 =	simm.s32 $0xE000;
	s23 =	simm.s32 $0x13080;
	s4 =	sand.u32 $0x1, s0  }
0x8: {  	vm11 =	vcmask $0x1310;
	v13 =	vimm.f32 $2.000000000e+01;
	vm12 =	vcmask $0xF0C;
	s24 =	simm.s32 $0x0;
	s0 =	stileid.u32;
	s1 =	sshll.u32 s4, $0x4  }
0x9: {  	v14 =	vimm.f32 $1.900000000e+01;
	vm13 =	vcmask $0xB08;
	v15 =	vimm.f32 $1.800000000e+01;
	s6 =	sshll.u32 s0, $0x7;
	s4 =	ssub.s32 $0x2, s4;
	s2 =	sor.u32 s0, s1  }
0xa: {  	vm14 =	vcmask $0x704;
	v16 =	vimm.f32 $1.700000000e+01;
	v17 =	vimm.f32 $1.600000000e+01;
	s6 =	sand.u32 $0x380, s6;
	s31 =	sshrl.u32 s4, $0x1;
	s5 =	sshrl.u32 s2, $0x3  }
0xb: {  	v18 =	vimm.f32 $1.500000000e+01;
	v19 =	vimm.f32 $1.400000000e+01;
	v20 =	vimm.f32 $1.300000000e+01;
	s2 =	simm.s32 $0x0;
	s13 =	ssub.s32 s4, s31;
	s7 =	sshll.u32 s5, $0x11  }
0xc: {  	v21 =	vimm.f32 $1.200000000e+01;
	v22 =	vimm.f32 $1.100000000e+01;
	v23 =	vimm.f32 $1.000000000e+01;
	[smem:$0x7FF] =	sst s2;
	s8 =	smul.u32 $0x28000, s5;
	s9 =	sshll.u32 s5, $0x10  }
0xd: {  	v24 =	vimm.f32 $9.000000000e+00;
	v25 =	vimm.f32 $8.000000000e+00;
	v26 =	vimm.f32 $7.000000000e+00;
	s10 =	sshll.u32 s5, $0xA;
	s11 =	sshll.u32 s5, $0xF;
	s5 =	smul.u32 $0xC00, s5  }
0xe: {  	v27 =	vimm.f32 $6.000000000e+00;
	v28 =	vimm.f32 $5.000000000e+00;
	v29 =	vimm.f32 $4.000000000e+00;
	s7 =	sor.u32 s6, s7;
	_ =	strace $0x80000047;
	s9 =	sor.u32 s6, s9  }
0xf: {  	v30 =	vimm.f32 $3.000000000e+00;
	v0 =	vmul.u32 $0x5, v31;
	v31 =	vmul.u32 $0x8, v31;
	s10 =	sor.u32 s6, s10;
	s11 =	sor.u32 s6, s11;
	s7 =	sshrl.u32 s7, $0x3  }
0x10: {  	v32 =	vimm.f32 $2.000000000e+00;
	v33 =	vimm.f32 $1.000000000e+00;
	v34 =	vimm.f32 $0.0e+00;
	s8 =	sor.u32 s6, s8;
	s9 =	sshrl.u32 s9, $0x3;
	s10 =	sshrl.u32 s10, $0x3  }
0x11: {  	v35 =	vor.u32 $0x1, v31;
	v36 =	vor.u32 $0x2, v31;
	v37 =	vor.u32 $0x3, v31;
	s11 =	sshrl.u32 s11, $0x3;
	s5 =	sor.u32 s6, s5;
	s7 =	sadd.s32 s7, s3  }
0x12: {  	v38 =	vor.u32 $0x4, v31;
	v39 =	vor.u32 $0x5, v31;
	v40 =	vor.u32 $0x6, v31;
	s8 =	sshrl.u32 s8, $0x3;
	s9 =	sadd.s32 s9, s3;
	s10 =	sadd.s32 s10, s3  }
0x13: {  	v41 =	vor.u32 $0x7, v31;
	v42 =	vor.u32 $0x80, v31;
	v43 =	vor.u32 $0x81, v31;
	s11 =	sadd.s32 s11, s3;
	s5 =	sshrl.u32 s5, $0x3;
	s8 =	sadd.s32 s8, s3  }
0x14: {  	v44 =	vor.u32 $0x82, v31;
	v45 =	vor.u32 $0x83, v31;
	v46 =	vor.u32 $0x84, v31;
	s12 =	sadd.s32 s5, s3;
	s3 =	sadd.s32 $0x3A00, s7;
	s5 =	sadd.s32 $0x27A00, s9  }
0x15: {  	v47 =	vor.u32 $0x85, v31;
	v48 =	vor.u32 $0x86, v31;
	v49 =	vor.u32 $0x87, v31;
	s6 =	sadd.s32 $0x2FA00, s11;
	s7 =	sadd.s32 $0x37A00, s10;
	s9 =	sadd.s32 $0x3BC00, s11  }
0x16: {  	v50 =	vor.u32 $0x100, v31;
	v51 =	vor.u32 $0x101, v31;
	v52 =	vor.u32 $0x102, v31;
	s4 =	sadd.s32 $0x13A00, s8;
	s8 =	sadd.s32 $0x37C00, s11;
	s10 =	sadd.s32 $0x3FC00, s12  }
0x17: {  	v53 =	vor.u32 $0x103, v31;
	v54 =	vor.u32 $0x104, v31;
	v55 =	vor.u32 $0x105, v31;
	s11 =	smax.u32 s13, $0x1;
	s12 =	simm.s32 $0x80;
	s13 =	simm.s32 $0x400  }
.LBB2_1:
0x18: {  	[tilespmem:s2], [sflag:$0x1] =	stream.strided.gather [hbm4b:s3+s12], $0x4000, s13, s12, $0x38;
	[tilespmem:$0x13200] =	vst v63  }
0x19: {  	_ = 	snop  }
0x1a: {  	[tilespmem:s14], [sflag:$0x2] =	stream.strided.gather [hbm4b:s4+s12], $0x5000, s13, s12, $0x38;
	[tilespmem:$0x13200] =	vst v63  }
0x1b: {  	_ =	swait.ge [sflag:s15], $0x4000  }
0x1c: {  	[sflag:s15] =	ssyncset.done $0x0  }
0x1d: {  	[sflag:s15] =	ssyncadd.s32 $0xFFFFC000  }
0x1e: {  	_ =	swait.ge [sflag:s16], $0x5000  }
0x1f: {  	[sflag:s16] =	ssyncset.done $0x0  }
0x20: {  	[sflag:s16] =	ssyncadd.s32 $0xFFFFB000  }
0x21: {  	[tilespmem:s17], [sflag:$0x3] =	stream.strided.gather [hbm4b:s5+s12], $0x2000, s13, s12, $0x38;
	[tilespmem:$0x13200] =	vst v63  }
0x22: {  	_ =	swait.ge [sflag:s18], $0x2000  }
0x23: {  	[sflag:s18] =	ssyncset.done $0x0  }
0x24: {  	[sflag:s18] =	ssyncadd.s32 $0xFFFFE000  }
0x25: {  	[tilespmem:s19], [sflag:$0x3] =	stream.strided.gather [hbm4b:s6+s12], $0x1000, s13, s12, $0x38;
	[tilespmem:$0x13200] =	vst v63  }
0x26: {  	_ =	swait.ge [sflag:s18], $0x1000  }
0x27: {  	s25 =	simm.s32 $0x0;
	[sflag:s18] =	ssyncset.done $0x0  }
0x28: {  	v56 =	vadd.s32 s25, v0;
	[sflag:s18] =	ssyncadd.s32 $0xFFFFF000  }
0x29: {  	[tilespmem:s20], [sflag:$0x3] =	stream.linear.gather [hbm4b:s7+s2], $0x80, $0x38;
	[tilespmem:$0x13200] =	vst v63  }
0x2a: {  	_ =	swait.ge [sflag:s18], $0x80  }
0x2b: {  	[sflag:s18] =	ssyncset.done $0x0  }
0x2c: {  	[sflag:s18] =	ssyncadd.s32 $0xFFFFFF80  }
0x2d: {  	s26 =	simm.s32 $0x1;
	v56 =	vld.idx.msk [tilespmem:v56+s14+$0x0], $0xffff  }
0x2e: {  	v57 =	vadd.s32 s26, v0;
	_ =	sdelay $0x2  }
0x2f: {  	s1 =	simm.s32 $0x9000  }
0x30: {  	[tilespmem:s1+$0x0] =	vst v56  }
0x31: {  	s26 =	simm.s32 $0x2;
	v56 =	vld.idx.msk [tilespmem:v57+s14+$0x0], $0xffff  }
0x32: {  	v60 =	vadd.s32 s26, v0;
	_ =	sdelay $0x2  }
0x33: {  	s25 =	sand.u32 $0xFF0, s2  }
0x34: {  	[tilespmem:s25+$0xA000] =	vst v56  }
0x35: {  	s26 =	simm.s32 $0x3;
	v56 =	vld.idx.msk [tilespmem:v60+s14+$0x0], $0xffff  }
0x36: {  	v61 =	vadd.s32 s26, v0;
	_ =	sdelay $0x3  }
0x37: {  	[tilespmem:s25+$0xB000] =	vst v56  }
0x38: {  	s1 =	simm.s32 $0x4;
	v56 =	vld.idx.msk [tilespmem:v61+s14+$0x0], $0xffff  }
0x39: {  	v62 =	vadd.s32 s1, v0;
	_ =	sdelay $0x3  }
0x3a: {  	[tilespmem:s25+$0xC000] =	vst v56  }
0x3b: {  	v56 =	vld.idx.msk [tilespmem:v62+s14+$0x0], $0xffff  }
0x3c: {  	s1 =	simm.s32 $0x50  }
0x3d: {  	v63 =	vadd.s32 s1, v0;
	_ =	sdelay $0x2  }
0x3e: {  	[tilespmem:s25+$0xD000] =	vst v56  }
0x3f: {  	[tilespmem:s21+$0x0] =	vst v1  }
0x40: {  	s26 =	simm.s32 $0x51;
	v56 =	vld.idx.msk [tilespmem:v63+s14+$0x0], $0xffff  }
0x41: {  	v60 =	vadd.s32 s26, v0;
	_ =	sdelay $0x2  }
0x42: {  	s25 =	simm.s32 $0x9010  }
0x43: {  	[tilespmem:s25+$0x0] =	vst v56  }
0x44: {  	s1 =	simm.s32 $0x52;
	v56 =	vld.idx.msk [tilespmem:v60+s14+$0x0], $0xffff  }
0x45: {  	v61 =	vadd.s32 s1, v0;
	_ =	sdelay $0x1  }
0x46: {  	s26 =	simm.s32 $0x10  }
0x47: {  	s31 =	sand.u32 $0xFF0, s26  }
0x48: {  	[tilespmem:s31+$0xA000] =	vst v56  }
0x49: {  	s28 =	simm.s32 $0x53;
	v56 =	vld.idx.msk [tilespmem:v61+s14+$0x0], $0xffff  }
0x4a: {  	v62 =	vadd.s32 s28, v0;
	_ =	sdelay $0x3  }
0x4b: {  	[tilespmem:s31+$0xB000] =	vst v56  }
0x4c: {  	s28 =	simm.s32 $0x54;
	v56 =	vld.idx.msk [tilespmem:v62+s14+$0x0], $0xffff  }
0x4d: {  	v63 =	vadd.s32 s28, v0;
	_ =	sdelay $0x3  }
0x4e: {  	[tilespmem:s31+$0xC000] =	vst v56  }
0x4f: {  	v57 =	vld.idx.msk [tilespmem:v63+s14+$0x0], $0xffff  }
0x50: {  	s29 =	simm.s32 $0xA0  }
0x51: {  	s30 =	simm.s32 $0xF4;
	s28 =	simm.s32 $0xA4;
	v56 =	vadd.s32 s29, v0;
	s29 =	simm.s32 $0x12080  }
.LBB2_2:
0x52: {  	p0 =	sne.s32 s30, $0x4FB4;
	_ =	sdelay $0x1  }
0x53: {  	s29 =	sadd.s32 $0x10, s29;
	[tilespmem:s31+$0xD000] =	vst v57  }
0x54: {  	[tilespmem:s29+$0x0] =	vst v1  }
0x55: {  	v56 =	vld.idx.msk [tilespmem:v56+s14+$0x0], $0xffff  }
0x56: {  	s31 =	sadd.s32 $0xFFFFFFFD, s28  }
0x57: {  	v57 =	vadd.s32 s31, v0;
	_ =	sdelay $0x2  }
0x58: {  	s25 =	sadd.s32 $0x10, s25  }
0x59: {  	[tilespmem:s25+$0x0] =	vst v56  }
0x5a: {  	v56 =	vld.idx.msk [tilespmem:v57+s14+$0x0], $0xffff  }
0x5b: {  	s31 =	sadd.s32 $0xFFFFFFFE, s28  }
0x5c: {  	v57 =	vadd.s32 s31, v0;
	_ =	sdelay $0x1  }
0x5d: {  	s26 =	sadd.s32 $0x10, s26  }
0x5e: {  	s31 =	sand.u32 $0xFF0, s26  }
0x5f: {  	[tilespmem:s31+$0xA000] =	vst v56  }
0x60: {  	v56 =	vld.idx.msk [tilespmem:v57+s14+$0x0], $0xffff  }
0x61: {  	s1 =	sadd.s32 $0xFFFFFFFF, s28  }
0x62: {  	v57 =	vadd.s32 s1, v0;
	_ =	sdelay $0x3  }
0x63: {  	[tilespmem:s31+$0xB000] =	vst v56  }
0x64: {  	v56 =	vld.idx.msk [tilespmem:v57+s14+$0x0], $0xffff;
	_ =	sdelay $0x1  }
0x65: {  	v57 =	vadd.s32 s28, v0;
	s28 =	smov.u32 s30;
	_ =	sdelay $0x3  }
.Ltmp0:
0x66: {  	[tilespmem:s31+$0xC000] =	vst v56;
	(pc) =	sbr.rel @p0 .LBB2_2-.Ltmp0, $3  }
0x67: {  	v57 =	vld.idx.msk [tilespmem:v57+s14+$0x0], $0xffff;
	_ =	sdelay $0x1  }
0x68: {  	s1 =	sadd.s32 $0xFFFFFFFC, s30  }
0x69: {  	s30 =	sadd.s32 $0x50, s30;
	v56 =	vadd.s32 s1, v0  }
0x6a: {  	_ =	sdelay $0x1  }
0x6b: {  	s1 =	sadd.s32 $0x10, s29;
	[tilespmem:s31+$0xD000] =	vst v57  }
0x6c: {  	[tilespmem:s1+$0x0] =	vst v1  }
0x6d: {  	s29 =	sadd.s32 $0xFFFFFFFD, s28;
	v56 =	vld.idx.msk [tilespmem:v56+s14+$0x0], $0xffff  }
0x6e: {  	v60 =	vadd.s32 s29, v0;
	_ =	sdelay $0x2  }
0x6f: {  	s25 =	sadd.s32 $0x10, s25  }
0x70: {  	[tilespmem:s25+$0x0] =	vst v56  }
0x71: {  	s31 =	sadd.s32 $0xFFFFFFFE, s28;
	v56 =	vld.idx.msk [tilespmem:v60+s14+$0x0], $0xffff  }
0x72: {  	v61 =	vadd.s32 s31, v0;
	_ =	sdelay $0x1  }
0x73: {  	s26 =	sadd.s32 $0x10, s26  }
0x74: {  	s25 =	sand.u32 $0xFF0, s26  }
0x75: {  	[tilespmem:s25+$0xA000] =	vst v56  }
0x76: {  	s31 =	sadd.s32 $0xFFFFFFFF, s28;
	v56 =	vld.idx.msk [tilespmem:v61+s14+$0x0], $0xffff  }
0x77: {  	v62 =	vadd.s32 s31, v0;
	_ =	sdelay $0x3  }
0x78: {  	[tilespmem:s25+$0xB000] =	vst v56  }
0x79: {  	v56 =	vld.idx.msk [tilespmem:v62+s14+$0x0], $0xffff  }
0x7a: {  	v63 =	vadd.s32 s28, v0;
	_ =	sdelay $0x3  }
0x7b: {  	[tilespmem:s25+$0xC000] =	vst v56  }
0x7c: {  	v56 =	vld.idx.msk [tilespmem:v63+s14+$0x0], $0xffff;
	_ =	sdelay $0x4  }
0x7d: {  	s1 =	sadd.s32 $0x10, s1;
	[tilespmem:s25+$0xD000] =	vst v56  }
0x7e: {  	s26 =	simm.s32 $0xB000;
	[tilespmem:s1+$0x0] =	vst v1  }
0x7f: {  	v56 =	vld [tilespmem:s26+$0xFFFFE000];
	_ =	sdelay $0x4  }
0x80: {  	v57 =	vadd.s32 $0x1000, v56  }
0x81: {  	s25 =	simm.s32 $0x2000;
	v59 =	vld [tilespmem:s26+$0xFFFFF000]  }
0x82: {  	v61 =	vld [tilespmem:s25+$0xFFFFE000];
	v58 =	vadd.s32 $0x2000, v56  }
0x83: {  	v60 =	vld.idx.msk [tilespmem:v56+s2+$0x0], $0xffff  }
0x84: {  	v62 =	vld [tilespmem:s25+$0xFFFFF000];
	v56 =	vadd.s32 $0x3000, v56  }
0x85: {  	v57 =	vld.idx.msk [tilespmem:v57+s2+$0x0], $0xffff  }
0x86: {  	v63 =	vld [tilespmem:s25+$0x0]  }
0x87: {  	v58 =	vld.idx.msk [tilespmem:v58+s2+$0x0], $0xffff  }
0x88: {  	v2 =	vld [tilespmem:s25+$0x1000];
	v3 =	vadd.s32 $0x1000, v59;
	v60 =	vmul.f32 v60, v61  }
0x89: {  	v56 =	vld.idx.msk [tilespmem:v56+s2+$0x0], $0xffff  }
0x8a: {  	v5 =	vld [tilespmem:s26+$0x0];
	v4 =	vadd.s32 $0x2000, v59;
	v60 =	vadd.f32 $0.0e+00, v60;
	v57 =	vmul.f32 v57, v62  }
0x8b: {  	v6 =	vld.idx.msk [tilespmem:v59+s2+$0x0], $0xffff  }
0x8c: {  	v59 =	vadd.s32 $0x3000, v59;
	v58 =	vmul.f32 v58, v63;
	v57 =	vadd.f32 v57, v60  }
0x8d: {  	v3 =	vld.idx.msk [tilespmem:v3+s2+$0x0], $0xffff  }
0x8e: {  	v56 =	vmul.f32 v56, v2;
	v57 =	vadd.f32 v58, v57  }
0x8f: {  	v4 =	vld.idx.msk [tilespmem:v4+s2+$0x0], $0xffff  }
0x90: {  	v6 =	vmul.f32 v6, v61;
	v58 =	vadd.s32 $0x1000, v5;
	v56 =	vadd.f32 v56, v57  }
0x91: {  	v57 =	vld.idx.msk [tilespmem:v59+s2+$0x0], $0xffff  }
0x92: {  	v3 =	vmul.f32 v3, v62;
	v60 =	vld [tilespmem:s26+$0x1000];
	v59 =	vadd.s32 $0x2000, v5;
	v6 =	vadd.f32 v6, v56  }
0x93: {  	v56 =	vld.idx.msk [tilespmem:v5+s2+$0x0], $0xffff  }
0x94: {  	v4 =	vmul.f32 v4, v63;
	v5 =	vadd.s32 $0x3000, v5;
	v3 =	vadd.f32 v3, v6  }
0x95: {  	v6 =	vld.idx.msk [tilespmem:v58+s2+$0x0], $0xffff  }
0x96: {  	v3 =	vadd.f32 v4, v3;
	v4 =	vmul.f32 v57, v2  }
0x97: {  	v57 =	vld.idx.msk [tilespmem:v59+s2+$0x0], $0xffff  }
0x98: {  	s31 =	simm.s32 $0x0;
	v58 =	vadd.s32 $0x1000, v60;
	v3 =	vadd.f32 v4, v3;
	v4 =	vmul.f32 v56, v61  }
0x99: {  	s1 =	sand.u32 $0xFF0, s31;
	v5 =	vld.idx.msk [tilespmem:v5+s2+$0x0], $0xffff  }
0x9a: {  	v59 =	vld [tilespmem:s1+$0xD000];
	v56 =	vadd.s32 $0x2000, v60;
	v3 =	vadd.f32 v4, v3;
	v4 =	vmul.f32 v6, v62  }
0x9b: {  	v6 =	vld.idx.msk [tilespmem:v60+s2+$0x0], $0xffff  }
0x9c: {  	v60 =	vadd.s32 $0x3000, v60;
	v3 =	vadd.f32 v4, v3;
	v4 =	vmul.f32 v57, v63  }
0x9d: {  	v57 =	vld.idx.msk [tilespmem:v58+s2+$0x0], $0xffff  }
0x9e: {  	v3 =	vadd.f32 v4, v3;
	v4 =	vmul.f32 v5, v2  }
0x9f: {  	v5 =	vld.idx.msk [tilespmem:v56+s2+$0x0], $0xffff  }
0xa0: {  	v56 =	vadd.s32 $0x1000, v59;
	v3 =	vadd.f32 v4, v3;
	v4 =	vmul.f32 v6, v61  }
0xa1: {  	v6 =	vld.idx.msk [tilespmem:v60+s2+$0x0], $0xffff  }
0xa2: {  	v58 =	vadd.s32 $0x2000, v59;
	v3 =	vadd.f32 v4, v3;
	v4 =	vmul.f32 v57, v62  }
0xa3: {  	v60 =	vld.idx.msk [tilespmem:v59+s2+$0x0], $0xffff  }
0xa4: {  	v59 =	vadd.s32 $0x3000, v59;
	v3 =	vadd.f32 v4, v3;
	v4 =	vmul.f32 v5, v63  }
0xa5: {  	v5 =	vld.idx.msk [tilespmem:v56+s2+$0x0], $0xffff  }
0xa6: {  	v3 =	vadd.f32 v4, v3;
	v4 =	vmul.f32 v6, v2  }
0xa7: {  	v6 =	vld.idx.msk [tilespmem:v58+s2+$0x0], $0xffff  }
0xa8: {  	v3 =	vadd.f32 v4, v3;
	v4 =	vmul.f32 v60, v61  }
0xa9: {  	v61 =	vld.idx.msk [tilespmem:v59+s2+$0x0], $0xffff  }
0xaa: {  	v3 =	vadd.f32 v4, v3;
	v4 =	vmul.f32 v5, v62;
	_ =	sdelay $0x1  }
0xab: {  	v3 =	vadd.f32 v4, v3;
	v4 =	vmul.f32 v6, v63;
	_ =	sdelay $0x1  }
0xac: {  	v2 =	vmul.f32 v61, v2;
	v3 =	vadd.f32 v4, v3;
	_ =	sdelay $0x1  }
0xad: {  	v2 =	vadd.f32 v2, v3  }
0xae: {  	s26 =	simm.s32 $0xE000  }
0xaf: {  	s29 =	simm.s32 $0xB010;
	[tilespmem:s26+$0x0] =	vst v2  }
0xb0: {  	s30 =	simm.s32 $0x20;
	s28 =	simm.s32 $0x10;
	v56 =	vld [tilespmem:s29+$0xFFFFE000]  }
.LBB2_4:
0xb1: {  	p0 =	sne.s32 s30, $0xFF0;
	_ =	sdelay $0x3  }
0xb2: {  	s25 =	sadd.s32 $0x10, s25;
	v2 =	vadd.s32 $0x1000, v56  }
0xb3: {  	v3 =	vld [tilespmem:s25+$0x1000]  }
0xb4: {  	v4 =	vadd.s32 $0x2000, v56;
	v5 =	vld [tilespmem:s29+$0xFFFFF000]  }
0xb5: {  	v6 =	vld.idx.msk [tilespmem:v56+s2+$0x0], $0xffff  }
0xb6: {  	v56 =	vadd.s32 $0x3000, v56;
	v57 =	vld [tilespmem:s25+$0xFFFFE000]  }
0xb7: {  	v2 =	vld.idx.msk [tilespmem:v2+s2+$0x0], $0xffff  }
0xb8: {  	v58 =	vld [tilespmem:s25+$0xFFFFF000]  }
0xb9: {  	v4 =	vld.idx.msk [tilespmem:v4+s2+$0x0], $0xffff  }
0xba: {  	v60 =	vadd.s32 $0x1000, v5;
	v59 =	vld [tilespmem:s25+$0x0]  }
0xbb: {  	v6 =	vmul.f32 v6, v57;
	v56 =	vld.idx.msk [tilespmem:v56+s2+$0x0], $0xffff  }
0xbc: {  	v61 =	vadd.s32 $0x2000, v5;
	v62 =	vld [tilespmem:s29+$0x0]  }
0xbd: {  	v6 =	vadd.f32 $0.0e+00, v6;
	v2 =	vmul.f32 v2, v58;
	v63 =	vld.idx.msk [tilespmem:v5+s2+$0x0], $0xffff  }
0xbe: {  	v5 =	vadd.s32 $0x3000, v5  }
0xbf: {  	v2 =	vadd.f32 v2, v6;
	v4 =	vmul.f32 v4, v59;
	v6 =	vld.idx.msk [tilespmem:v60+s2+$0x0], $0xffff;
	_ =	sdelay $0x1  }
0xc0: {  	v2 =	vadd.f32 v4, v2;
	v4 =	vmul.f32 v56, v3;
	v56 =	vld.idx.msk [tilespmem:v61+s2+$0x0], $0xffff  }
0xc1: {  	v60 =	vadd.s32 $0x1000, v62  }
0xc2: {  	v2 =	vadd.f32 v4, v2;
	v4 =	vmul.f32 v63, v57;
	v5 =	vld.idx.msk [tilespmem:v5+s2+$0x0], $0xffff  }
0xc3: {  	v61 =	vadd.s32 $0x2000, v62;
	v63 =	vld [tilespmem:s29+$0x1000]  }
0xc4: {  	v2 =	vadd.f32 v4, v2;
	v4 =	vmul.f32 v6, v58;
	v6 =	vld.idx.msk [tilespmem:v62+s2+$0x0], $0xffff  }
0xc5: {  	v62 =	vadd.s32 $0x3000, v62  }
0xc6: {  	v2 =	vadd.f32 v4, v2;
	v4 =	vmul.f32 v56, v59;
	v56 =	vld.idx.msk [tilespmem:v60+s2+$0x0], $0xffff;
	_ =	sdelay $0x1  }
0xc7: {  	v2 =	vadd.f32 v4, v2;
	v4 =	vmul.f32 v5, v3;
	v5 =	vld.idx.msk [tilespmem:v61+s2+$0x0], $0xffff  }
0xc8: {  	v60 =	vadd.s32 $0x1000, v63  }
0xc9: {  	s1 =	sand.u32 $0xFF0, s28;
	s28 =	smov.u32 s30;
	v2 =	vadd.f32 v4, v2;
	v4 =	vmul.f32 v6, v57;
	v6 =	vld.idx.msk [tilespmem:v62+s2+$0x0], $0xffff  }
0xca: {  	v61 =	vadd.s32 $0x2000, v63;
	v62 =	vld [tilespmem:s1+$0xD000]  }
0xcb: {  	v2 =	vadd.f32 v4, v2;
	v4 =	vmul.f32 v56, v58;
	v56 =	vld.idx.msk [tilespmem:v63+s2+$0x0], $0xffff  }
0xcc: {  	v63 =	vadd.s32 $0x3000, v63  }
0xcd: {  	v2 =	vadd.f32 v4, v2;
	v4 =	vmul.f32 v5, v59;
	v5 =	vld.idx.msk [tilespmem:v60+s2+$0x0], $0xffff;
	_ =	sdelay $0x1  }
0xce: {  	v2 =	vadd.f32 v4, v2;
	v4 =	vmul.f32 v6, v3;
	v6 =	vld.idx.msk [tilespmem:v61+s2+$0x0], $0xffff  }
0xcf: {  	v60 =	vadd.s32 $0x1000, v62  }
0xd0: {  	v2 =	vadd.f32 v4, v2;
	v4 =	vmul.f32 v56, v57;
	v56 =	vld.idx.msk [tilespmem:v63+s2+$0x0], $0xffff  }
0xd1: {  	v61 =	vadd.s32 $0x2000, v62  }
0xd2: {  	v2 =	vadd.f32 v4, v2;
	v4 =	vmul.f32 v5, v58;
	v5 =	vld.idx.msk [tilespmem:v62+s2+$0x0], $0xffff  }
0xd3: {  	v62 =	vadd.s32 $0x3000, v62  }
0xd4: {  	v2 =	vadd.f32 v4, v2;
	v4 =	vmul.f32 v6, v59;
	v6 =	vld.idx.msk [tilespmem:v60+s2+$0x0], $0xffff;
	_ =	sdelay $0x1  }
0xd5: {  	v2 =	vadd.f32 v4, v2;
	v4 =	vmul.f32 v56, v3;
	v56 =	vld.idx.msk [tilespmem:v61+s2+$0x0], $0xffff;
	_ =	sdelay $0x1  }
0xd6: {  	v2 =	vadd.f32 v4, v2;
	v4 =	vmul.f32 v5, v57;
	v5 =	vld.idx.msk [tilespmem:v62+s2+$0x0], $0xffff;
	_ =	sdelay $0x1  }
0xd7: {  	v2 =	vadd.f32 v4, v2;
	v4 =	vmul.f32 v6, v58;
	_ =	sdelay $0x1  }
0xd8: {  	v2 =	vadd.f32 v4, v2;
	v4 =	vmul.f32 v56, v59;
	_ =	sdelay $0x1  }
0xd9: {  	v3 =	vmul.f32 v5, v3;
	v2 =	vadd.f32 v4, v2  }
.Ltmp1:
0xda: {  	(pc) =	sbr.rel @p0 .LBB2_4-.Ltmp1, $4  }
0xdb: {  	v2 =	vadd.f32 v3, v2  }
0xdc: {  	s26 =	sadd.s32 $0x10, s26  }
0xdd: {  	s29 =	sadd.s32 $0x10, s29;
	[tilespmem:s26+$0x0] =	vst v2  }
0xde: {  	s30 =	sadd.s32 $0x10, s30;
	v56 =	vld [tilespmem:s29+$0xFFFFE000]  }
0xdf: {  	_ =	sdelay $0x4  }
0xe0: {  	v2 =	vadd.s32 $0x1000, v56  }
0xe1: {  	v4 =	vld [tilespmem:s29+$0xFFFFF000];
	s1 =	sadd.s32 $0x10, s25  }
0xe2: {  	v6 =	vld [tilespmem:s1+$0xFFFFE000];
	v3 =	vadd.s32 $0x2000, v56  }
0xe3: {  	v5 =	vld.idx.msk [tilespmem:v56+s2+$0x0], $0xffff  }
0xe4: {  	v57 =	vld [tilespmem:s1+$0xFFFFF000];
	v56 =	vadd.s32 $0x3000, v56  }
0xe5: {  	v2 =	vld.idx.msk [tilespmem:v2+s2+$0x0], $0xffff  }
0xe6: {  	v58 =	vld [tilespmem:s1+$0x0]  }
0xe7: {  	v3 =	vld.idx.msk [tilespmem:v3+s2+$0x0], $0xffff  }
0xe8: {  	v59 =	vld [tilespmem:s1+$0x1000];
	v60 =	vadd.s32 $0x1000, v4;
	v5 =	vmul.f32 v5, v6  }
0xe9: {  	v56 =	vld.idx.msk [tilespmem:v56+s2+$0x0], $0xffff  }
0xea: {  	v62 =	vld [tilespmem:s29+$0x0];
	v61 =	vadd.s32 $0x2000, v4;
	v5 =	vadd.f32 $0.0e+00, v5;
	v2 =	vmul.f32 v2, v57  }
0xeb: {  	v63 =	vld.idx.msk [tilespmem:v4+s2+$0x0], $0xffff  }
0xec: {  	v4 =	vadd.s32 $0x3000, v4;
	v3 =	vmul.f32 v3, v58;
	v2 =	vadd.f32 v2, v5  }
0xed: {  	v5 =	vld.idx.msk [tilespmem:v60+s2+$0x0], $0xffff  }
0xee: {  	v2 =	vadd.f32 v3, v2;
	v3 =	vmul.f32 v56, v59  }
0xef: {  	v56 =	vld.idx.msk [tilespmem:v61+s2+$0x0], $0xffff  }
0xf0: {  	v60 =	vadd.s32 $0x1000, v62;
	v2 =	vadd.f32 v3, v2;
	v3 =	vmul.f32 v63, v6  }
0xf1: {  	v4 =	vld.idx.msk [tilespmem:v4+s2+$0x0], $0xffff  }
0xf2: {  	v61 =	vadd.s32 $0x2000, v62;
	v63 =	vld [tilespmem:s29+$0x1000];
	v2 =	vadd.f32 v3, v2;
	v3 =	vmul.f32 v5, v57  }
0xf3: {  	v5 =	vld.idx.msk [tilespmem:v62+s2+$0x0], $0xffff  }
0xf4: {  	v62 =	vadd.s32 $0x3000, v62;
	v2 =	vadd.f32 v3, v2;
	v3 =	vmul.f32 v56, v58  }
0xf5: {  	v56 =	vld.idx.msk [tilespmem:v60+s2+$0x0], $0xffff  }
0xf6: {  	v2 =	vadd.f32 v3, v2;
	v3 =	vmul.f32 v4, v59  }
0xf7: {  	v4 =	vld.idx.msk [tilespmem:v61+s2+$0x0], $0xffff  }
0xf8: {  	v60 =	vadd.s32 $0x1000, v63;
	v2 =	vadd.f32 v3, v2;
	v3 =	vmul.f32 v5, v6  }
0xf9: {  	s30 =	sand.u32 $0xFF0, s28;
	v5 =	vld.idx.msk [tilespmem:v62+s2+$0x0], $0xffff  }
0xfa: {  	v61 =	vadd.s32 $0x2000, v63;
	v62 =	vld [tilespmem:s30+$0xD000];
	v2 =	vadd.f32 v3, v2;
	v3 =	vmul.f32 v56, v57  }
0xfb: {  	v56 =	vld.idx.msk [tilespmem:v63+s2+$0x0], $0xffff  }
0xfc: {  	v4 =	vmul.f32 v4, v58;
	v2 =	vadd.f32 v3, v2;
	v3 =	vadd.s32 $0x3000, v63  }
0xfd: {  	v60 =	vld.idx.msk [tilespmem:v60+s2+$0x0], $0xffff  }
0xfe: {  	v2 =	vadd.f32 v4, v2;
	v4 =	vmul.f32 v5, v59  }
0xff: {  	v5 =	vld.idx.msk [tilespmem:v61+s2+$0x0], $0xffff  }
0x100: {  	v61 =	vadd.s32 $0x1000, v62;
	v2 =	vadd.f32 v4, v2;
	v4 =	vmul.f32 v56, v6  }
0x101: {  	v3 =	vld.idx.msk [tilespmem:v3+s2+$0x0], $0xffff  }
0x102: {  	v56 =	vadd.s32 $0x2000, v62;
	v2 =	vadd.f32 v4, v2;
	v4 =	vmul.f32 v60, v57  }
0x103: {  	v60 =	vld.idx.msk [tilespmem:v62+s2+$0x0], $0xffff  }
0x104: {  	v5 =	vmul.f32 v5, v58;
	v2 =	vadd.f32 v4, v2;
	v4 =	vadd.s32 $0x3000, v62  }
0x105: {  	v61 =	vld.idx.msk [tilespmem:v61+s2+$0x0], $0xffff  }
0x106: {  	v2 =	vadd.f32 v5, v2;
	v3 =	vmul.f32 v3, v59  }
0x107: {  	v5 =	vld.idx.msk [tilespmem:v56+s2+$0x0], $0xffff  }
0x108: {  	v2 =	vadd.f32 v3, v2;
	v3 =	vmul.f32 v60, v6  }
0x109: {  	v4 =	vld.idx.msk [tilespmem:v4+s2+$0x0], $0xffff  }
0x10a: {  	v2 =	vadd.f32 v3, v2;
	v3 =	vmul.f32 v61, v57;
	_ =	sdelay $0x1  }
0x10b: {  	v2 =	vadd.f32 v3, v2;
	v3 =	vmul.f32 v5, v58;
	_ =	sdelay $0x1  }
0x10c: {  	v2 =	vadd.f32 v3, v2;
	v3 =	vmul.f32 v4, v59;
	_ =	sdelay $0x1  }
0x10d: {  	v2 =	vadd.f32 v3, v2  }
0x10e: {  	s31 =	sadd.s32 $0x10, s26  }
0x10f: {  	[tilespmem:s31+$0x0] =	vst v2  }
0x110: {  	v2 =	vld [tilespmem:$0x12010];
	_ =	sdelay $0x6  }
0x111: {  	v5 =	vimm.f32 $3.100000000e+01;
	v3 =	vld [tilespmem:$0x12000]  }
0x112: {  	v4 =	vld [tilespmem:$0x12020];
	[tilespmem:v2+s21+$0x0] =	vst.idx.msk vm0, v5;
	v5 =	vimm.f32 $3.000000000e+01  }
0x113: {  	[tilespmem:v2+s21+$0x0] =	vst.idx.msk vm1, v5;
	v5 =	vimm.f32 $2.900000000e+01  }
0x114: {  	[tilespmem:v2+s21+$0x0] =	vst.idx.msk vm2, v5;
	v5 =	vimm.f32 $2.800000000e+01  }
0x115: {  	[tilespmem:v2+s21+$0x0] =	vst.idx.msk vm3, v5;
	v5 =	vimm.f32 $2.700000000e+01  }
0x116: {  	[tilespmem:v2+s21+$0x0] =	vst.idx.msk vm4, v5  }
0x117: {  	[tilespmem:v2+s21+$0x0] =	vst.idx.msk vm5, v7  }
0x118: {  	[tilespmem:v2+s21+$0x0] =	vst.idx.msk vm6, v8  }
0x119: {  	[tilespmem:v2+s21+$0x0] =	vst.idx.msk vm7, v9  }
0x11a: {  	[tilespmem:v2+s21+$0x0] =	vst.idx.msk vm8, v10  }
0x11b: {  	[tilespmem:v2+s21+$0x0] =	vst.idx.msk vm9, v11  }
0x11c: {  	[tilespmem:v2+s21+$0x0] =	vst.idx.msk vm10, v12  }
0x11d: {  	[tilespmem:v2+s21+$0x0] =	vst.idx.msk vm11, v13  }
0x11e: {  	[tilespmem:v2+s21+$0x0] =	vst.idx.msk vm12, v14  }
0x11f: {  	[tilespmem:v2+s21+$0x0] =	vst.idx.msk vm13, v15  }
0x120: {  	[tilespmem:v2+s21+$0x0] =	vst.idx.msk vm14, v16  }
0x121: {  	[tilespmem:v2+s21+$0x0] =	vst.idx.msk $0x1, v17  }
0x122: {  	[tilespmem:v3+s21+$0x0] =	vst.idx.msk vm0, v18  }
0x123: {  	[tilespmem:v3+s21+$0x0] =	vst.idx.msk vm1, v19  }
0x124: {  	[tilespmem:v3+s21+$0x0] =	vst.idx.msk vm2, v20  }
0x125: {  	[tilespmem:v3+s21+$0x0] =	vst.idx.msk vm3, v21  }
0x126: {  	[tilespmem:v3+s21+$0x0] =	vst.idx.msk vm4, v22  }
0x127: {  	[tilespmem:v3+s21+$0x0] =	vst.idx.msk vm5, v23  }
0x128: {  	[tilespmem:v3+s21+$0x0] =	vst.idx.msk vm6, v24  }
0x129: {  	[tilespmem:v3+s21+$0x0] =	vst.idx.msk vm7, v25  }
0x12a: {  	[tilespmem:v3+s21+$0x0] =	vst.idx.msk vm8, v26  }
0x12b: {  	[tilespmem:v3+s21+$0x0] =	vst.idx.msk vm9, v27  }
0x12c: {  	[tilespmem:v3+s21+$0x0] =	vst.idx.msk vm10, v28  }
0x12d: {  	[tilespmem:v3+s21+$0x0] =	vst.idx.msk vm11, v29  }
0x12e: {  	v5 =	vadd.s32 $0x1000, v3;
	[tilespmem:v3+s21+$0x0] =	vst.idx.msk vm12, v30  }
0x12f: {  	v6 =	vadd.s32 $0x2000, v3;
	[tilespmem:v3+s21+$0x0] =	vst.idx.msk vm13, v32  }
0x130: {  	v62 =	vadd.s32 $0x3000, v3;
	[tilespmem:v3+s21+$0x0] =	vst.idx.msk vm14, v33  }
0x131: {  	[tilespmem:v3+s21+$0x0] =	vst.idx.msk $0x1, v34  }
0x132: {  	v57 =	vld.idx.msk [tilespmem:v3+s2+$0x0], $0xffff  }
0x133: {  	v58 =	vld.idx.msk [tilespmem:v5+s2+$0x0], $0xffff  }
0x134: {  	v6 =	vld.idx.msk [tilespmem:v6+s2+$0x0], $0xffff  }
0x135: {  	v56 =	vld.idx.msk [tilespmem:v62+s2+$0x0], $0xffff  }
0x136: {  	v59 =	vld.idx.msk [tilespmem:v3+s17+$0x0], $0xffff  }
0x137: {  	v5 =	vld.idx.msk [tilespmem:v5+s17+$0x0], $0xffff  }
0x138: {  	v60 =	vld.idx.msk [tilespmem:v3+s19+$0x0], $0xffff  }
0x139: {  	v3 =	vld.idx.msk [tilespmem:v3+s22+$0x0], $0xffff;
	[tilespmem:v31+s23+$0x0] =	vst.idx.msk $0xffff, v57  }
0x13a: {  	[tilespmem:v35+s23+$0x0] =	vst.idx.msk $0xffff, v58  }
0x13b: {  	[tilespmem:v36+s23+$0x0] =	vst.idx.msk $0xffff, v6  }
0x13c: {  	[tilespmem:v37+s23+$0x0] =	vst.idx.msk $0xffff, v56  }
0x13d: {  	v6 =	vadd.s32 $0x1000, v2;
	[tilespmem:v38+s23+$0x0] =	vst.idx.msk $0xffff, v59  }
0x13e: {  	v63 =	vadd.s32 $0x3000, v2;
	[tilespmem:v39+s23+$0x0] =	vst.idx.msk $0xffff, v5  }
0x13f: {  	[tilespmem:v40+s23+$0x0] =	vst.idx.msk $0xffff, v60  }
0x140: {  	v5 =	vadd.s32 $0x2000, v2;
	[tilespmem:v41+s23+$0x0] =	vst.idx.msk $0xffff, v3  }
0x141: {  	v3 =	vld.idx.msk [tilespmem:v2+s2+$0x0], $0xffff  }
0x142: {  	v57 =	vld.idx.msk [tilespmem:v6+s2+$0x0], $0xffff  }
0x143: {  	v56 =	vld.idx.msk [tilespmem:v63+s2+$0x0], $0xffff  }
0x144: {  	v58 =	vld.idx.msk [tilespmem:v2+s17+$0x0], $0xffff  }
0x145: {  	v5 =	vld.idx.msk [tilespmem:v5+s2+$0x0], $0xffff  }
0x146: {  	v6 =	vld.idx.msk [tilespmem:v6+s17+$0x0], $0xffff  }
0x147: {  	v59 =	vld.idx.msk [tilespmem:v2+s19+$0x0], $0xffff  }
0x148: {  	v2 =	vld.idx.msk [tilespmem:v2+s22+$0x0], $0xffff;
	[tilespmem:v42+s23+$0x0] =	vst.idx.msk $0xffff, v3  }
0x149: {  	[tilespmem:v43+s23+$0x0] =	vst.idx.msk $0xffff, v57  }
0x14a: {  	[tilespmem:v44+s23+$0x0] =	vst.idx.msk $0xffff, v5  }
0x14b: {  	[tilespmem:v45+s23+$0x0] =	vst.idx.msk $0xffff, v56  }
0x14c: {  	v3 =	vadd.s32 $0x1000, v4;
	[tilespmem:v46+s23+$0x0] =	vst.idx.msk $0xffff, v58  }
0x14d: {  	v5 =	vadd.s32 $0x2000, v4;
	[tilespmem:v47+s23+$0x0] =	vst.idx.msk $0xffff, v6  }
0x14e: {  	[tilespmem:v48+s23+$0x0] =	vst.idx.msk $0xffff, v59  }
0x14f: {  	[tilespmem:v49+s23+$0x0] =	vst.idx.msk $0xffff, v2  }
0x150: {  	v6 =	vadd.s32 $0x3000, v4;
	v2 =	vld.idx.msk [tilespmem:v4+s2+$0x0], $0xffff  }
0x151: {  	v56 =	vld.idx.msk [tilespmem:v3+s2+$0x0], $0xffff  }
0x152: {  	v5 =	vld.idx.msk [tilespmem:v5+s2+$0x0], $0xffff  }
0x153: {  	v57 =	vld.idx.msk [tilespmem:v4+s17+$0x0], $0xffff  }
0x154: {  	v3 =	vld.idx.msk [tilespmem:v3+s17+$0x0], $0xffff  }
0x155: {  	v6 =	vld.idx.msk [tilespmem:v6+s2+$0x0], $0xffff  }
0x156: {  	v58 =	vld.idx.msk [tilespmem:v4+s19+$0x0], $0xffff  }
0x157: {  	v4 =	vld.idx.msk [tilespmem:v4+s22+$0x0], $0xffff;
	[tilespmem:v50+s23+$0x0] =	vst.idx.msk $0xffff, v2  }
0x158: {  	v2 =	vor.u32 $0x106, v31;
	[tilespmem:v51+s23+$0x0] =	vst.idx.msk $0xffff, v56  }
0x159: {  	[tilespmem:v52+s23+$0x0] =	vst.idx.msk $0xffff, v5;
	v5 =	vor.u32 $0x107, v31  }
0x15a: {  	[tilespmem:v53+s23+$0x0] =	vst.idx.msk $0xffff, v6  }
0x15b: {  	[tilespmem:v54+s23+$0x0] =	vst.idx.msk $0xffff, v57  }
0x15c: {  	[tilespmem:v55+s23+$0x0] =	vst.idx.msk $0xffff, v3  }
0x15d: {  	[tilespmem:v2+s23+$0x0] =	vst.idx.msk $0xffff, v58  }
0x15e: {  	[tilespmem:v5+s23+$0x0] =	vst.idx.msk $0xffff, v4  }
0x15f: {  	[hbm4b:s8+s12] =	stream.strided.scatter [tilespmem:s22], [sflag:$0x3], $0x1000, s13, s12, $0x38;
	[tilespmem:$0x13200] =	vst v63  }
0x160: {  	_ =	swait.ge [sflag:s18], $0x1000  }
0x161: {  	[sflag:s18] =	ssyncset.done $0x0  }
0x162: {  	[sflag:s18] =	ssyncadd.s32 $0xFFFFF000  }
0x163: {  	[hbm4b:s9+s12] =	stream.strided.scatter [tilespmem:s21], [sflag:$0x3], $0x1000, s13, s12, $0x38;
	[tilespmem:$0x13200] =	vst v63  }
0x164: {  	s24 =	sadd.s32 $0x1, s24;
	_ =	swait.ge [sflag:s18], $0x1000  }
0x165: {  	p0 =	sne.s32 s24, s11;
	[sflag:s18] =	ssyncset.done $0x0  }
.Ltmp2:
0x166: {  	[sflag:s18] =	ssyncadd.s32 $0xFFFFF000;
	(pc) =	sbr.rel @p0 .LBB2_1-.Ltmp2, $4  }
0x167: {  	[hbm4b:s10+s12] =	stream.strided.scatter [tilespmem:s23], [sflag:$0x3], $0x180, s13, s12, $0x38;
	[tilespmem:$0x13200] =	vst v63  }
0x168: {  	_ =	swait.ge [sflag:s18], $0x180  }
0x169: {  	[sflag:s18] =	ssyncset.done $0x0  }
0x16a: {  	[sflag:s18] =	ssyncadd.s32 $0xFFFFFE80  }
0x16b: {  	_ =	sfence.sel $0x180000  }
0x16c: {  	[bflag:$0x0] =	sbarrier.arrive $0xFFFF  }
0x16d: {  	_ =	strace $0x90000047  }
0x16e: {  	[bflag:$0x2] =	sbarrier.arrive $0xFFFF  }
0x16f: {  	p0 =	sne.s32 s0, $0x0;
	s0 =	rddreg [dreg:$0x1]  }
0x170: {  	s0 =	sadd.s32 @!p0 $0x100000, s0  }
0x171: {  	[sflag:s0] =	ssyncadd.tile.s32 @!p0 $0x1;
	_ =	shalt  }
.Lfunc_end2:
_tile_overlayer_lowered:
.L_overlay_start_2:
0x172: {  	(tag) =	ssettag $0x2  }
0x173: {  	s0 =	rddreg [dreg:$0x0];
	s2 =	stileid.u32  }
0x174: {  	s1 =	rddreg [dreg:$0x1];
	p0 =	sne.s32 s2, $0x0  }
0x175: {  	s3 =	rddreg [dreg:$0x2];
	[bflag:$0x3] =	sbarrier.arrive $0xFFFF;
	s2 =	simm.s32 @!p0 $0x1C03  }
0x176: {  	[timem:s3], [sflag:s2] =	dma.local @!p0 [hbm:s0], s1  }
0x177: {  	s0 =	simm.s32 @!p0 $0x3  }
0x178: {  	_ =	swait.ge @!p0 [sflag:s0], s1  }
0x179: {  	s1 =	ssub.s32 @!p0 $0x0, s1;
	[sflag:s0] =	ssyncset.done @!p0 $0x0  }
0x17a: {  	[sflag:s0] =	ssyncadd.s32 @!p0 s1  }
0x17b: {  	[bflag:$0x3] =	sbarrier.arrive $0xFFFF  }
0x17c: {  	_ =	shalt  }

</sc_bundles>
